<compile_context>
chip_gen: v7x
topology: tpu7x:2x2x1
jax: 0.10.2.dev20260603
libtpu: 0.0.44.dev20260713+nightly
codegen_flags: <defaults>
</compile_context>

<pallas_src>
import functools

import jax
import jax.numpy as jnp
from jax import lax
from jax.experimental import pallas as pl
from jax.experimental.pallas import tpu as pltpu
from jax.experimental.pallas import tpu_sc as plsc

_NC = 2
_NS = 16
_LANES = 16
_NW = _NC * _NS

_N = 100000
_CHUNK = 3136
_CHUNK_LAST = _N - 31 * _CHUNK
_N_SP = 119
_TBL_PAD = 128


@functools.partial(
    pl.kernel,
    out_type=(jax.ShapeDtypeStruct((_N,), jnp.int32),
              jax.ShapeDtypeStruct((_N,), jnp.int32)),
    mesh=plsc.VectorSubcoreMesh(core_axis_name="c", subcore_axis_name="s"),
    scratch_types=[
        pltpu.VMEM((_CHUNK,), jnp.int32),
        pltpu.VMEM((_TBL_PAD,), jnp.int32),
        pltpu.VMEM((_TBL_PAD,), jnp.int32),
        pltpu.VMEM((_CHUNK,), jnp.int32),
        pltpu.SemaphoreType.DMA,
    ],
    compiler_params=pltpu.CompilerParams(
        needs_layout_passes=False, skip_device_barrier=True),
    cost_estimate=pl.CostEstimate(
        flops=12_000_000, transcendentals=0, bytes_accessed=24_000_000),
)
def _species_lookup(an_hbm, tbl_hbm, out_hbm, anout_hbm,
                    an_v, tbl_v, inv_v, out_v, sem):
    wid = lax.axis_index("s") * _NC + lax.axis_index("c")
    base = wid * _CHUNK
    last = wid == _NW - 1

    @pl.when(~last)
    def _():
        pltpu.make_async_copy(
            an_hbm.at[pl.ds(base, _CHUNK)], an_v, sem).start()

    @pl.when(last)
    def _():
        pltpu.make_async_copy(
            an_hbm.at[pl.ds(base, _CHUNK_LAST)],
            an_v.at[pl.ds(0, _CHUNK_LAST)], sem).start()

    pltpu.sync_copy(tbl_hbm, tbl_v.at[pl.ds(0, _N_SP)])
    for j in range(_TBL_PAD // _LANES):
        vals = tbl_v[pl.ds(j * _LANES, _LANES)]
        ids = lax.iota(jnp.int32, _LANES) + j * _LANES
        mask = None
        if (j + 1) * _LANES > _N_SP:
            mask = ids < _N_SP
        plsc.store_scatter(inv_v, [vals], ids, mask=mask)

    @pl.when(~last)
    def _():
        pltpu.make_async_copy(
            an_hbm.at[pl.ds(base, _CHUNK)], an_v, sem).wait()

    @pl.when(last)
    def _():
        pltpu.make_async_copy(
            an_hbm.at[pl.ds(base, _CHUNK_LAST)],
            an_v.at[pl.ds(0, _CHUNK_LAST)], sem).wait()

    for i in range(_CHUNK // _LANES):
        a = an_v[pl.ds(i * _LANES, _LANES)]
        a = jnp.minimum(jnp.maximum(a, 0), _TBL_PAD - 1)
        out_v[pl.ds(i * _LANES, _LANES)] = plsc.load_gather(inv_v, [a])

    @pl.when(~last)
    def _():
        pltpu.sync_copy(out_v, out_hbm.at[pl.ds(base, _CHUNK)])
        pltpu.sync_copy(an_v, anout_hbm.at[pl.ds(base, _CHUNK)])

    @pl.when(last)
    def _():
        pltpu.sync_copy(out_v.at[pl.ds(0, _CHUNK_LAST)],
                        out_hbm.at[pl.ds(base, _CHUNK_LAST)])
        pltpu.sync_copy(an_v.at[pl.ds(0, _CHUNK_LAST)],
                        anout_hbm.at[pl.ds(base, _CHUNK_LAST)])


_ROWS_BLK = 2000


def _copy_block(x_ref, o_ref):
    o_ref[...] = x_ref[...]


def _copy_x(x):
    return pl.pallas_call(
        _copy_block,
        grid=(x.shape[0] // _ROWS_BLK,),
        in_specs=[pl.BlockSpec((_ROWS_BLK, x.shape[1]), lambda i: (i, 0))],
        out_specs=pl.BlockSpec((_ROWS_BLK, x.shape[1]), lambda i: (i, 0)),
        out_shape=jax.ShapeDtypeStruct(x.shape, x.dtype),
    )(x)


def kernel(atomic_numbers, x, species_table):
    species, an_out = _species_lookup(atomic_numbers, species_table)
    return (species, _copy_x(x), an_out)

# --- scband reference (transcript-rebuilt; emitter-appended) ---
"""Pipeline reference for scband-species-transform-57543971832686 (READ-ONLY COPY).

The authoritative reference and input builder live on the scoring server;
editing this copy changes nothing except your own understanding.
"""

import jax, jax.numpy as jnp
import numpy as np

N_NODES = 100000
D_FEAT = 128
N_SPECIES = 119


def setup_inputs(seed: int = 0) -> dict:
    key = jax.random.key(seed)
    k1, k2 = jax.random.split(key)
    atomic_numbers = jax.random.randint(k1, (N_NODES,), 0, N_SPECIES, dtype=jnp.int32)
    x = jax.random.normal(k2, (N_NODES, D_FEAT), dtype=jnp.float32)
    species_table = jnp.asarray(np.arange(N_SPECIES), dtype=jnp.int32)
    return {"atomic_numbers": atomic_numbers, "x": x, "species_table": species_table}


def _vwhere(x, values):
    # For each element of x, find its index in `values` (position of match).
    # Equivalent to nn_utils.vwhere: vmapped argmax over equality mask.
    return jnp.argmax(x[:, None] == values[None, :], axis=-1).astype(jnp.int32)


def reference(atomic_numbers, x, species_table):
    # Faithful translation of SpeciesTransform.__call__:
    # nodes[out_field] = vwhere(nodes[field], self.atomic_numbers)
    # graph._replace(nodes=nodes) -> return the updated node dict contents:
    # (new species field, plus all pre-existing node fields passed through unchanged)
    species = _vwhere(atomic_numbers, species_table)
    return (species, x, atomic_numbers)

if __name__ == "__main__":
    import jax
    _d = setup_inputs()
    print(jax.jit(kernel)(*tuple(_d.values())))

</pallas_src>

<mosaic_0001>
#map = affine_map<(d0, d1) -> (0)>
module attributes {stable_mosaic.version = 14 : i64} {
  func.func @_species_lookup(%arg0: i32, %arg1: i32, %arg2: memref<100000xi32, #tpu.memory_space<hbm>>, %arg3: memref<119xi32, #tpu.memory_space<hbm>>, %arg4: memref<100000xi32, #tpu.memory_space<hbm>>, %arg5: memref<100000xi32, #tpu.memory_space<hbm>>, %arg6: memref<3136xi32, #tpu.memory_space<vmem>>, %arg7: memref<128xi32, #tpu.memory_space<vmem>>, %arg8: memref<128xi32, #tpu.memory_space<vmem>>, %arg9: memref<3136xi32, #tpu.memory_space<vmem>>, %arg10: memref<!tpu.dma_semaphore, #tpu.memory_space<semaphore_mem>>) attributes {dimension_semantics = [#tpu.dimension_semantics<core_parallel>, #tpu.dimension_semantics<subcore_parallel>], iteration_bounds = array<i64: 2, 16>, scalar_prefetch = 0 : i64, scratch_operands = 5 : i64, tpu.core_type = #tpu.core_type<sc_vector_subcore>, window_params = [{transform_indices = #map}, {transform_indices = #map}, {transform_indices = #map}, {transform_indices = #map}]} {
    %mul3A = arith.constant 2 : i32
    %mul3A_0 = arith.muli %arg1, %mul3A : i32
    %add3A = arith.addi %mul3A_0, %arg0 : i32
    %mul3A_1 = arith.constant 3136 : i32
    %mul3A_2 = arith.muli %add3A, %mul3A_1 : i32
    %eq3A = arith.constant 31 : i32
    %eq3A_3 = arith.cmpi eq, %add3A, %eq3A : i32
    %not3A = arith.constant true
    %not3A_4 = arith.xori %eq3A_3, %not3A : i1
    %convert_element_type3A = arith.extui %not3A_4 : i1 to i32
    %cond3A = arith.constant 0 : i32
    %cond3A_5 = arith.cmpi ne, %convert_element_type3A, %cond3A : i32
    scf.if %cond3A_5 {
      %dma_start3A = tpu.memref_slice %arg2[%mul3A_2] : memref<100000xi32, #tpu.memory_space<hbm>> -> memref<3136xi32, #tpu.memory_space<hbm>>
      %dma_start3A_2225 = tpu.memref_slice %arg2[%mul3A_2] : memref<100000xi32, #tpu.memory_space<hbm>> -> memref<3136xi32, #tpu.memory_space<hbm>>
      tpu.enqueue_dma source(%dma_start3A_2225 : memref<3136xi32, #tpu.memory_space<hbm>>) target(%arg6 : memref<3136xi32, #tpu.memory_space<vmem>>) target_semaphore(%arg10 : memref<!tpu.dma_semaphore, #tpu.memory_space<semaphore_mem>>)
    } else {
    }
    %convert_element_type3A_6 = arith.extui %eq3A_3 : i1 to i32
    %cond3A_7 = arith.constant 0 : i32
    %cond3A_8 = arith.cmpi ne, %convert_element_type3A_6, %cond3A_7 : i32
    scf.if %cond3A_8 {
      %dma_start3A = arith.constant 0 : i32
      %dma_start3A_2225 = tpu.memref_slice %arg6[%dma_start3A] : memref<3136xi32, #tpu.memory_space<vmem>> -> memref<2784xi32, #tpu.memory_space<vmem>>
      %dma_start3A_2226 = tpu.memref_slice %arg2[%mul3A_2] : memref<100000xi32, #tpu.memory_space<hbm>> -> memref<2784xi32, #tpu.memory_space<hbm>>
      %dma_start3A_2227 = arith.constant 0 : i32
      %dma_start3A_2228 = tpu.memref_slice %arg6[%dma_start3A_2227] : memref<3136xi32, #tpu.memory_space<vmem>> -> memref<2784xi32, #tpu.memory_space<vmem>>
      %dma_start3A_2229 = tpu.memref_slice %arg2[%mul3A_2] : memref<100000xi32, #tpu.memory_space<hbm>> -> memref<2784xi32, #tpu.memory_space<hbm>>
      tpu.enqueue_dma source(%dma_start3A_2229 : memref<2784xi32, #tpu.memory_space<hbm>>) target(%dma_start3A_2228 : memref<2784xi32, #tpu.memory_space<vmem>>) target_semaphore(%arg10 : memref<!tpu.dma_semaphore, #tpu.memory_space<semaphore_mem>>)
    } else {
    }
    "tpu.region"() ({
      %run_scoped3A = tpu.sem_alloc : memref<!tpu.dma_semaphore, #tpu.memory_space<semaphore_mem>>
      %dma_start3A = arith.constant 0 : i32
      %dma_start3A_2225 = tpu.memref_slice %arg7[%dma_start3A] : memref<128xi32, #tpu.memory_space<vmem>> -> memref<119xi32, #tpu.memory_space<vmem>>
      %dma_start3A_2226 = arith.constant 0 : i32
      %dma_start3A_2227 = tpu.memref_slice %arg7[%dma_start3A_2226] : memref<128xi32, #tpu.memory_space<vmem>> -> memref<119xi32, #tpu.memory_space<vmem>>
      tpu.enqueue_dma source(%arg3 : memref<119xi32, #tpu.memory_space<hbm>>) target(%dma_start3A_2227 : memref<119xi32, #tpu.memory_space<vmem>>) target_semaphore(%run_scoped3A : memref<!tpu.dma_semaphore, #tpu.memory_space<semaphore_mem>>)
      %dma_wait3A = arith.constant 0 : i32
      %dma_wait3A_2228 = tpu.memref_slice %arg7[%dma_wait3A] : memref<128xi32, #tpu.memory_space<vmem>> -> memref<119xi32, #tpu.memory_space<vmem>>
      %dma_wait3A_2229 = arith.constant 0 : i32
      %dma_wait3A_2230 = tpu.memref_slice %arg7[%dma_wait3A_2229] : memref<128xi32, #tpu.memory_space<vmem>> -> memref<119xi32, #tpu.memory_space<vmem>>
      tpu.wait_dma2 semaphore(%run_scoped3A : memref<!tpu.dma_semaphore, #tpu.memory_space<semaphore_mem>>) src(%arg3 : memref<119xi32, #tpu.memory_space<hbm>>) dst(%dma_wait3A_2230 : memref<119xi32, #tpu.memory_space<vmem>>)
      tpu.yield
    }) : () -> ()
    %get3A = arith.constant 0 : index
    %get3A_9 = tpu.vector_load %arg7[%get3A] {strides = array<i32>} : memref<128xi32, #tpu.memory_space<vmem>>, vector<16xi32>,
    %iota3A = tpu.iota {dimensions = array<i32: 0>} : vector<16xi32>
    %add3A_10 = arith.constant 0 : i32
    %add3A_11 = vector.broadcast %add3A_10 : i32 to vector<16xi32>
    %add3A_12 = arith.addi %iota3A, %add3A_11 : vector<16xi32>
    tpu.vector_store_idx %arg8[%get3A_9], %add3A_12 : memref<128xi32, #tpu.memory_space<vmem>>[vector<16xi32>], vector<16xi32>,
    %get3A_13 = arith.constant 16 : index
    %get3A_14 = tpu.vector_load %arg7[%get3A_13] {strides = array<i32>} : memref<128xi32, #tpu.memory_space<vmem>>, vector<16xi32>,
    %iota3A_15 = tpu.iota {dimensions = array<i32: 0>} : vector<16xi32>
    %add3A_16 = arith.constant 16 : i32
    %add3A_17 = vector.broadcast %add3A_16 : i32 to vector<16xi32>
    %add3A_18 = arith.addi %iota3A_15, %add3A_17 : vector<16xi32>
    tpu.vector_store_idx %arg8[%get3A_14], %add3A_18 : memref<128xi32, #tpu.memory_space<vmem>>[vector<16xi32>], vector<16xi32>,
    %get3A_19 = arith.constant 32 : index
    %get3A_20 = tpu.vector_load %arg7[%get3A_19] {strides = array<i32>} : memref<128xi32, #tpu.memory_space<vmem>>, vector<16xi32>,
    %iota3A_21 = tpu.iota {dimensions = array<i32: 0>} : vector<16xi32>
    %add3A_22 = arith.constant 32 : i32
    %add3A_23 = vector.broadcast %add3A_22 : i32 to vector<16xi32>
    %add3A_24 = arith.addi %iota3A_21, %add3A_23 : vector<16xi32>
    tpu.vector_store_idx %arg8[%get3A_20], %add3A_24 : memref<128xi32, #tpu.memory_space<vmem>>[vector<16xi32>], vector<16xi32>,
    %get3A_25 = arith.constant 48 : index
    %get3A_26 = tpu.vector_load %arg7[%get3A_25] {strides = array<i32>} : memref<128xi32, #tpu.memory_space<vmem>>, vector<16xi32>,
    %iota3A_27 = tpu.iota {dimensions = array<i32: 0>} : vector<16xi32>
    %add3A_28 = arith.constant 48 : i32
    %add3A_29 = vector.broadcast %add3A_28 : i32 to vector<16xi32>
    %add3A_30 = arith.addi %iota3A_27, %add3A_29 : vector<16xi32>
    tpu.vector_store_idx %arg8[%get3A_26], %add3A_30 : memref<128xi32, #tpu.memory_space<vmem>>[vector<16xi32>], vector<16xi32>,
    %get3A_31 = arith.constant 64 : index
    %get3A_32 = tpu.vector_load %arg7[%get3A_31] {strides = array<i32>} : memref<128xi32, #tpu.memory_space<vmem>>, vector<16xi32>,
    %iota3A_33 = tpu.iota {dimensions = array<i32: 0>} : vector<16xi32>
    %add3A_34 = arith.constant 64 : i32
    %add3A_35 = vector.broadcast %add3A_34 : i32 to vector<16xi32>
    %add3A_36 = arith.addi %iota3A_33, %add3A_35 : vector<16xi32>
    tpu.vector_store_idx %arg8[%get3A_32], %add3A_36 : memref<128xi32, #tpu.memory_space<vmem>>[vector<16xi32>], vector<16xi32>,
    %get3A_37 = arith.constant 80 : index
    %get3A_38 = tpu.vector_load %arg7[%get3A_37] {strides = array<i32>} : memref<128xi32, #tpu.memory_space<vmem>>, vector<16xi32>,
    %iota3A_39 = tpu.iota {dimensions = array<i32: 0>} : vector<16xi32>
    %add3A_40 = arith.constant 80 : i32
    %add3A_41 = vector.broadcast %add3A_40 : i32 to vector<16xi32>
    %add3A_42 = arith.addi %iota3A_39, %add3A_41 : vector<16xi32>
    tpu.vector_store_idx %arg8[%get3A_38], %add3A_42 : memref<128xi32, #tpu.memory_space<vmem>>[vector<16xi32>], vector<16xi32>,
    %get3A_43 = arith.constant 96 : index
    %get3A_44 = tpu.vector_load %arg7[%get3A_43] {strides = array<i32>} : memref<128xi32, #tpu.memory_space<vmem>>, vector<16xi32>,
    %iota3A_45 = tpu.iota {dimensions = array<i32: 0>} : vector<16xi32>
    %add3A_46 = arith.constant 96 : i32
    %add3A_47 = vector.broadcast %add3A_46 : i32 to vector<16xi32>
    %add3A_48 = arith.addi %iota3A_45, %add3A_47 : vector<16xi32>
    tpu.vector_store_idx %arg8[%get3A_44], %add3A_48 : memref<128xi32, #tpu.memory_space<vmem>>[vector<16xi32>], vector<16xi32>,
    %get3A_49 = arith.constant 112 : index
    %get3A_50 = tpu.vector_load %arg7[%get3A_49] {strides = array<i32>} : memref<128xi32, #tpu.memory_space<vmem>>, vector<16xi32>,
    %iota3A_51 = tpu.iota {dimensions = array<i32: 0>} : vector<16xi32>
    %add3A_52 = arith.constant 112 : i32
    %add3A_53 = vector.broadcast %add3A_52 : i32 to vector<16xi32>
    %add3A_54 = arith.addi %iota3A_51, %add3A_53 : vector<16xi32>
    %lt3A = arith.constant 119 : i32
    %lt3A_55 = vector.broadcast %lt3A : i32 to vector<16xi32>
    %lt3A_56 = arith.cmpi slt, %add3A_54, %lt3A_55 : vector<16xi32>
    tpu.vector_store_idx %arg8[%get3A_50], %add3A_54 masked %lt3A_56 : memref<128xi32, #tpu.memory_space<vmem>>[vector<16xi32>], vector<16xi32>, vector<16xi1>
    %not3A_57 = arith.constant true
    %not3A_58 = arith.xori %eq3A_3, %not3A_57 : i1
    %convert_element_type3A_59 = arith.extui %not3A_58 : i1 to i32
    %cond3A_60 = arith.constant 0 : i32
    %cond3A_61 = arith.cmpi ne, %convert_element_type3A_59, %cond3A_60 : i32
    scf.if %cond3A_61 {
      %dma_wait3A = tpu.memref_slice %arg2[%mul3A_2] : memref<100000xi32, #tpu.memory_space<hbm>> -> memref<3136xi32, #tpu.memory_space<hbm>>
      %dma_wait3A_2225 = tpu.memref_slice %arg2[%mul3A_2] : memref<100000xi32, #tpu.memory_space<hbm>> -> memref<3136xi32, #tpu.memory_space<hbm>>
      tpu.wait_dma2 semaphore(%arg10 : memref<!tpu.dma_semaphore, #tpu.memory_space<semaphore_mem>>) src(%dma_wait3A_2225 : memref<3136xi32, #tpu.memory_space<hbm>>) dst(%arg6 : memref<3136xi32, #tpu.memory_space<vmem>>)
    } else {
    }
    %convert_element_type3A_62 = arith.extui %eq3A_3 : i1 to i32
    %cond3A_63 = arith.constant 0 : i32
    %cond3A_64 = arith.cmpi ne, %convert_element_type3A_62, %cond3A_63 : i32
    scf.if %cond3A_64 {
      %dma_wait3A = arith.constant 0 : i32
      %dma_wait3A_2225 = tpu.memref_slice %arg6[%dma_wait3A] : memref<3136xi32, #tpu.memory_space<vmem>> -> memref<2784xi32, #tpu.memory_space<vmem>>
      %dma_wait3A_2226 = tpu.memref_slice %arg2[%mul3A_2] : memref<100000xi32, #tpu.memory_space<hbm>> -> memref<2784xi32, #tpu.memory_space<hbm>>
      %dma_wait3A_2227 = arith.constant 0 : i32
      %dma_wait3A_2228 = tpu.memref_slice %arg6[%dma_wait3A_2227] : memref<3136xi32, #tpu.memory_space<vmem>> -> memref<2784xi32, #tpu.memory_space<vmem>>
      %dma_wait3A_2229 = tpu.memref_slice %arg2[%mul3A_2] : memref<100000xi32, #tpu.memory_space<hbm>> -> memref<2784xi32, #tpu.memory_space<hbm>>
      tpu.wait_dma2 semaphore(%arg10 : memref<!tpu.dma_semaphore, #tpu.memory_space<semaphore_mem>>) src(%dma_wait3A_2229 : memref<2784xi32, #tpu.memory_space<hbm>>) dst(%dma_wait3A_2228 : memref<2784xi32, #tpu.memory_space<vmem>>)
    } else {
    }
    %get3A_65 = arith.constant 0 : index
    %get3A_66 = tpu.vector_load %arg6[%get3A_65] {strides = array<i32>} : memref<3136xi32, #tpu.memory_space<vmem>>, vector<16xi32>,
    %max3A = arith.constant 0 : i32
    %max3A_67 = vector.broadcast %max3A : i32 to vector<16xi32>
    %max3A_68 = arith.maxsi %get3A_66, %max3A_67 : vector<16xi32>
    %min3A = arith.constant 127 : i32
    %min3A_69 = vector.broadcast %min3A : i32 to vector<16xi32>
    %min3A_70 = arith.minsi %max3A_68, %min3A_69 : vector<16xi32>
    %gather3A = tpu.vector_load_idx %arg8[%min3A_70] : memref<128xi32, #tpu.memory_space<vmem>>[vector<16xi32>], vector<16xi32>,
    %swap3A = arith.constant 0 : index
    %swap3A_71 = tpu.vector_load %arg9[%swap3A] {strides = array<i32>} : memref<3136xi32, #tpu.memory_space<vmem>>, vector<16xi32>,
    tpu.vector_store %arg9[%swap3A], %gather3A {strides = array<i32>} : memref<3136xi32, #tpu.memory_space<vmem>>, vector<16xi32>,
    %get3A_72 = arith.constant 16 : index
    %get3A_73 = tpu.vector_load %arg6[%get3A_72] {strides = array<i32>} : memref<3136xi32, #tpu.memory_space<vmem>>, vector<16xi32>,
    %max3A_74 = arith.constant 0 : i32
    %max3A_75 = vector.broadcast %max3A_74 : i32 to vector<16xi32>
    %max3A_76 = arith.maxsi %get3A_73, %max3A_75 : vector<16xi32>
    %min3A_77 = arith.constant 127 : i32
    %min3A_78 = vector.broadcast %min3A_77 : i32 to vector<16xi32>
    %min3A_79 = arith.minsi %max3A_76, %min3A_78 : vector<16xi32>
    %gather3A_80 = tpu.vector_load_idx %arg8[%min3A_79] : memref<128xi32, #tpu.memory_space<vmem>>[vector<16xi32>], vector<16xi32>,
    %swap3A_81 = arith.constant 16 : index
    %swap3A_82 = tpu.vector_load %arg9[%swap3A_81] {strides = array<i32>} : memref<3136xi32, #tpu.memory_space<vmem>>, vector<16xi32>,
    tpu.vector_store %arg9[%swap3A_81], %gather3A_80 {strides = array<i32>} : memref<3136xi32, #tpu.memory_space<vmem>>, vector<16xi32>,
    %get3A_83 = arith.constant 32 : index
    %get3A_84 = tpu.vector_load %arg6[%get3A_83] {strides = array<i32>} : memref<3136xi32, #tpu.memory_space<vmem>>, vector<16xi32>,
    %max3A_85 = arith.constant 0 : i32
    %max3A_86 = vector.broadcast %max3A_85 : i32 to vector<16xi32>
    %max3A_87 = arith.maxsi %get3A_84, %max3A_86 : vector<16xi32>
    %min3A_88 = arith.constant 127 : i32
    %min3A_89 = vector.broadcast %min3A_88 : i32 to vector<16xi32>
    %min3A_90 = arith.minsi %max3A_87, %min3A_89 : vector<16xi32>
    %gather3A_91 = tpu.vector_load_idx %arg8[%min3A_90] : memref<128xi32, #tpu.memory_space<vmem>>[vector<16xi32>], vector<16xi32>,
    %swap3A_92 = arith.constant 32 : index
    %swap3A_93 = tpu.vector_load %arg9[%swap3A_92] {strides = array<i32>} : memref<3136xi32, #tpu.memory_space<vmem>>, vector<16xi32>,
    tpu.vector_store %arg9[%swap3A_92], %gather3A_91 {strides = array<i32>} : memref<3136xi32, #tpu.memory_space<vmem>>, vector<16xi32>,
    %get3A_94 = arith.constant 48 : index
    %get3A_95 = tpu.vector_load %arg6[%get3A_94] {strides = array<i32>} : memref<3136xi32, #tpu.memory_space<vmem>>, vector<16xi32>,
    %max3A_96 = arith.constant 0 : i32
    %max3A_97 = vector.broadcast %max3A_96 : i32 to vector<16xi32>
    %max3A_98 = arith.maxsi %get3A_95, %max3A_97 : vector<16xi32>
    %min3A_99 = arith.constant 127 : i32
    %min3A_100 = vector.broadcast %min3A_99 : i32 to vector<16xi32>
    %min3A_101 = arith.minsi %max3A_98, %min3A_100 : vector<16xi32>
    %gather3A_102 = tpu.vector_load_idx %arg8[%min3A_101] : memref<128xi32, #tpu.memory_space<vmem>>[vector<16xi32>], vector<16xi32>,
    %swap3A_103 = arith.constant 48 : index
    %swap3A_104 = tpu.vector_load %arg9[%swap3A_103] {strides = array<i32>} : memref<3136xi32, #tpu.memory_space<vmem>>, vector<16xi32>,
    tpu.vector_store %arg9[%swap3A_103], %gather3A_102 {strides = array<i32>} : memref<3136xi32, #tpu.memory_space<vmem>>, vector<16xi32>,
    %get3A_105 = arith.constant 64 : index
    %get3A_106 = tpu.vector_load %arg6[%get3A_105] {strides = array<i32>} : memref<3136xi32, #tpu.memory_space<vmem>>, vector<16xi32>,
    %max3A_107 = arith.constant 0 : i32
    %max3A_108 = vector.broadcast %max3A_107 : i32 to vector<16xi32>
    %max3A_109 = arith.maxsi %get3A_106, %max3A_108 : vector<16xi32>
    %min3A_110 = arith.constant 127 : i32
    %min3A_111 = vector.broadcast %min3A_110 : i32 to vector<16xi32>
    %min3A_112 = arith.minsi %max3A_109, %min3A_111 : vector<16xi32>
    %gather3A_113 = tpu.vector_load_idx %arg8[%min3A_112] : memref<128xi32, #tpu.memory_space<vmem>>[vector<16xi32>], vector<16xi32>,
    %swap3A_114 = arith.constant 64 : index
    %swap3A_115 = tpu.vector_load %arg9[%swap3A_114] {strides = array<i32>} : memref<3136xi32, #tpu.memory_space<vmem>>, vector<16xi32>,
    tpu.vector_store %arg9[%swap3A_114], %gather3A_113 {strides = array<i32>} : memref<3136xi32, #tpu.memory_space<vmem>>, vector<16xi32>,
    %get3A_116 = arith.constant 80 : index
    %get3A_117 = tpu.vector_load %arg6[%get3A_116] {strides = array<i32>} : memref<3136xi32, #tpu.memory_space<vmem>>, vector<16xi32>,
    %max3A_118 = arith.constant 0 : i32
    %max3A_119 = vector.broadcast %max3A_118 : i32 to vector<16xi32>
    %max3A_120 = arith.maxsi %get3A_117, %max3A_119 : vector<16xi32>
    %min3A_121 = arith.constant 127 : i32
    %min3A_122 = vector.broadcast %min3A_121 : i32 to vector<16xi32>
    %min3A_123 = arith.minsi %max3A_120, %min3A_122 : vector<16xi32>
    %gather3A_124 = tpu.vector_load_idx %arg8[%min3A_123] : memref<128xi32, #tpu.memory_space<vmem>>[vector<16xi32>], vector<16xi32>,
    %swap3A_125 = arith.constant 80 : index
    %swap3A_126 = tpu.vector_load %arg9[%swap3A_125] {strides = array<i32>} : memref<3136xi32, #tpu.memory_space<vmem>>, vector<16xi32>,
    tpu.vector_store %arg9[%swap3A_125], %gather3A_124 {strides = array<i32>} : memref<3136xi32, #tpu.memory_space<vmem>>, vector<16xi32>,
    %get3A_127 = arith.constant 96 : index
    %get3A_128 = tpu.vector_load %arg6[%get3A_127] {strides = array<i32>} : memref<3136xi32, #tpu.memory_space<vmem>>, vector<16xi32>,
    %max3A_129 = arith.constant 0 : i32
    %max3A_130 = vector.broadcast %max3A_129 : i32 to vector<16xi32>
    %max3A_131 = arith.maxsi %get3A_128, %max3A_130 : vector<16xi32>
    %min3A_132 = arith.constant 127 : i32
    %min3A_133 = vector.broadcast %min3A_132 : i32 to vector<16xi32>
    %min3A_134 = arith.minsi %max3A_131, %min3A_133 : vector<16xi32>
    %gather3A_135 = tpu.vector_load_idx %arg8[%min3A_134] : memref<128xi32, #tpu.memory_space<vmem>>[vector<16xi32>], vector<16xi32>,
    %swap3A_136 = arith.constant 96 : index
    %swap3A_137 = tpu.vector_load %arg9[%swap3A_136] {strides = array<i32>} : memref<3136xi32, #tpu.memory_space<vmem>>, vector<16xi32>,
    tpu.vector_store %arg9[%swap3A_136], %gather3A_135 {strides = array<i32>} : memref<3136xi32, #tpu.memory_space<vmem>>, vector<16xi32>,
    %get3A_138 = arith.constant 112 : index
    %get3A_139 = tpu.vector_load %arg6[%get3A_138] {strides = array<i32>} : memref<3136xi32, #tpu.memory_space<vmem>>, vector<16xi32>,
    %max3A_140 = arith.constant 0 : i32
    %max3A_141 = vector.broadcast %max3A_140 : i32 to vector<16xi32>
    %max3A_142 = arith.maxsi %get3A_139, %max3A_141 : vector<16xi32>
    %min3A_143 = arith.constant 127 : i32
    %min3A_144 = vector.broadcast %min3A_143 : i32 to vector<16xi32>
    %min3A_145 = arith.minsi %max3A_142, %min3A_144 : vector<16xi32>
    %gather3A_146 = tpu.vector_load_idx %arg8[%min3A_145] : memref<128xi32, #tpu.memory_space<vmem>>[vector<16xi32>], vector<16xi32>,
    %swap3A_147 = arith.constant 112 : index
    %swap3A_148 = tpu.vector_load %arg9[%swap3A_147] {strides = array<i32>} : memref<3136xi32, #tpu.memory_space<vmem>>, vector<16xi32>,
    tpu.vector_store %arg9[%swap3A_147], %gather3A_146 {strides = array<i32>} : memref<3136xi32, #tpu.memory_space<vmem>>, vector<16xi32>,
    %get3A_149 = arith.constant 128 : index
    %get3A_150 = tpu.vector_load %arg6[%get3A_149] {strides = array<i32>} : memref<3136xi32, #tpu.memory_space<vmem>>, vector<16xi32>,
    %max3A_151 = arith.constant 0 : i32
    %max3A_152 = vector.broadcast %max3A_151 : i32 to vector<16xi32>
    %max3A_153 = arith.maxsi %get3A_150, %max3A_152 : vector<16xi32>
    %min3A_154 = arith.constant 127 : i32
    %min3A_155 = vector.broadcast %min3A_154 : i32 to vector<16xi32>
    %min3A_156 = arith.minsi %max3A_153, %min3A_155 : vector<16xi32>
    %gather3A_157 = tpu.vector_load_idx %arg8[%min3A_156] : memref<128xi32, #tpu.memory_space<vmem>>[vector<16xi32>], vector<16xi32>,
    %swap3A_158 = arith.constant 128 : index
    %swap3A_159 = tpu.vector_load %arg9[%swap3A_158] {strides = array<i32>} : memref<3136xi32, #tpu.memory_space<vmem>>, vector<16xi32>,
    tpu.vector_store %arg9[%swap3A_158], %gather3A_157 {strides = array<i32>} : memref<3136xi32, #tpu.memory_space<vmem>>, vector<16xi32>,
    %get3A_160 = arith.constant 144 : index
    %get3A_161 = tpu.vector_load %arg6[%get3A_160] {strides = array<i32>} : memref<3136xi32, #tpu.memory_space<vmem>>, vector<16xi32>,
    %max3A_162 = arith.constant 0 : i32
    %max3A_163 = vector.broadcast %max3A_162 : i32 to vector<16xi32>
    %max3A_164 = arith.maxsi %get3A_161, %max3A_163 : vector<16xi32>
    %min3A_165 = arith.constant 127 : i32
    %min3A_166 = vector.broadcast %min3A_165 : i32 to vector<16xi32>
    %min3A_167 = arith.minsi %max3A_164, %min3A_166 : vector<16xi32>
    %gather3A_168 = tpu.vector_load_idx %arg8[%min3A_167] : memref<128xi32, #tpu.memory_space<vmem>>[vector<16xi32>], vector<16xi32>,
    %swap3A_169 = arith.constant 144 : index
    %swap3A_170 = tpu.vector_load %arg9[%swap3A_169] {strides = array<i32>} : memref<3136xi32, #tpu.memory_space<vmem>>, vector<16xi32>,
    tpu.vector_store %arg9[%swap3A_169], %gather3A_168 {strides = array<i32>} : memref<3136xi32, #tpu.memory_space<vmem>>, vector<16xi32>,
    %get3A_171 = arith.constant 160 : index
    %get3A_172 = tpu.vector_load %arg6[%get3A_171] {strides = array<i32>} : memref<3136xi32, #tpu.memory_space<vmem>>, vector<16xi32>,
    %max3A_173 = arith.constant 0 : i32
    %max3A_174 = vector.broadcast %max3A_173 : i32 to vector<16xi32>
    %max3A_175 = arith.maxsi %get3A_172, %max3A_174 : vector<16xi32>
    %min3A_176 = arith.constant 127 : i32
    %min3A_177 = vector.broadcast %min3A_176 : i32 to vector<16xi32>
    %min3A_178 = arith.minsi %max3A_175, %min3A_177 : vector<16xi32>
    %gather3A_179 = tpu.vector_load_idx %arg8[%min3A_178] : memref<128xi32, #tpu.memory_space<vmem>>[vector<16xi32>], vector<16xi32>,
    %swap3A_180 = arith.constant 160 : index
    %swap3A_181 = tpu.vector_load %arg9[%swap3A_180] {strides = array<i32>} : memref<3136xi32, #tpu.memory_space<vmem>>, vector<16xi32>,
    tpu.vector_store %arg9[%swap3A_180], %gather3A_179 {strides = array<i32>} : memref<3136xi32, #tpu.memory_space<vmem>>, vector<16xi32>,
    %get3A_182 = arith.constant 176 : index
    %get3A_183 = tpu.vector_load %arg6[%get3A_182] {strides = array<i32>} : memref<3136xi32, #tpu.memory_space<vmem>>, vector<16xi32>,
    %max3A_184 = arith.constant 0 : i32
    %max3A_185 = vector.broadcast %max3A_184 : i32 to vector<16xi32>
    %max3A_186 = arith.maxsi %get3A_183, %max3A_185 : vector<16xi32>
    %min3A_187 = arith.constant 127 : i32
    %min3A_188 = vector.broadcast %min3A_187 : i32 to vector<16xi32>
    %min3A_189 = arith.minsi %max3A_186, %min3A_188 : vector<16xi32>
    %gather3A_190 = tpu.vector_load_idx %arg8[%min3A_189] : memref<128xi32, #tpu.memory_space<vmem>>[vector<16xi32>], vector<16xi32>,
    %swap3A_191 = arith.constant 176 : index
    %swap3A_192 = tpu.vector_load %arg9[%swap3A_191] {strides = array<i32>} : memref<3136xi32, #tpu.memory_space<vmem>>, vector<16xi32>,
    tpu.vector_store %arg9[%swap3A_191], %gather3A_190 {strides = array<i32>} : memref<3136xi32, #tpu.memory_space<vmem>>, vector<16xi32>,
    %get3A_193 = arith.constant 192 : index
    %get3A_194 = tpu.vector_load %arg6[%get3A_193] {strides = array<i32>} : memref<3136xi32, #tpu.memory_space<vmem>>, vector<16xi32>,
    %max3A_195 = arith.constant 0 : i32
    %max3A_196 = vector.broadcast %max3A_195 : i32 to vector<16xi32>
    %max3A_197 = arith.maxsi %get3A_194, %max3A_196 : vector<16xi32>
    %min3A_198 = arith.constant 127 : i32
    %min3A_199 = vector.broadcast %min3A_198 : i32 to vector<16xi32>
    %min3A_200 = arith.minsi %max3A_197, %min3A_199 : vector<16xi32>
    %gather3A_201 = tpu.vector_load_idx %arg8[%min3A_200] : memref<128xi32, #tpu.memory_space<vmem>>[vector<16xi32>], vector<16xi32>,
    %swap3A_202 = arith.constant 192 : index
    %swap3A_203 = tpu.vector_load %arg9[%swap3A_202] {strides = array<i32>} : memref<3136xi32, #tpu.memory_space<vmem>>, vector<16xi32>,
    tpu.vector_store %arg9[%swap3A_202], %gather3A_201 {strides = array<i32>} : memref<3136xi32, #tpu.memory_space<vmem>>, vector<16xi32>,
    %get3A_204 = arith.constant 208 : index
    %get3A_205 = tpu.vector_load %arg6[%get3A_204] {strides = array<i32>} : memref<3136xi32, #tpu.memory_space<vmem>>, vector<16xi32>,
    %max3A_206 = arith.constant 0 : i32
    %max3A_207 = vector.broadcast %max3A_206 : i32 to vector<16xi32>
    %max3A_208 = arith.maxsi %get3A_205, %max3A_207 : vector<16xi32>
    %min3A_209 = arith.constant 127 : i32
    %min3A_210 = vector.broadcast %min3A_209 : i32 to vector<16xi32>
    %min3A_211 = arith.minsi %max3A_208, %min3A_210 : vector<16xi32>
    %gather3A_212 = tpu.vector_load_idx %arg8[%min3A_211] : memref<128xi32, #tpu.memory_space<vmem>>[vector<16xi32>], vector<16xi32>,
    %swap3A_213 = arith.constant 208 : index
    %swap3A_214 = tpu.vector_load %arg9[%swap3A_213] {strides = array<i32>} : memref<3136xi32, #tpu.memory_space<vmem>>, vector<16xi32>,
    tpu.vector_store %arg9[%swap3A_213], %gather3A_212 {strides = array<i32>} : memref<3136xi32, #tpu.memory_space<vmem>>, vector<16xi32>,
    %get3A_215 = arith.constant 224 : index
    %get3A_216 = tpu.vector_load %arg6[%get3A_215] {strides = array<i32>} : memref<3136xi32, #tpu.memory_space<vmem>>, vector<16xi32>,
    %max3A_217 = arith.constant 0 : i32
    %max3A_218 = vector.broadcast %max3A_217 : i32 to vector<16xi32>
    %max3A_219 = arith.maxsi %get3A_216, %max3A_218 : vector<16xi32>
    %min3A_220 = arith.constant 127 : i32
    %min3A_221 = vector.broadcast %min3A_220 : i32 to vector<16xi32>
    %min3A_222 = arith.minsi %max3A_219, %min3A_221 : vector<16xi32>
    %gather3A_223 = tpu.vector_load_idx %arg8[%min3A_222] : memref<128xi32, #tpu.memory_space<vmem>>[vector<16xi32>], vector<16xi32>,
    %swap3A_224 = arith.constant 224 : index
    %swap3A_225 = tpu.vector_load %arg9[%swap3A_224] {strides = array<i32>} : memref<3136xi32, #tpu.memory_space<vmem>>, vector<16xi32>,
    tpu.vector_store %arg9[%swap3A_224], %gather3A_223 {strides = array<i32>} : memref<3136xi32, #tpu.memory_space<vmem>>, vector<16xi32>,
    %get3A_226 = arith.constant 240 : index
    %get3A_227 = tpu.vector_load %arg6[%get3A_226] {strides = array<i32>} : memref<3136xi32, #tpu.memory_space<vmem>>, vector<16xi32>,
    %max3A_228 = arith.constant 0 : i32
    %max3A_229 = vector.broadcast %max3A_228 : i32 to vector<16xi32>
    %max3A_230 = arith.maxsi %get3A_227, %max3A_229 : vector<16xi32>
    %min3A_231 = arith.constant 127 : i32
    %min3A_232 = vector.broadcast %min3A_231 : i32 to vector<16xi32>
    %min3A_233 = arith.minsi %max3A_230, %min3A_232 : vector<16xi32>
    %gather3A_234 = tpu.vector_load_idx %arg8[%min3A_233] : memref<128xi32, #tpu.memory_space<vmem>>[vector<16xi32>], vector<16xi32>,
    %swap3A_235 = arith.constant 240 : index
    %swap3A_236 = tpu.vector_load %arg9[%swap3A_235] {strides = array<i32>} : memref<3136xi32, #tpu.memory_space<vmem>>, vector<16xi32>,
    tpu.vector_store %arg9[%swap3A_235], %gather3A_234 {strides = array<i32>} : memref<3136xi32, #tpu.memory_space<vmem>>, vector<16xi32>,
    %get3A_237 = arith.constant 256 : index
    %get3A_238 = tpu.vector_load %arg6[%get3A_237] {strides = array<i32>} : memref<3136xi32, #tpu.memory_space<vmem>>, vector<16xi32>,
    %max3A_239 = arith.constant 0 : i32
    %max3A_240 = vector.broadcast %max3A_239 : i32 to vector<16xi32>
    %max3A_241 = arith.maxsi %get3A_238, %max3A_240 : vector<16xi32>
    %min3A_242 = arith.constant 127 : i32
    %min3A_243 = vector.broadcast %min3A_242 : i32 to vector<16xi32>
    %min3A_244 = arith.minsi %max3A_241, %min3A_243 : vector<16xi32>
    %gather3A_245 = tpu.vector_load_idx %arg8[%min3A_244] : memref<128xi32, #tpu.memory_space<vmem>>[vector<16xi32>], vector<16xi32>,
    %swap3A_246 = arith.constant 256 : index
    %swap3A_247 = tpu.vector_load %arg9[%swap3A_246] {strides = array<i32>} : memref<3136xi32, #tpu.memory_space<vmem>>, vector<16xi32>,
    tpu.vector_store %arg9[%swap3A_246], %gather3A_245 {strides = array<i32>} : memref<3136xi32, #tpu.memory_space<vmem>>, vector<16xi32>,
    %get3A_248 = arith.constant 272 : index
    %get3A_249 = tpu.vector_load %arg6[%get3A_248] {strides = array<i32>} : memref<3136xi32, #tpu.memory_space<vmem>>, vector<16xi32>,
    %max3A_250 = arith.constant 0 : i32
    %max3A_251 = vector.broadcast %max3A_250 : i32 to vector<16xi32>
    %max3A_252 = arith.maxsi %get3A_249, %max3A_251 : vector<16xi32>
    %min3A_253 = arith.constant 127 : i32
    %min3A_254 = vector.broadcast %min3A_253 : i32 to vector<16xi32>
    %min3A_255 = arith.minsi %max3A_252, %min3A_254 : vector<16xi32>
    %gather3A_256 = tpu.vector_load_idx %arg8[%min3A_255] : memref<128xi32, #tpu.memory_space<vmem>>[vector<16xi32>], vector<16xi32>,
    %swap3A_257 = arith.constant 272 : index
    %swap3A_258 = tpu.vector_load %arg9[%swap3A_257] {strides = array<i32>} : memref<3136xi32, #tpu.memory_space<vmem>>, vector<16xi32>,
    tpu.vector_store %arg9[%swap3A_257], %gather3A_256 {strides = array<i32>} : memref<3136xi32, #tpu.memory_space<vmem>>, vector<16xi32>,
    %get3A_259 = arith.constant 288 : index
    %get3A_260 = tpu.vector_load %arg6[%get3A_259] {strides = array<i32>} : memref<3136xi32, #tpu.memory_space<vmem>>, vector<16xi32>,
    %max3A_261 = arith.constant 0 : i32
    %max3A_262 = vector.broadcast %max3A_261 : i32 to vector<16xi32>
    %max3A_263 = arith.maxsi %get3A_260, %max3A_262 : vector<16xi32>
    %min3A_264 = arith.constant 127 : i32
    %min3A_265 = vector.broadcast %min3A_264 : i32 to vector<16xi32>
    %min3A_266 = arith.minsi %max3A_263, %min3A_265 : vector<16xi32>
    %gather3A_267 = tpu.vector_load_idx %arg8[%min3A_266] : memref<128xi32, #tpu.memory_space<vmem>>[vector<16xi32>], vector<16xi32>,
    %swap3A_268 = arith.constant 288 : index
    %swap3A_269 = tpu.vector_load %arg9[%swap3A_268] {strides = array<i32>} : memref<3136xi32, #tpu.memory_space<vmem>>, vector<16xi32>,
    tpu.vector_store %arg9[%swap3A_268], %gather3A_267 {strides = array<i32>} : memref<3136xi32, #tpu.memory_space<vmem>>, vector<16xi32>,
    %get3A_270 = arith.constant 304 : index
    %get3A_271 = tpu.vector_load %arg6[%get3A_270] {strides = array<i32>} : memref<3136xi32, #tpu.memory_space<vmem>>, vector<16xi32>,
    %max3A_272 = arith.constant 0 : i32
    %max3A_273 = vector.broadcast %max3A_272 : i32 to vector<16xi32>
    %max3A_274 = arith.maxsi %get3A_271, %max3A_273 : vector<16xi32>
    %min3A_275 = arith.constant 127 : i32
    %min3A_276 = vector.broadcast %min3A_275 : i32 to vector<16xi32>
    %min3A_277 = arith.minsi %max3A_274, %min3A_276 : vector<16xi32>
    %gather3A_278 = tpu.vector_load_idx %arg8[%min3A_277] : memref<128xi32, #tpu.memory_space<vmem>>[vector<16xi32>], vector<16xi32>,
    %swap3A_279 = arith.constant 304 : index
    %swap3A_280 = tpu.vector_load %arg9[%swap3A_279] {strides = array<i32>} : memref<3136xi32, #tpu.memory_space<vmem>>, vector<16xi32>,
    tpu.vector_store %arg9[%swap3A_279], %gather3A_278 {strides = array<i32>} : memref<3136xi32, #tpu.memory_space<vmem>>, vector<16xi32>,
    %get3A_281 = arith.constant 320 : index
    %get3A_282 = tpu.vector_load %arg6[%get3A_281] {strides = array<i32>} : memref<3136xi32, #tpu.memory_space<vmem>>, vector<16xi32>,
    %max3A_283 = arith.constant 0 : i32
    %max3A_284 = vector.broadcast %max3A_283 : i32 to vector<16xi32>
    %max3A_285 = arith.maxsi %get3A_282, %max3A_284 : vector<16xi32>
    %min3A_286 = arith.constant 127 : i32
    %min3A_287 = vector.broadcast %min3A_286 : i32 to vector<16xi32>
    %min3A_288 = arith.minsi %max3A_285, %min3A_287 : vector<16xi32>
    %gather3A_289 = tpu.vector_load_idx %arg8[%min3A_288] : memref<128xi32, #tpu.memory_space<vmem>>[vector<16xi32>], vector<16xi32>,
    %swap3A_290 = arith.constant 320 : index
    %swap3A_291 = tpu.vector_load %arg9[%swap3A_290] {strides = array<i32>} : memref<3136xi32, #tpu.memory_space<vmem>>, vector<16xi32>,
    tpu.vector_store %arg9[%swap3A_290], %gather3A_289 {strides = array<i32>} : memref<3136xi32, #tpu.memory_space<vmem>>, vector<16xi32>,
    %get3A_292 = arith.constant 336 : index
    %get3A_293 = tpu.vector_load %arg6[%get3A_292] {strides = array<i32>} : memref<3136xi32, #tpu.memory_space<vmem>>, vector<16xi32>,
    %max3A_294 = arith.constant 0 : i32
    %max3A_295 = vector.broadcast %max3A_294 : i32 to vector<16xi32>
    %max3A_296 = arith.maxsi %get3A_293, %max3A_295 : vector<16xi32>
    %min3A_297 = arith.constant 127 : i32
    %min3A_298 = vector.broadcast %min3A_297 : i32 to vector<16xi32>
    %min3A_299 = arith.minsi %max3A_296, %min3A_298 : vector<16xi32>
    %gather3A_300 = tpu.vector_load_idx %arg8[%min3A_299] : memref<128xi32, #tpu.memory_space<vmem>>[vector<16xi32>], vector<16xi32>,
    %swap3A_301 = arith.constant 336 : index
    %swap3A_302 = tpu.vector_load %arg9[%swap3A_301] {strides = array<i32>} : memref<3136xi32, #tpu.memory_space<vmem>>, vector<16xi32>,
    tpu.vector_store %arg9[%swap3A_301], %gather3A_300 {strides = array<i32>} : memref<3136xi32, #tpu.memory_space<vmem>>, vector<16xi32>,
    %get3A_303 = arith.constant 352 : index
    %get3A_304 = tpu.vector_load %arg6[%get3A_303] {strides = array<i32>} : memref<3136xi32, #tpu.memory_space<vmem>>, vector<16xi32>,
    %max3A_305 = arith.constant 0 : i32
    %max3A_306 = vector.broadcast %max3A_305 : i32 to vector<16xi32>
    %max3A_307 = arith.maxsi %get3A_304, %max3A_306 : vector<16xi32>
    %min3A_308 = arith.constant 127 : i32
    %min3A_309 = vector.broadcast %min3A_308 : i32 to vector<16xi32>
    %min3A_310 = arith.minsi %max3A_307, %min3A_309 : vector<16xi32>
    %gather3A_311 = tpu.vector_load_idx %arg8[%min3A_310] : memref<128xi32, #tpu.memory_space<vmem>>[vector<16xi32>], vector<16xi32>,
    %swap3A_312 = arith.constant 352 : index
    %swap3A_313 = tpu.vector_load %arg9[%swap3A_312] {strides = array<i32>} : memref<3136xi32, #tpu.memory_space<vmem>>, vector<16xi32>,
    tpu.vector_store %arg9[%swap3A_312], %gather3A_311 {strides = array<i32>} : memref<3136xi32, #tpu.memory_space<vmem>>, vector<16xi32>,
    %get3A_314 = arith.constant 368 : index
    %get3A_315 = tpu.vector_load %arg6[%get3A_314] {strides = array<i32>} : memref<3136xi32, #tpu.memory_space<vmem>>, vector<16xi32>,
    %max3A_316 = arith.constant 0 : i32
    %max3A_317 = vector.broadcast %max3A_316 : i32 to vector<16xi32>
    %max3A_318 = arith.maxsi %get3A_315, %max3A_317 : vector<16xi32>
    %min3A_319 = arith.constant 127 : i32
    %min3A_320 = vector.broadcast %min3A_319 : i32 to vector<16xi32>
    %min3A_321 = arith.minsi %max3A_318, %min3A_320 : vector<16xi32>
    %gather3A_322 = tpu.vector_load_idx %arg8[%min3A_321] : memref<128xi32, #tpu.memory_space<vmem>>[vector<16xi32>], vector<16xi32>,
    %swap3A_323 = arith.constant 368 : index
    %swap3A_324 = tpu.vector_load %arg9[%swap3A_323] {strides = array<i32>} : memref<3136xi32, #tpu.memory_space<vmem>>, vector<16xi32>,
    tpu.vector_store %arg9[%swap3A_323], %gather3A_322 {strides = array<i32>} : memref<3136xi32, #tpu.memory_space<vmem>>, vector<16xi32>,
    %get3A_325 = arith.constant 384 : index
    %get3A_326 = tpu.vector_load %arg6[%get3A_325] {strides = array<i32>} : memref<3136xi32, #tpu.memory_space<vmem>>, vector<16xi32>,
    %max3A_327 = arith.constant 0 : i32
    %max3A_328 = vector.broadcast %max3A_327 : i32 to vector<16xi32>
    %max3A_329 = arith.maxsi %get3A_326, %max3A_328 : vector<16xi32>
    %min3A_330 = arith.constant 127 : i32
    %min3A_331 = vector.broadcast %min3A_330 : i32 to vector<16xi32>
    %min3A_332 = arith.minsi %max3A_329, %min3A_331 : vector<16xi32>
    %gather3A_333 = tpu.vector_load_idx %arg8[%min3A_332] : memref<128xi32, #tpu.memory_space<vmem>>[vector<16xi32>], vector<16xi32>,
    %swap3A_334 = arith.constant 384 : index
    %swap3A_335 = tpu.vector_load %arg9[%swap3A_334] {strides = array<i32>} : memref<3136xi32, #tpu.memory_space<vmem>>, vector<16xi32>,
    tpu.vector_store %arg9[%swap3A_334], %gather3A_333 {strides = array<i32>} : memref<3136xi32, #tpu.memory_space<vmem>>, vector<16xi32>,
    %get3A_336 = arith.constant 400 : index
    %get3A_337 = tpu.vector_load %arg6[%get3A_336] {strides = array<i32>} : memref<3136xi32, #tpu.memory_space<vmem>>, vector<16xi32>,
    %max3A_338 = arith.constant 0 : i32
    %max3A_339 = vector.broadcast %max3A_338 : i32 to vector<16xi32>
    %max3A_340 = arith.maxsi %get3A_337, %max3A_339 : vector<16xi32>
    %min3A_341 = arith.constant 127 : i32
    %min3A_342 = vector.broadcast %min3A_341 : i32 to vector<16xi32>
    %min3A_343 = arith.minsi %max3A_340, %min3A_342 : vector<16xi32>
    %gather3A_344 = tpu.vector_load_idx %arg8[%min3A_343] : memref<128xi32, #tpu.memory_space<vmem>>[vector<16xi32>], vector<16xi32>,
    %swap3A_345 = arith.constant 400 : index
    %swap3A_346 = tpu.vector_load %arg9[%swap3A_345] {strides = array<i32>} : memref<3136xi32, #tpu.memory_space<vmem>>, vector<16xi32>,
    tpu.vector_store %arg9[%swap3A_345], %gather3A_344 {strides = array<i32>} : memref<3136xi32, #tpu.memory_space<vmem>>, vector<16xi32>,
    %get3A_347 = arith.constant 416 : index
    %get3A_348 = tpu.vector_load %arg6[%get3A_347] {strides = array<i32>} : memref<3136xi32, #tpu.memory_space<vmem>>, vector<16xi32>,
    %max3A_349 = arith.constant 0 : i32
    %max3A_350 = vector.broadcast %max3A_349 : i32 to vector<16xi32>
    %max3A_351 = arith.maxsi %get3A_348, %max3A_350 : vector<16xi32>
    %min3A_352 = arith.constant 127 : i32
    %min3A_353 = vector.broadcast %min3A_352 : i32 to vector<16xi32>
    %min3A_354 = arith.minsi %max3A_351, %min3A_353 : vector<16xi32>
    %gather3A_355 = tpu.vector_load_idx %arg8[%min3A_354] : memref<128xi32, #tpu.memory_space<vmem>>[vector<16xi32>], vector<16xi32>,
    %swap3A_356 = arith.constant 416 : index
    %swap3A_357 = tpu.vector_load %arg9[%swap3A_356] {strides = array<i32>} : memref<3136xi32, #tpu.memory_space<vmem>>, vector<16xi32>,
    tpu.vector_store %arg9[%swap3A_356], %gather3A_355 {strides = array<i32>} : memref<3136xi32, #tpu.memory_space<vmem>>, vector<16xi32>,
    %get3A_358 = arith.constant 432 : index
    %get3A_359 = tpu.vector_load %arg6[%get3A_358] {strides = array<i32>} : memref<3136xi32, #tpu.memory_space<vmem>>, vector<16xi32>,
    %max3A_360 = arith.constant 0 : i32
    %max3A_361 = vector.broadcast %max3A_360 : i32 to vector<16xi32>
    %max3A_362 = arith.maxsi %get3A_359, %max3A_361 : vector<16xi32>
    %min3A_363 = arith.constant 127 : i32
    %min3A_364 = vector.broadcast %min3A_363 : i32 to vector<16xi32>
    %min3A_365 = arith.minsi %max3A_362, %min3A_364 : vector<16xi32>
    %gather3A_366 = tpu.vector_load_idx %arg8[%min3A_365] : memref<128xi32, #tpu.memory_space<vmem>>[vector<16xi32>], vector<16xi32>,
    %swap3A_367 = arith.constant 432 : index
    %swap3A_368 = tpu.vector_load %arg9[%swap3A_367] {strides = array<i32>} : memref<3136xi32, #tpu.memory_space<vmem>>, vector<16xi32>,
    tpu.vector_store %arg9[%swap3A_367], %gather3A_366 {strides = array<i32>} : memref<3136xi32, #tpu.memory_space<vmem>>, vector<16xi32>,
    %get3A_369 = arith.constant 448 : index
    %get3A_370 = tpu.vector_load %arg6[%get3A_369] {strides = array<i32>} : memref<3136xi32, #tpu.memory_space<vmem>>, vector<16xi32>,
    %max3A_371 = arith.constant 0 : i32
    %max3A_372 = vector.broadcast %max3A_371 : i32 to vector<16xi32>
    %max3A_373 = arith.maxsi %get3A_370, %max3A_372 : vector<16xi32>
    %min3A_374 = arith.constant 127 : i32
    %min3A_375 = vector.broadcast %min3A_374 : i32 to vector<16xi32>
    %min3A_376 = arith.minsi %max3A_373, %min3A_375 : vector<16xi32>
    %gather3A_377 = tpu.vector_load_idx %arg8[%min3A_376] : memref<128xi32, #tpu.memory_space<vmem>>[vector<16xi32>], vector<16xi32>,
    %swap3A_378 = arith.constant 448 : index
    %swap3A_379 = tpu.vector_load %arg9[%swap3A_378] {strides = array<i32>} : memref<3136xi32, #tpu.memory_space<vmem>>, vector<16xi32>,
    tpu.vector_store %arg9[%swap3A_378], %gather3A_377 {strides = array<i32>} : memref<3136xi32, #tpu.memory_space<vmem>>, vector<16xi32>,
    %get3A_380 = arith.constant 464 : index
    %get3A_381 = tpu.vector_load %arg6[%get3A_380] {strides = array<i32>} : memref<3136xi32, #tpu.memory_space<vmem>>, vector<16xi32>,
    %max3A_382 = arith.constant 0 : i32
    %max3A_383 = vector.broadcast %max3A_382 : i32 to vector<16xi32>
    %max3A_384 = arith.maxsi %get3A_381, %max3A_383 : vector<16xi32>
    %min3A_385 = arith.constant 127 : i32
    %min3A_386 = vector.broadcast %min3A_385 : i32 to vector<16xi32>
    %min3A_387 = arith.minsi %max3A_384, %min3A_386 : vector<16xi32>
    %gather3A_388 = tpu.vector_load_idx %arg8[%min3A_387] : memref<128xi32, #tpu.memory_space<vmem>>[vector<16xi32>], vector<16xi32>,
    %swap3A_389 = arith.constant 464 : index
    %swap3A_390 = tpu.vector_load %arg9[%swap3A_389] {strides = array<i32>} : memref<3136xi32, #tpu.memory_space<vmem>>, vector<16xi32>,
    tpu.vector_store %arg9[%swap3A_389], %gather3A_388 {strides = array<i32>} : memref<3136xi32, #tpu.memory_space<vmem>>, vector<16xi32>,
    %get3A_391 = arith.constant 480 : index
    %get3A_392 = tpu.vector_load %arg6[%get3A_391] {strides = array<i32>} : memref<3136xi32, #tpu.memory_space<vmem>>, vector<16xi32>,
    %max3A_393 = arith.constant 0 : i32
    %max3A_394 = vector.broadcast %max3A_393 : i32 to vector<16xi32>
    %max3A_395 = arith.maxsi %get3A_392, %max3A_394 : vector<16xi32>
    %min3A_396 = arith.constant 127 : i32
    %min3A_397 = vector.broadcast %min3A_396 : i32 to vector<16xi32>
    %min3A_398 = arith.minsi %max3A_395, %min3A_397 : vector<16xi32>
    %gather3A_399 = tpu.vector_load_idx %arg8[%min3A_398] : memref<128xi32, #tpu.memory_space<vmem>>[vector<16xi32>], vector<16xi32>,
    %swap3A_400 = arith.constant 480 : index
    %swap3A_401 = tpu.vector_load %arg9[%swap3A_400] {strides = array<i32>} : memref<3136xi32, #tpu.memory_space<vmem>>, vector<16xi32>,
    tpu.vector_store %arg9[%swap3A_400], %gather3A_399 {strides = array<i32>} : memref<3136xi32, #tpu.memory_space<vmem>>, vector<16xi32>,
    %get3A_402 = arith.constant 496 : index
    %get3A_403 = tpu.vector_load %arg6[%get3A_402] {strides = array<i32>} : memref<3136xi32, #tpu.memory_space<vmem>>, vector<16xi32>,
    %max3A_404 = arith.constant 0 : i32
    %max3A_405 = vector.broadcast %max3A_404 : i32 to vector<16xi32>
    %max3A_406 = arith.maxsi %get3A_403, %max3A_405 : vector<16xi32>
    %min3A_407 = arith.constant 127 : i32
    %min3A_408 = vector.broadcast %min3A_407 : i32 to vector<16xi32>
    %min3A_409 = arith.minsi %max3A_406, %min3A_408 : vector<16xi32>
    %gather3A_410 = tpu.vector_load_idx %arg8[%min3A_409] : memref<128xi32, #tpu.memory_space<vmem>>[vector<16xi32>], vector<16xi32>,
    %swap3A_411 = arith.constant 496 : index
    %swap3A_412 = tpu.vector_load %arg9[%swap3A_411] {strides = array<i32>} : memref<3136xi32, #tpu.memory_space<vmem>>, vector<16xi32>,
    tpu.vector_store %arg9[%swap3A_411], %gather3A_410 {strides = array<i32>} : memref<3136xi32, #tpu.memory_space<vmem>>, vector<16xi32>,
    %get3A_413 = arith.constant 512 : index
    %get3A_414 = tpu.vector_load %arg6[%get3A_413] {strides = array<i32>} : memref<3136xi32, #tpu.memory_space<vmem>>, vector<16xi32>,
    %max3A_415 = arith.constant 0 : i32
    %max3A_416 = vector.broadcast %max3A_415 : i32 to vector<16xi32>
    %max3A_417 = arith.maxsi %get3A_414, %max3A_416 : vector<16xi32>
    %min3A_418 = arith.constant 127 : i32
    %min3A_419 = vector.broadcast %min3A_418 : i32 to vector<16xi32>
    %min3A_420 = arith.minsi %max3A_417, %min3A_419 : vector<16xi32>
    %gather3A_421 = tpu.vector_load_idx %arg8[%min3A_420] : memref<128xi32, #tpu.memory_space<vmem>>[vector<16xi32>], vector<16xi32>,
    %swap3A_422 = arith.constant 512 : index
    %swap3A_423 = tpu.vector_load %arg9[%swap3A_422] {strides = array<i32>} : memref<3136xi32, #tpu.memory_space<vmem>>, vector<16xi32>,
    tpu.vector_store %arg9[%swap3A_422], %gather3A_421 {strides = array<i32>} : memref<3136xi32, #tpu.memory_space<vmem>>, vector<16xi32>,
    %get3A_424 = arith.constant 528 : index
    %get3A_425 = tpu.vector_load %arg6[%get3A_424] {strides = array<i32>} : memref<3136xi32, #tpu.memory_space<vmem>>, vector<16xi32>,
    %max3A_426 = arith.constant 0 : i32
    %max3A_427 = vector.broadcast %max3A_426 : i32 to vector<16xi32>
    %max3A_428 = arith.maxsi %get3A_425, %max3A_427 : vector<16xi32>
    %min3A_429 = arith.constant 127 : i32
    %min3A_430 = vector.broadcast %min3A_429 : i32 to vector<16xi32>
    %min3A_431 = arith.minsi %max3A_428, %min3A_430 : vector<16xi32>
    %gather3A_432 = tpu.vector_load_idx %arg8[%min3A_431] : memref<128xi32, #tpu.memory_space<vmem>>[vector<16xi32>], vector<16xi32>,
    %swap3A_433 = arith.constant 528 : index
    %swap3A_434 = tpu.vector_load %arg9[%swap3A_433] {strides = array<i32>} : memref<3136xi32, #tpu.memory_space<vmem>>, vector<16xi32>,
    tpu.vector_store %arg9[%swap3A_433], %gather3A_432 {strides = array<i32>} : memref<3136xi32, #tpu.memory_space<vmem>>, vector<16xi32>,
    %get3A_435 = arith.constant 544 : index
    %get3A_436 = tpu.vector_load %arg6[%get3A_435] {strides = array<i32>} : memref<3136xi32, #tpu.memory_space<vmem>>, vector<16xi32>,
    %max3A_437 = arith.constant 0 : i32
    %max3A_438 = vector.broadcast %max3A_437 : i32 to vector<16xi32>
    %max3A_439 = arith.maxsi %get3A_436, %max3A_438 : vector<16xi32>
    %min3A_440 = arith.constant 127 : i32
    %min3A_441 = vector.broadcast %min3A_440 : i32 to vector<16xi32>
    %min3A_442 = arith.minsi %max3A_439, %min3A_441 : vector<16xi32>
    %gather3A_443 = tpu.vector_load_idx %arg8[%min3A_442] : memref<128xi32, #tpu.memory_space<vmem>>[vector<16xi32>], vector<16xi32>,
    %swap3A_444 = arith.constant 544 : index
    %swap3A_445 = tpu.vector_load %arg9[%swap3A_444] {strides = array<i32>} : memref<3136xi32, #tpu.memory_space<vmem>>, vector<16xi32>,
    tpu.vector_store %arg9[%swap3A_444], %gather3A_443 {strides = array<i32>} : memref<3136xi32, #tpu.memory_space<vmem>>, vector<16xi32>,
    %get3A_446 = arith.constant 560 : index
    %get3A_447 = tpu.vector_load %arg6[%get3A_446] {strides = array<i32>} : memref<3136xi32, #tpu.memory_space<vmem>>, vector<16xi32>,
    %max3A_448 = arith.constant 0 : i32
    %max3A_449 = vector.broadcast %max3A_448 : i32 to vector<16xi32>
    %max3A_450 = arith.maxsi %get3A_447, %max3A_449 : vector<16xi32>
    %min3A_451 = arith.constant 127 : i32
    %min3A_452 = vector.broadcast %min3A_451 : i32 to vector<16xi32>
    %min3A_453 = arith.minsi %max3A_450, %min3A_452 : vector<16xi32>
    %gather3A_454 = tpu.vector_load_idx %arg8[%min3A_453] : memref<128xi32, #tpu.memory_space<vmem>>[vector<16xi32>], vector<16xi32>,
    %swap3A_455 = arith.constant 560 : index
    %swap3A_456 = tpu.vector_load %arg9[%swap3A_455] {strides = array<i32>} : memref<3136xi32, #tpu.memory_space<vmem>>, vector<16xi32>,
    tpu.vector_store %arg9[%swap3A_455], %gather3A_454 {strides = array<i32>} : memref<3136xi32, #tpu.memory_space<vmem>>, vector<16xi32>,
    %get3A_457 = arith.constant 576 : index
    %get3A_458 = tpu.vector_load %arg6[%get3A_457] {strides = array<i32>} : memref<3136xi32, #tpu.memory_space<vmem>>, vector<16xi32>,
    %max3A_459 = arith.constant 0 : i32
    %max3A_460 = vector.broadcast %max3A_459 : i32 to vector<16xi32>
    %max3A_461 = arith.maxsi %get3A_458, %max3A_460 : vector<16xi32>
    %min3A_462 = arith.constant 127 : i32
    %min3A_463 = vector.broadcast %min3A_462 : i32 to vector<16xi32>
    %min3A_464 = arith.minsi %max3A_461, %min3A_463 : vector<16xi32>
    %gather3A_465 = tpu.vector_load_idx %arg8[%min3A_464] : memref<128xi32, #tpu.memory_space<vmem>>[vector<16xi32>], vector<16xi32>,
    %swap3A_466 = arith.constant 576 : index
    %swap3A_467 = tpu.vector_load %arg9[%swap3A_466] {strides = array<i32>} : memref<3136xi32, #tpu.memory_space<vmem>>, vector<16xi32>,
    tpu.vector_store %arg9[%swap3A_466], %gather3A_465 {strides = array<i32>} : memref<3136xi32, #tpu.memory_space<vmem>>, vector<16xi32>,
    %get3A_468 = arith.constant 592 : index
    %get3A_469 = tpu.vector_load %arg6[%get3A_468] {strides = array<i32>} : memref<3136xi32, #tpu.memory_space<vmem>>, vector<16xi32>,
    %max3A_470 = arith.constant 0 : i32
    %max3A_471 = vector.broadcast %max3A_470 : i32 to vector<16xi32>
    %max3A_472 = arith.maxsi %get3A_469, %max3A_471 : vector<16xi32>
    %min3A_473 = arith.constant 127 : i32
    %min3A_474 = vector.broadcast %min3A_473 : i32 to vector<16xi32>
    %min3A_475 = arith.minsi %max3A_472, %min3A_474 : vector<16xi32>
    %gather3A_476 = tpu.vector_load_idx %arg8[%min3A_475] : memref<128xi32, #tpu.memory_space<vmem>>[vector<16xi32>], vector<16xi32>,
    %swap3A_477 = arith.constant 592 : index
    %swap3A_478 = tpu.vector_load %arg9[%swap3A_477] {strides = array<i32>} : memref<3136xi32, #tpu.memory_space<vmem>>, vector<16xi32>,
    tpu.vector_store %arg9[%swap3A_477], %gather3A_476 {strides = array<i32>} : memref<3136xi32, #tpu.memory_space<vmem>>, vector<16xi32>,
    %get3A_479 = arith.constant 608 : index
    %get3A_480 = tpu.vector_load %arg6[%get3A_479] {strides = array<i32>} : memref<3136xi32, #tpu.memory_space<vmem>>, vector<16xi32>,
    %max3A_481 = arith.constant 0 : i32
    %max3A_482 = vector.broadcast %max3A_481 : i32 to vector<16xi32>
    %max3A_483 = arith.maxsi %get3A_480, %max3A_482 : vector<16xi32>
    %min3A_484 = arith.constant 127 : i32
    %min3A_485 = vector.broadcast %min3A_484 : i32 to vector<16xi32>
    %min3A_486 = arith.minsi %max3A_483, %min3A_485 : vector<16xi32>
    %gather3A_487 = tpu.vector_load_idx %arg8[%min3A_486] : memref<128xi32, #tpu.memory_space<vmem>>[vector<16xi32>], vector<16xi32>,
    %swap3A_488 = arith.constant 608 : index
    %swap3A_489 = tpu.vector_load %arg9[%swap3A_488] {strides = array<i32>} : memref<3136xi32, #tpu.memory_space<vmem>>, vector<16xi32>,
    tpu.vector_store %arg9[%swap3A_488], %gather3A_487 {strides = array<i32>} : memref<3136xi32, #tpu.memory_space<vmem>>, vector<16xi32>,
    %get3A_490 = arith.constant 624 : index
    %get3A_491 = tpu.vector_load %arg6[%get3A_490] {strides = array<i32>} : memref<3136xi32, #tpu.memory_space<vmem>>, vector<16xi32>,
    %max3A_492 = arith.constant 0 : i32
    %max3A_493 = vector.broadcast %max3A_492 : i32 to vector<16xi32>
    %max3A_494 = arith.maxsi %get3A_491, %max3A_493 : vector<16xi32>
    %min3A_495 = arith.constant 127 : i32
    %min3A_496 = vector.broadcast %min3A_495 : i32 to vector<16xi32>
    %min3A_497 = arith.minsi %max3A_494, %min3A_496 : vector<16xi32>
    %gather3A_498 = tpu.vector_load_idx %arg8[%min3A_497] : memref<128xi32, #tpu.memory_space<vmem>>[vector<16xi32>], vector<16xi32>,
    %swap3A_499 = arith.constant 624 : index
    %swap3A_500 = tpu.vector_load %arg9[%swap3A_499] {strides = array<i32>} : memref<3136xi32, #tpu.memory_space<vmem>>, vector<16xi32>,
    tpu.vector_store %arg9[%swap3A_499], %gather3A_498 {strides = array<i32>} : memref<3136xi32, #tpu.memory_space<vmem>>, vector<16xi32>,
    %get3A_501 = arith.constant 640 : index
    %get3A_502 = tpu.vector_load %arg6[%get3A_501] {strides = array<i32>} : memref<3136xi32, #tpu.memory_space<vmem>>, vector<16xi32>,
    %max3A_503 = arith.constant 0 : i32
    %max3A_504 = vector.broadcast %max3A_503 : i32 to vector<16xi32>
    %max3A_505 = arith.maxsi %get3A_502, %max3A_504 : vector<16xi32>
    %min3A_506 = arith.constant 127 : i32
    %min3A_507 = vector.broadcast %min3A_506 : i32 to vector<16xi32>
    %min3A_508 = arith.minsi %max3A_505, %min3A_507 : vector<16xi32>
    %gather3A_509 = tpu.vector_load_idx %arg8[%min3A_508] : memref<128xi32, #tpu.memory_space<vmem>>[vector<16xi32>], vector<16xi32>,
    %swap3A_510 = arith.constant 640 : index
    %swap3A_511 = tpu.vector_load %arg9[%swap3A_510] {strides = array<i32>} : memref<3136xi32, #tpu.memory_space<vmem>>, vector<16xi32>,
    tpu.vector_store %arg9[%swap3A_510], %gather3A_509 {strides = array<i32>} : memref<3136xi32, #tpu.memory_space<vmem>>, vector<16xi32>,
    %get3A_512 = arith.constant 656 : index
    %get3A_513 = tpu.vector_load %arg6[%get3A_512] {strides = array<i32>} : memref<3136xi32, #tpu.memory_space<vmem>>, vector<16xi32>,
    %max3A_514 = arith.constant 0 : i32
    %max3A_515 = vector.broadcast %max3A_514 : i32 to vector<16xi32>
    %max3A_516 = arith.maxsi %get3A_513, %max3A_515 : vector<16xi32>
    %min3A_517 = arith.constant 127 : i32
    %min3A_518 = vector.broadcast %min3A_517 : i32 to vector<16xi32>
    %min3A_519 = arith.minsi %max3A_516, %min3A_518 : vector<16xi32>
    %gather3A_520 = tpu.vector_load_idx %arg8[%min3A_519] : memref<128xi32, #tpu.memory_space<vmem>>[vector<16xi32>], vector<16xi32>,
    %swap3A_521 = arith.constant 656 : index
    %swap3A_522 = tpu.vector_load %arg9[%swap3A_521] {strides = array<i32>} : memref<3136xi32, #tpu.memory_space<vmem>>, vector<16xi32>,
    tpu.vector_store %arg9[%swap3A_521], %gather3A_520 {strides = array<i32>} : memref<3136xi32, #tpu.memory_space<vmem>>, vector<16xi32>,
    %get3A_523 = arith.constant 672 : index
    %get3A_524 = tpu.vector_load %arg6[%get3A_523] {strides = array<i32>} : memref<3136xi32, #tpu.memory_space<vmem>>, vector<16xi32>,
    %max3A_525 = arith.constant 0 : i32
    %max3A_526 = vector.broadcast %max3A_525 : i32 to vector<16xi32>
    %max3A_527 = arith.maxsi %get3A_524, %max3A_526 : vector<16xi32>
    %min3A_528 = arith.constant 127 : i32
    %min3A_529 = vector.broadcast %min3A_528 : i32 to vector<16xi32>
    %min3A_530 = arith.minsi %max3A_527, %min3A_529 : vector<16xi32>
    %gather3A_531 = tpu.vector_load_idx %arg8[%min3A_530] : memref<128xi32, #tpu.memory_space<vmem>>[vector<16xi32>], vector<16xi32>,
    %swap3A_532 = arith.constant 672 : index
    %swap3A_533 = tpu.vector_load %arg9[%swap3A_532] {strides = array<i32>} : memref<3136xi32, #tpu.memory_space<vmem>>, vector<16xi32>,
    tpu.vector_store %arg9[%swap3A_532], %gather3A_531 {strides = array<i32>} : memref<3136xi32, #tpu.memory_space<vmem>>, vector<16xi32>,
    %get3A_534 = arith.constant 688 : index
    %get3A_535 = tpu.vector_load %arg6[%get3A_534] {strides = array<i32>} : memref<3136xi32, #tpu.memory_space<vmem>>, vector<16xi32>,
    %max3A_536 = arith.constant 0 : i32
    %max3A_537 = vector.broadcast %max3A_536 : i32 to vector<16xi32>
    %max3A_538 = arith.maxsi %get3A_535, %max3A_537 : vector<16xi32>
    %min3A_539 = arith.constant 127 : i32
    %min3A_540 = vector.broadcast %min3A_539 : i32 to vector<16xi32>
    %min3A_541 = arith.minsi %max3A_538, %min3A_540 : vector<16xi32>
    %gather3A_542 = tpu.vector_load_idx %arg8[%min3A_541] : memref<128xi32, #tpu.memory_space<vmem>>[vector<16xi32>], vector<16xi32>,
    %swap3A_543 = arith.constant 688 : index
    %swap3A_544 = tpu.vector_load %arg9[%swap3A_543] {strides = array<i32>} : memref<3136xi32, #tpu.memory_space<vmem>>, vector<16xi32>,
    tpu.vector_store %arg9[%swap3A_543], %gather3A_542 {strides = array<i32>} : memref<3136xi32, #tpu.memory_space<vmem>>, vector<16xi32>,
    %get3A_545 = arith.constant 704 : index
    %get3A_546 = tpu.vector_load %arg6[%get3A_545] {strides = array<i32>} : memref<3136xi32, #tpu.memory_space<vmem>>, vector<16xi32>,
    %max3A_547 = arith.constant 0 : i32
    %max3A_548 = vector.broadcast %max3A_547 : i32 to vector<16xi32>
    %max3A_549 = arith.maxsi %get3A_546, %max3A_548 : vector<16xi32>
    %min3A_550 = arith.constant 127 : i32
    %min3A_551 = vector.broadcast %min3A_550 : i32 to vector<16xi32>
    %min3A_552 = arith.minsi %max3A_549, %min3A_551 : vector<16xi32>
    %gather3A_553 = tpu.vector_load_idx %arg8[%min3A_552] : memref<128xi32, #tpu.memory_space<vmem>>[vector<16xi32>], vector<16xi32>,
    %swap3A_554 = arith.constant 704 : index
    %swap3A_555 = tpu.vector_load %arg9[%swap3A_554] {strides = array<i32>} : memref<3136xi32, #tpu.memory_space<vmem>>, vector<16xi32>,
    tpu.vector_store %arg9[%swap3A_554], %gather3A_553 {strides = array<i32>} : memref<3136xi32, #tpu.memory_space<vmem>>, vector<16xi32>,
    %get3A_556 = arith.constant 720 : index
    %get3A_557 = tpu.vector_load %arg6[%get3A_556] {strides = array<i32>} : memref<3136xi32, #tpu.memory_space<vmem>>, vector<16xi32>,
    %max3A_558 = arith.constant 0 : i32
    %max3A_559 = vector.broadcast %max3A_558 : i32 to vector<16xi32>
    %max3A_560 = arith.maxsi %get3A_557, %max3A_559 : vector<16xi32>
    %min3A_561 = arith.constant 127 : i32
    %min3A_562 = vector.broadcast %min3A_561 : i32 to vector<16xi32>
    %min3A_563 = arith.minsi %max3A_560, %min3A_562 : vector<16xi32>
    %gather3A_564 = tpu.vector_load_idx %arg8[%min3A_563] : memref<128xi32, #tpu.memory_space<vmem>>[vector<16xi32>], vector<16xi32>,
    %swap3A_565 = arith.constant 720 : index
    %swap3A_566 = tpu.vector_load %arg9[%swap3A_565] {strides = array<i32>} : memref<3136xi32, #tpu.memory_space<vmem>>, vector<16xi32>,
    tpu.vector_store %arg9[%swap3A_565], %gather3A_564 {strides = array<i32>} : memref<3136xi32, #tpu.memory_space<vmem>>, vector<16xi32>,
    %get3A_567 = arith.constant 736 : index
    %get3A_568 = tpu.vector_load %arg6[%get3A_567] {strides = array<i32>} : memref<3136xi32, #tpu.memory_space<vmem>>, vector<16xi32>,
    %max3A_569 = arith.constant 0 : i32
    %max3A_570 = vector.broadcast %max3A_569 : i32 to vector<16xi32>
    %max3A_571 = arith.maxsi %get3A_568, %max3A_570 : vector<16xi32>
    %min3A_572 = arith.constant 127 : i32
    %min3A_573 = vector.broadcast %min3A_572 : i32 to vector<16xi32>
    %min3A_574 = arith.minsi %max3A_571, %min3A_573 : vector<16xi32>
    %gather3A_575 = tpu.vector_load_idx %arg8[%min3A_574] : memref<128xi32, #tpu.memory_space<vmem>>[vector<16xi32>], vector<16xi32>,
    %swap3A_576 = arith.constant 736 : index
    %swap3A_577 = tpu.vector_load %arg9[%swap3A_576] {strides = array<i32>} : memref<3136xi32, #tpu.memory_space<vmem>>, vector<16xi32>,
    tpu.vector_store %arg9[%swap3A_576], %gather3A_575 {strides = array<i32>} : memref<3136xi32, #tpu.memory_space<vmem>>, vector<16xi32>,
    %get3A_578 = arith.constant 752 : index
    %get3A_579 = tpu.vector_load %arg6[%get3A_578] {strides = array<i32>} : memref<3136xi32, #tpu.memory_space<vmem>>, vector<16xi32>,
    %max3A_580 = arith.constant 0 : i32
    %max3A_581 = vector.broadcast %max3A_580 : i32 to vector<16xi32>
    %max3A_582 = arith.maxsi %get3A_579, %max3A_581 : vector<16xi32>
    %min3A_583 = arith.constant 127 : i32
    %min3A_584 = vector.broadcast %min3A_583 : i32 to vector<16xi32>
    %min3A_585 = arith.minsi %max3A_582, %min3A_584 : vector<16xi32>
    %gather3A_586 = tpu.vector_load_idx %arg8[%min3A_585] : memref<128xi32, #tpu.memory_space<vmem>>[vector<16xi32>], vector<16xi32>,
    %swap3A_587 = arith.constant 752 : index
    %swap3A_588 = tpu.vector_load %arg9[%swap3A_587] {strides = array<i32>} : memref<3136xi32, #tpu.memory_space<vmem>>, vector<16xi32>,
    tpu.vector_store %arg9[%swap3A_587], %gather3A_586 {strides = array<i32>} : memref<3136xi32, #tpu.memory_space<vmem>>, vector<16xi32>,
    %get3A_589 = arith.constant 768 : index
    %get3A_590 = tpu.vector_load %arg6[%get3A_589] {strides = array<i32>} : memref<3136xi32, #tpu.memory_space<vmem>>, vector<16xi32>,
    %max3A_591 = arith.constant 0 : i32
    %max3A_592 = vector.broadcast %max3A_591 : i32 to vector<16xi32>
    %max3A_593 = arith.maxsi %get3A_590, %max3A_592 : vector<16xi32>
    %min3A_594 = arith.constant 127 : i32
    %min3A_595 = vector.broadcast %min3A_594 : i32 to vector<16xi32>
    %min3A_596 = arith.minsi %max3A_593, %min3A_595 : vector<16xi32>
    %gather3A_597 = tpu.vector_load_idx %arg8[%min3A_596] : memref<128xi32, #tpu.memory_space<vmem>>[vector<16xi32>], vector<16xi32>,
    %swap3A_598 = arith.constant 768 : index
    %swap3A_599 = tpu.vector_load %arg9[%swap3A_598] {strides = array<i32>} : memref<3136xi32, #tpu.memory_space<vmem>>, vector<16xi32>,
    tpu.vector_store %arg9[%swap3A_598], %gather3A_597 {strides = array<i32>} : memref<3136xi32, #tpu.memory_space<vmem>>, vector<16xi32>,
    %get3A_600 = arith.constant 784 : index
    %get3A_601 = tpu.vector_load %arg6[%get3A_600] {strides = array<i32>} : memref<3136xi32, #tpu.memory_space<vmem>>, vector<16xi32>,
    %max3A_602 = arith.constant 0 : i32
    %max3A_603 = vector.broadcast %max3A_602 : i32 to vector<16xi32>
    %max3A_604 = arith.maxsi %get3A_601, %max3A_603 : vector<16xi32>
    %min3A_605 = arith.constant 127 : i32
    %min3A_606 = vector.broadcast %min3A_605 : i32 to vector<16xi32>
    %min3A_607 = arith.minsi %max3A_604, %min3A_606 : vector<16xi32>
    %gather3A_608 = tpu.vector_load_idx %arg8[%min3A_607] : memref<128xi32, #tpu.memory_space<vmem>>[vector<16xi32>], vector<16xi32>,
    %swap3A_609 = arith.constant 784 : index
    %swap3A_610 = tpu.vector_load %arg9[%swap3A_609] {strides = array<i32>} : memref<3136xi32, #tpu.memory_space<vmem>>, vector<16xi32>,
    tpu.vector_store %arg9[%swap3A_609], %gather3A_608 {strides = array<i32>} : memref<3136xi32, #tpu.memory_space<vmem>>, vector<16xi32>,
    %get3A_611 = arith.constant 800 : index
    %get3A_612 = tpu.vector_load %arg6[%get3A_611] {strides = array<i32>} : memref<3136xi32, #tpu.memory_space<vmem>>, vector<16xi32>,
    %max3A_613 = arith.constant 0 : i32
    %max3A_614 = vector.broadcast %max3A_613 : i32 to vector<16xi32>
    %max3A_615 = arith.maxsi %get3A_612, %max3A_614 : vector<16xi32>
    %min3A_616 = arith.constant 127 : i32
    %min3A_617 = vector.broadcast %min3A_616 : i32 to vector<16xi32>
    %min3A_618 = arith.minsi %max3A_615, %min3A_617 : vector<16xi32>
    %gather3A_619 = tpu.vector_load_idx %arg8[%min3A_618] : memref<128xi32, #tpu.memory_space<vmem>>[vector<16xi32>], vector<16xi32>,
    %swap3A_620 = arith.constant 800 : index
    %swap3A_621 = tpu.vector_load %arg9[%swap3A_620] {strides = array<i32>} : memref<3136xi32, #tpu.memory_space<vmem>>, vector<16xi32>,
    tpu.vector_store %arg9[%swap3A_620], %gather3A_619 {strides = array<i32>} : memref<3136xi32, #tpu.memory_space<vmem>>, vector<16xi32>,
    %get3A_622 = arith.constant 816 : index
    %get3A_623 = tpu.vector_load %arg6[%get3A_622] {strides = array<i32>} : memref<3136xi32, #tpu.memory_space<vmem>>, vector<16xi32>,
    %max3A_624 = arith.constant 0 : i32
    %max3A_625 = vector.broadcast %max3A_624 : i32 to vector<16xi32>
    %max3A_626 = arith.maxsi %get3A_623, %max3A_625 : vector<16xi32>
    %min3A_627 = arith.constant 127 : i32
    %min3A_628 = vector.broadcast %min3A_627 : i32 to vector<16xi32>
    %min3A_629 = arith.minsi %max3A_626, %min3A_628 : vector<16xi32>
    %gather3A_630 = tpu.vector_load_idx %arg8[%min3A_629] : memref<128xi32, #tpu.memory_space<vmem>>[vector<16xi32>], vector<16xi32>,
    %swap3A_631 = arith.constant 816 : index
    %swap3A_632 = tpu.vector_load %arg9[%swap3A_631] {strides = array<i32>} : memref<3136xi32, #tpu.memory_space<vmem>>, vector<16xi32>,
    tpu.vector_store %arg9[%swap3A_631], %gather3A_630 {strides = array<i32>} : memref<3136xi32, #tpu.memory_space<vmem>>, vector<16xi32>,
    %get3A_633 = arith.constant 832 : index
    %get3A_634 = tpu.vector_load %arg6[%get3A_633] {strides = array<i32>} : memref<3136xi32, #tpu.memory_space<vmem>>, vector<16xi32>,
    %max3A_635 = arith.constant 0 : i32
    %max3A_636 = vector.broadcast %max3A_635 : i32 to vector<16xi32>
    %max3A_637 = arith.maxsi %get3A_634, %max3A_636 : vector<16xi32>
    %min3A_638 = arith.constant 127 : i32
    %min3A_639 = vector.broadcast %min3A_638 : i32 to vector<16xi32>
    %min3A_640 = arith.minsi %max3A_637, %min3A_639 : vector<16xi32>
    %gather3A_641 = tpu.vector_load_idx %arg8[%min3A_640] : memref<128xi32, #tpu.memory_space<vmem>>[vector<16xi32>], vector<16xi32>,
    %swap3A_642 = arith.constant 832 : index
    %swap3A_643 = tpu.vector_load %arg9[%swap3A_642] {strides = array<i32>} : memref<3136xi32, #tpu.memory_space<vmem>>, vector<16xi32>,
    tpu.vector_store %arg9[%swap3A_642], %gather3A_641 {strides = array<i32>} : memref<3136xi32, #tpu.memory_space<vmem>>, vector<16xi32>,
    %get3A_644 = arith.constant 848 : index
    %get3A_645 = tpu.vector_load %arg6[%get3A_644] {strides = array<i32>} : memref<3136xi32, #tpu.memory_space<vmem>>, vector<16xi32>,
    %max3A_646 = arith.constant 0 : i32
    %max3A_647 = vector.broadcast %max3A_646 : i32 to vector<16xi32>
    %max3A_648 = arith.maxsi %get3A_645, %max3A_647 : vector<16xi32>
    %min3A_649 = arith.constant 127 : i32
    %min3A_650 = vector.broadcast %min3A_649 : i32 to vector<16xi32>
    %min3A_651 = arith.minsi %max3A_648, %min3A_650 : vector<16xi32>
    %gather3A_652 = tpu.vector_load_idx %arg8[%min3A_651] : memref<128xi32, #tpu.memory_space<vmem>>[vector<16xi32>], vector<16xi32>,
    %swap3A_653 = arith.constant 848 : index
    %swap3A_654 = tpu.vector_load %arg9[%swap3A_653] {strides = array<i32>} : memref<3136xi32, #tpu.memory_space<vmem>>, vector<16xi32>,
    tpu.vector_store %arg9[%swap3A_653], %gather3A_652 {strides = array<i32>} : memref<3136xi32, #tpu.memory_space<vmem>>, vector<16xi32>,
    %get3A_655 = arith.constant 864 : index
    %get3A_656 = tpu.vector_load %arg6[%get3A_655] {strides = array<i32>} : memref<3136xi32, #tpu.memory_space<vmem>>, vector<16xi32>,
    %max3A_657 = arith.constant 0 : i32
    %max3A_658 = vector.broadcast %max3A_657 : i32 to vector<16xi32>
    %max3A_659 = arith.maxsi %get3A_656, %max3A_658 : vector<16xi32>
    %min3A_660 = arith.constant 127 : i32
    %min3A_661 = vector.broadcast %min3A_660 : i32 to vector<16xi32>
    %min3A_662 = arith.minsi %max3A_659, %min3A_661 : vector<16xi32>
    %gather3A_663 = tpu.vector_load_idx %arg8[%min3A_662] : memref<128xi32, #tpu.memory_space<vmem>>[vector<16xi32>], vector<16xi32>,
    %swap3A_664 = arith.constant 864 : index
    %swap3A_665 = tpu.vector_load %arg9[%swap3A_664] {strides = array<i32>} : memref<3136xi32, #tpu.memory_space<vmem>>, vector<16xi32>,
    tpu.vector_store %arg9[%swap3A_664], %gather3A_663 {strides = array<i32>} : memref<3136xi32, #tpu.memory_space<vmem>>, vector<16xi32>,
    %get3A_666 = arith.constant 880 : index
    %get3A_667 = tpu.vector_load %arg6[%get3A_666] {strides = array<i32>} : memref<3136xi32, #tpu.memory_space<vmem>>, vector<16xi32>,
    %max3A_668 = arith.constant 0 : i32
    %max3A_669 = vector.broadcast %max3A_668 : i32 to vector<16xi32>
    %max3A_670 = arith.maxsi %get3A_667, %max3A_669 : vector<16xi32>
    %min3A_671 = arith.constant 127 : i32
    %min3A_672 = vector.broadcast %min3A_671 : i32 to vector<16xi32>
    %min3A_673 = arith.minsi %max3A_670, %min3A_672 : vector<16xi32>
    %gather3A_674 = tpu.vector_load_idx %arg8[%min3A_673] : memref<128xi32, #tpu.memory_space<vmem>>[vector<16xi32>], vector<16xi32>,
    %swap3A_675 = arith.constant 880 : index
    %swap3A_676 = tpu.vector_load %arg9[%swap3A_675] {strides = array<i32>} : memref<3136xi32, #tpu.memory_space<vmem>>, vector<16xi32>,
    tpu.vector_store %arg9[%swap3A_675], %gather3A_674 {strides = array<i32>} : memref<3136xi32, #tpu.memory_space<vmem>>, vector<16xi32>,
    %get3A_677 = arith.constant 896 : index
    %get3A_678 = tpu.vector_load %arg6[%get3A_677] {strides = array<i32>} : memref<3136xi32, #tpu.memory_space<vmem>>, vector<16xi32>,
    %max3A_679 = arith.constant 0 : i32
    %max3A_680 = vector.broadcast %max3A_679 : i32 to vector<16xi32>
    %max3A_681 = arith.maxsi %get3A_678, %max3A_680 : vector<16xi32>
    %min3A_682 = arith.constant 127 : i32
    %min3A_683 = vector.broadcast %min3A_682 : i32 to vector<16xi32>
    %min3A_684 = arith.minsi %max3A_681, %min3A_683 : vector<16xi32>
    %gather3A_685 = tpu.vector_load_idx %arg8[%min3A_684] : memref<128xi32, #tpu.memory_space<vmem>>[vector<16xi32>], vector<16xi32>,
    %swap3A_686 = arith.constant 896 : index
    %swap3A_687 = tpu.vector_load %arg9[%swap3A_686] {strides = array<i32>} : memref<3136xi32, #tpu.memory_space<vmem>>, vector<16xi32>,
    tpu.vector_store %arg9[%swap3A_686], %gather3A_685 {strides = array<i32>} : memref<3136xi32, #tpu.memory_space<vmem>>, vector<16xi32>,
    %get3A_688 = arith.constant 912 : index
    %get3A_689 = tpu.vector_load %arg6[%get3A_688] {strides = array<i32>} : memref<3136xi32, #tpu.memory_space<vmem>>, vector<16xi32>,
    %max3A_690 = arith.constant 0 : i32
    %max3A_691 = vector.broadcast %max3A_690 : i32 to vector<16xi32>
    %max3A_692 = arith.maxsi %get3A_689, %max3A_691 : vector<16xi32>
    %min3A_693 = arith.constant 127 : i32
    %min3A_694 = vector.broadcast %min3A_693 : i32 to vector<16xi32>
    %min3A_695 = arith.minsi %max3A_692, %min3A_694 : vector<16xi32>
    %gather3A_696 = tpu.vector_load_idx %arg8[%min3A_695] : memref<128xi32, #tpu.memory_space<vmem>>[vector<16xi32>], vector<16xi32>,
    %swap3A_697 = arith.constant 912 : index
    %swap3A_698 = tpu.vector_load %arg9[%swap3A_697] {strides = array<i32>} : memref<3136xi32, #tpu.memory_space<vmem>>, vector<16xi32>,
    tpu.vector_store %arg9[%swap3A_697], %gather3A_696 {strides = array<i32>} : memref<3136xi32, #tpu.memory_space<vmem>>, vector<16xi32>,
    %get3A_699 = arith.constant 928 : index
    %get3A_700 = tpu.vector_load %arg6[%get3A_699] {strides = array<i32>} : memref<3136xi32, #tpu.memory_space<vmem>>, vector<16xi32>,
    %max3A_701 = arith.constant 0 : i32
    %max3A_702 = vector.broadcast %max3A_701 : i32 to vector<16xi32>
    %max3A_703 = arith.maxsi %get3A_700, %max3A_702 : vector<16xi32>
    %min3A_704 = arith.constant 127 : i32
    %min3A_705 = vector.broadcast %min3A_704 : i32 to vector<16xi32>
    %min3A_706 = arith.minsi %max3A_703, %min3A_705 : vector<16xi32>
    %gather3A_707 = tpu.vector_load_idx %arg8[%min3A_706] : memref<128xi32, #tpu.memory_space<vmem>>[vector<16xi32>], vector<16xi32>,
    %swap3A_708 = arith.constant 928 : index
    %swap3A_709 = tpu.vector_load %arg9[%swap3A_708] {strides = array<i32>} : memref<3136xi32, #tpu.memory_space<vmem>>, vector<16xi32>,
    tpu.vector_store %arg9[%swap3A_708], %gather3A_707 {strides = array<i32>} : memref<3136xi32, #tpu.memory_space<vmem>>, vector<16xi32>,
    %get3A_710 = arith.constant 944 : index
    %get3A_711 = tpu.vector_load %arg6[%get3A_710] {strides = array<i32>} : memref<3136xi32, #tpu.memory_space<vmem>>, vector<16xi32>,
    %max3A_712 = arith.constant 0 : i32
    %max3A_713 = vector.broadcast %max3A_712 : i32 to vector<16xi32>
    %max3A_714 = arith.maxsi %get3A_711, %max3A_713 : vector<16xi32>
    %min3A_715 = arith.constant 127 : i32
    %min3A_716 = vector.broadcast %min3A_715 : i32 to vector<16xi32>
    %min3A_717 = arith.minsi %max3A_714, %min3A_716 : vector<16xi32>
    %gather3A_718 = tpu.vector_load_idx %arg8[%min3A_717] : memref<128xi32, #tpu.memory_space<vmem>>[vector<16xi32>], vector<16xi32>,
    %swap3A_719 = arith.constant 944 : index
    %swap3A_720 = tpu.vector_load %arg9[%swap3A_719] {strides = array<i32>} : memref<3136xi32, #tpu.memory_space<vmem>>, vector<16xi32>,
    tpu.vector_store %arg9[%swap3A_719], %gather3A_718 {strides = array<i32>} : memref<3136xi32, #tpu.memory_space<vmem>>, vector<16xi32>,
    %get3A_721 = arith.constant 960 : index
    %get3A_722 = tpu.vector_load %arg6[%get3A_721] {strides = array<i32>} : memref<3136xi32, #tpu.memory_space<vmem>>, vector<16xi32>,
    %max3A_723 = arith.constant 0 : i32
    %max3A_724 = vector.broadcast %max3A_723 : i32 to vector<16xi32>
    %max3A_725 = arith.maxsi %get3A_722, %max3A_724 : vector<16xi32>
    %min3A_726 = arith.constant 127 : i32
    %min3A_727 = vector.broadcast %min3A_726 : i32 to vector<16xi32>
    %min3A_728 = arith.minsi %max3A_725, %min3A_727 : vector<16xi32>
    %gather3A_729 = tpu.vector_load_idx %arg8[%min3A_728] : memref<128xi32, #tpu.memory_space<vmem>>[vector<16xi32>], vector<16xi32>,
    %swap3A_730 = arith.constant 960 : index
    %swap3A_731 = tpu.vector_load %arg9[%swap3A_730] {strides = array<i32>} : memref<3136xi32, #tpu.memory_space<vmem>>, vector<16xi32>,
    tpu.vector_store %arg9[%swap3A_730], %gather3A_729 {strides = array<i32>} : memref<3136xi32, #tpu.memory_space<vmem>>, vector<16xi32>,
    %get3A_732 = arith.constant 976 : index
    %get3A_733 = tpu.vector_load %arg6[%get3A_732] {strides = array<i32>} : memref<3136xi32, #tpu.memory_space<vmem>>, vector<16xi32>,
    %max3A_734 = arith.constant 0 : i32
    %max3A_735 = vector.broadcast %max3A_734 : i32 to vector<16xi32>
    %max3A_736 = arith.maxsi %get3A_733, %max3A_735 : vector<16xi32>
    %min3A_737 = arith.constant 127 : i32
    %min3A_738 = vector.broadcast %min3A_737 : i32 to vector<16xi32>
    %min3A_739 = arith.minsi %max3A_736, %min3A_738 : vector<16xi32>
    %gather3A_740 = tpu.vector_load_idx %arg8[%min3A_739] : memref<128xi32, #tpu.memory_space<vmem>>[vector<16xi32>], vector<16xi32>,
    %swap3A_741 = arith.constant 976 : index
    %swap3A_742 = tpu.vector_load %arg9[%swap3A_741] {strides = array<i32>} : memref<3136xi32, #tpu.memory_space<vmem>>, vector<16xi32>,
    tpu.vector_store %arg9[%swap3A_741], %gather3A_740 {strides = array<i32>} : memref<3136xi32, #tpu.memory_space<vmem>>, vector<16xi32>,
    %get3A_743 = arith.constant 992 : index
    %get3A_744 = tpu.vector_load %arg6[%get3A_743] {strides = array<i32>} : memref<3136xi32, #tpu.memory_space<vmem>>, vector<16xi32>,
    %max3A_745 = arith.constant 0 : i32
    %max3A_746 = vector.broadcast %max3A_745 : i32 to vector<16xi32>
    %max3A_747 = arith.maxsi %get3A_744, %max3A_746 : vector<16xi32>
    %min3A_748 = arith.constant 127 : i32
    %min3A_749 = vector.broadcast %min3A_748 : i32 to vector<16xi32>
    %min3A_750 = arith.minsi %max3A_747, %min3A_749 : vector<16xi32>
    %gather3A_751 = tpu.vector_load_idx %arg8[%min3A_750] : memref<128xi32, #tpu.memory_space<vmem>>[vector<16xi32>], vector<16xi32>,
    %swap3A_752 = arith.constant 992 : index
    %swap3A_753 = tpu.vector_load %arg9[%swap3A_752] {strides = array<i32>} : memref<3136xi32, #tpu.memory_space<vmem>>, vector<16xi32>,
    tpu.vector_store %arg9[%swap3A_752], %gather3A_751 {strides = array<i32>} : memref<3136xi32, #tpu.memory_space<vmem>>, vector<16xi32>,
    %get3A_754 = arith.constant 1008 : index
    %get3A_755 = tpu.vector_load %arg6[%get3A_754] {strides = array<i32>} : memref<3136xi32, #tpu.memory_space<vmem>>, vector<16xi32>,
    %max3A_756 = arith.constant 0 : i32
    %max3A_757 = vector.broadcast %max3A_756 : i32 to vector<16xi32>
    %max3A_758 = arith.maxsi %get3A_755, %max3A_757 : vector<16xi32>
    %min3A_759 = arith.constant 127 : i32
    %min3A_760 = vector.broadcast %min3A_759 : i32 to vector<16xi32>
    %min3A_761 = arith.minsi %max3A_758, %min3A_760 : vector<16xi32>
    %gather3A_762 = tpu.vector_load_idx %arg8[%min3A_761] : memref<128xi32, #tpu.memory_space<vmem>>[vector<16xi32>], vector<16xi32>,
    %swap3A_763 = arith.constant 1008 : index
    %swap3A_764 = tpu.vector_load %arg9[%swap3A_763] {strides = array<i32>} : memref<3136xi32, #tpu.memory_space<vmem>>, vector<16xi32>,
    tpu.vector_store %arg9[%swap3A_763], %gather3A_762 {strides = array<i32>} : memref<3136xi32, #tpu.memory_space<vmem>>, vector<16xi32>,
    %get3A_765 = arith.constant 1024 : index
    %get3A_766 = tpu.vector_load %arg6[%get3A_765] {strides = array<i32>} : memref<3136xi32, #tpu.memory_space<vmem>>, vector<16xi32>,
    %max3A_767 = arith.constant 0 : i32
    %max3A_768 = vector.broadcast %max3A_767 : i32 to vector<16xi32>
    %max3A_769 = arith.maxsi %get3A_766, %max3A_768 : vector<16xi32>
    %min3A_770 = arith.constant 127 : i32
    %min3A_771 = vector.broadcast %min3A_770 : i32 to vector<16xi32>
    %min3A_772 = arith.minsi %max3A_769, %min3A_771 : vector<16xi32>
    %gather3A_773 = tpu.vector_load_idx %arg8[%min3A_772] : memref<128xi32, #tpu.memory_space<vmem>>[vector<16xi32>], vector<16xi32>,
    %swap3A_774 = arith.constant 1024 : index
    %swap3A_775 = tpu.vector_load %arg9[%swap3A_774] {strides = array<i32>} : memref<3136xi32, #tpu.memory_space<vmem>>, vector<16xi32>,
    tpu.vector_store %arg9[%swap3A_774], %gather3A_773 {strides = array<i32>} : memref<3136xi32, #tpu.memory_space<vmem>>, vector<16xi32>,
    %get3A_776 = arith.constant 1040 : index
    %get3A_777 = tpu.vector_load %arg6[%get3A_776] {strides = array<i32>} : memref<3136xi32, #tpu.memory_space<vmem>>, vector<16xi32>,
    %max3A_778 = arith.constant 0 : i32
    %max3A_779 = vector.broadcast %max3A_778 : i32 to vector<16xi32>
    %max3A_780 = arith.maxsi %get3A_777, %max3A_779 : vector<16xi32>
    %min3A_781 = arith.constant 127 : i32
    %min3A_782 = vector.broadcast %min3A_781 : i32 to vector<16xi32>
    %min3A_783 = arith.minsi %max3A_780, %min3A_782 : vector<16xi32>
    %gather3A_784 = tpu.vector_load_idx %arg8[%min3A_783] : memref<128xi32, #tpu.memory_space<vmem>>[vector<16xi32>], vector<16xi32>,
    %swap3A_785 = arith.constant 1040 : index
    %swap3A_786 = tpu.vector_load %arg9[%swap3A_785] {strides = array<i32>} : memref<3136xi32, #tpu.memory_space<vmem>>, vector<16xi32>,
    tpu.vector_store %arg9[%swap3A_785], %gather3A_784 {strides = array<i32>} : memref<3136xi32, #tpu.memory_space<vmem>>, vector<16xi32>,
    %get3A_787 = arith.constant 1056 : index
    %get3A_788 = tpu.vector_load %arg6[%get3A_787] {strides = array<i32>} : memref<3136xi32, #tpu.memory_space<vmem>>, vector<16xi32>,
    %max3A_789 = arith.constant 0 : i32
    %max3A_790 = vector.broadcast %max3A_789 : i32 to vector<16xi32>
    %max3A_791 = arith.maxsi %get3A_788, %max3A_790 : vector<16xi32>
    %min3A_792 = arith.constant 127 : i32
    %min3A_793 = vector.broadcast %min3A_792 : i32 to vector<16xi32>
    %min3A_794 = arith.minsi %max3A_791, %min3A_793 : vector<16xi32>
    %gather3A_795 = tpu.vector_load_idx %arg8[%min3A_794] : memref<128xi32, #tpu.memory_space<vmem>>[vector<16xi32>], vector<16xi32>,
    %swap3A_796 = arith.constant 1056 : index
    %swap3A_797 = tpu.vector_load %arg9[%swap3A_796] {strides = array<i32>} : memref<3136xi32, #tpu.memory_space<vmem>>, vector<16xi32>,
    tpu.vector_store %arg9[%swap3A_796], %gather3A_795 {strides = array<i32>} : memref<3136xi32, #tpu.memory_space<vmem>>, vector<16xi32>,
    %get3A_798 = arith.constant 1072 : index
    %get3A_799 = tpu.vector_load %arg6[%get3A_798] {strides = array<i32>} : memref<3136xi32, #tpu.memory_space<vmem>>, vector<16xi32>,
    %max3A_800 = arith.constant 0 : i32
    %max3A_801 = vector.broadcast %max3A_800 : i32 to vector<16xi32>
    %max3A_802 = arith.maxsi %get3A_799, %max3A_801 : vector<16xi32>
    %min3A_803 = arith.constant 127 : i32
    %min3A_804 = vector.broadcast %min3A_803 : i32 to vector<16xi32>
    %min3A_805 = arith.minsi %max3A_802, %min3A_804 : vector<16xi32>
    %gather3A_806 = tpu.vector_load_idx %arg8[%min3A_805] : memref<128xi32, #tpu.memory_space<vmem>>[vector<16xi32>], vector<16xi32>,
    %swap3A_807 = arith.constant 1072 : index
    %swap3A_808 = tpu.vector_load %arg9[%swap3A_807] {strides = array<i32>} : memref<3136xi32, #tpu.memory_space<vmem>>, vector<16xi32>,
    tpu.vector_store %arg9[%swap3A_807], %gather3A_806 {strides = array<i32>} : memref<3136xi32, #tpu.memory_space<vmem>>, vector<16xi32>,
    %get3A_809 = arith.constant 1088 : index
    %get3A_810 = tpu.vector_load %arg6[%get3A_809] {strides = array<i32>} : memref<3136xi32, #tpu.memory_space<vmem>>, vector<16xi32>,
    %max3A_811 = arith.constant 0 : i32
    %max3A_812 = vector.broadcast %max3A_811 : i32 to vector<16xi32>
    %max3A_813 = arith.maxsi %get3A_810, %max3A_812 : vector<16xi32>
    %min3A_814 = arith.constant 127 : i32
    %min3A_815 = vector.broadcast %min3A_814 : i32 to vector<16xi32>
    %min3A_816 = arith.minsi %max3A_813, %min3A_815 : vector<16xi32>
    %gather3A_817 = tpu.vector_load_idx %arg8[%min3A_816] : memref<128xi32, #tpu.memory_space<vmem>>[vector<16xi32>], vector<16xi32>,
    %swap3A_818 = arith.constant 1088 : index
    %swap3A_819 = tpu.vector_load %arg9[%swap3A_818] {strides = array<i32>} : memref<3136xi32, #tpu.memory_space<vmem>>, vector<16xi32>,
    tpu.vector_store %arg9[%swap3A_818], %gather3A_817 {strides = array<i32>} : memref<3136xi32, #tpu.memory_space<vmem>>, vector<16xi32>,
    %get3A_820 = arith.constant 1104 : index
    %get3A_821 = tpu.vector_load %arg6[%get3A_820] {strides = array<i32>} : memref<3136xi32, #tpu.memory_space<vmem>>, vector<16xi32>,
    %max3A_822 = arith.constant 0 : i32
    %max3A_823 = vector.broadcast %max3A_822 : i32 to vector<16xi32>
    %max3A_824 = arith.maxsi %get3A_821, %max3A_823 : vector<16xi32>
    %min3A_825 = arith.constant 127 : i32
    %min3A_826 = vector.broadcast %min3A_825 : i32 to vector<16xi32>
    %min3A_827 = arith.minsi %max3A_824, %min3A_826 : vector<16xi32>
    %gather3A_828 = tpu.vector_load_idx %arg8[%min3A_827] : memref<128xi32, #tpu.memory_space<vmem>>[vector<16xi32>], vector<16xi32>,
    %swap3A_829 = arith.constant 1104 : index
    %swap3A_830 = tpu.vector_load %arg9[%swap3A_829] {strides = array<i32>} : memref<3136xi32, #tpu.memory_space<vmem>>, vector<16xi32>,
    tpu.vector_store %arg9[%swap3A_829], %gather3A_828 {strides = array<i32>} : memref<3136xi32, #tpu.memory_space<vmem>>, vector<16xi32>,
    %get3A_831 = arith.constant 1120 : index
    %get3A_832 = tpu.vector_load %arg6[%get3A_831] {strides = array<i32>} : memref<3136xi32, #tpu.memory_space<vmem>>, vector<16xi32>,
    %max3A_833 = arith.constant 0 : i32
    %max3A_834 = vector.broadcast %max3A_833 : i32 to vector<16xi32>
    %max3A_835 = arith.maxsi %get3A_832, %max3A_834 : vector<16xi32>
    %min3A_836 = arith.constant 127 : i32
    %min3A_837 = vector.broadcast %min3A_836 : i32 to vector<16xi32>
    %min3A_838 = arith.minsi %max3A_835, %min3A_837 : vector<16xi32>
    %gather3A_839 = tpu.vector_load_idx %arg8[%min3A_838] : memref<128xi32, #tpu.memory_space<vmem>>[vector<16xi32>], vector<16xi32>,
    %swap3A_840 = arith.constant 1120 : index
    %swap3A_841 = tpu.vector_load %arg9[%swap3A_840] {strides = array<i32>} : memref<3136xi32, #tpu.memory_space<vmem>>, vector<16xi32>,
    tpu.vector_store %arg9[%swap3A_840], %gather3A_839 {strides = array<i32>} : memref<3136xi32, #tpu.memory_space<vmem>>, vector<16xi32>,
    %get3A_842 = arith.constant 1136 : index
    %get3A_843 = tpu.vector_load %arg6[%get3A_842] {strides = array<i32>} : memref<3136xi32, #tpu.memory_space<vmem>>, vector<16xi32>,
    %max3A_844 = arith.constant 0 : i32
    %max3A_845 = vector.broadcast %max3A_844 : i32 to vector<16xi32>
    %max3A_846 = arith.maxsi %get3A_843, %max3A_845 : vector<16xi32>
    %min3A_847 = arith.constant 127 : i32
    %min3A_848 = vector.broadcast %min3A_847 : i32 to vector<16xi32>
    %min3A_849 = arith.minsi %max3A_846, %min3A_848 : vector<16xi32>
    %gather3A_850 = tpu.vector_load_idx %arg8[%min3A_849] : memref<128xi32, #tpu.memory_space<vmem>>[vector<16xi32>], vector<16xi32>,
    %swap3A_851 = arith.constant 1136 : index
    %swap3A_852 = tpu.vector_load %arg9[%swap3A_851] {strides = array<i32>} : memref<3136xi32, #tpu.memory_space<vmem>>, vector<16xi32>,
    tpu.vector_store %arg9[%swap3A_851], %gather3A_850 {strides = array<i32>} : memref<3136xi32, #tpu.memory_space<vmem>>, vector<16xi32>,
    %get3A_853 = arith.constant 1152 : index
    %get3A_854 = tpu.vector_load %arg6[%get3A_853] {strides = array<i32>} : memref<3136xi32, #tpu.memory_space<vmem>>, vector<16xi32>,
    %max3A_855 = arith.constant 0 : i32
    %max3A_856 = vector.broadcast %max3A_855 : i32 to vector<16xi32>
    %max3A_857 = arith.maxsi %get3A_854, %max3A_856 : vector<16xi32>
    %min3A_858 = arith.constant 127 : i32
    %min3A_859 = vector.broadcast %min3A_858 : i32 to vector<16xi32>
    %min3A_860 = arith.minsi %max3A_857, %min3A_859 : vector<16xi32>
    %gather3A_861 = tpu.vector_load_idx %arg8[%min3A_860] : memref<128xi32, #tpu.memory_space<vmem>>[vector<16xi32>], vector<16xi32>,
    %swap3A_862 = arith.constant 1152 : index
    %swap3A_863 = tpu.vector_load %arg9[%swap3A_862] {strides = array<i32>} : memref<3136xi32, #tpu.memory_space<vmem>>, vector<16xi32>,
    tpu.vector_store %arg9[%swap3A_862], %gather3A_861 {strides = array<i32>} : memref<3136xi32, #tpu.memory_space<vmem>>, vector<16xi32>,
    %get3A_864 = arith.constant 1168 : index
    %get3A_865 = tpu.vector_load %arg6[%get3A_864] {strides = array<i32>} : memref<3136xi32, #tpu.memory_space<vmem>>, vector<16xi32>,
    %max3A_866 = arith.constant 0 : i32
    %max3A_867 = vector.broadcast %max3A_866 : i32 to vector<16xi32>
    %max3A_868 = arith.maxsi %get3A_865, %max3A_867 : vector<16xi32>
    %min3A_869 = arith.constant 127 : i32
    %min3A_870 = vector.broadcast %min3A_869 : i32 to vector<16xi32>
    %min3A_871 = arith.minsi %max3A_868, %min3A_870 : vector<16xi32>
    %gather3A_872 = tpu.vector_load_idx %arg8[%min3A_871] : memref<128xi32, #tpu.memory_space<vmem>>[vector<16xi32>], vector<16xi32>,
    %swap3A_873 = arith.constant 1168 : index
    %swap3A_874 = tpu.vector_load %arg9[%swap3A_873] {strides = array<i32>} : memref<3136xi32, #tpu.memory_space<vmem>>, vector<16xi32>,
    tpu.vector_store %arg9[%swap3A_873], %gather3A_872 {strides = array<i32>} : memref<3136xi32, #tpu.memory_space<vmem>>, vector<16xi32>,
    %get3A_875 = arith.constant 1184 : index
    %get3A_876 = tpu.vector_load %arg6[%get3A_875] {strides = array<i32>} : memref<3136xi32, #tpu.memory_space<vmem>>, vector<16xi32>,
    %max3A_877 = arith.constant 0 : i32
    %max3A_878 = vector.broadcast %max3A_877 : i32 to vector<16xi32>
    %max3A_879 = arith.maxsi %get3A_876, %max3A_878 : vector<16xi32>
    %min3A_880 = arith.constant 127 : i32
    %min3A_881 = vector.broadcast %min3A_880 : i32 to vector<16xi32>
    %min3A_882 = arith.minsi %max3A_879, %min3A_881 : vector<16xi32>
    %gather3A_883 = tpu.vector_load_idx %arg8[%min3A_882] : memref<128xi32, #tpu.memory_space<vmem>>[vector<16xi32>], vector<16xi32>,
    %swap3A_884 = arith.constant 1184 : index
    %swap3A_885 = tpu.vector_load %arg9[%swap3A_884] {strides = array<i32>} : memref<3136xi32, #tpu.memory_space<vmem>>, vector<16xi32>,
    tpu.vector_store %arg9[%swap3A_884], %gather3A_883 {strides = array<i32>} : memref<3136xi32, #tpu.memory_space<vmem>>, vector<16xi32>,
    %get3A_886 = arith.constant 1200 : index
    %get3A_887 = tpu.vector_load %arg6[%get3A_886] {strides = array<i32>} : memref<3136xi32, #tpu.memory_space<vmem>>, vector<16xi32>,
    %max3A_888 = arith.constant 0 : i32
    %max3A_889 = vector.broadcast %max3A_888 : i32 to vector<16xi32>
    %max3A_890 = arith.maxsi %get3A_887, %max3A_889 : vector<16xi32>
    %min3A_891 = arith.constant 127 : i32
    %min3A_892 = vector.broadcast %min3A_891 : i32 to vector<16xi32>
    %min3A_893 = arith.minsi %max3A_890, %min3A_892 : vector<16xi32>
    %gather3A_894 = tpu.vector_load_idx %arg8[%min3A_893] : memref<128xi32, #tpu.memory_space<vmem>>[vector<16xi32>], vector<16xi32>,
    %swap3A_895 = arith.constant 1200 : index
    %swap3A_896 = tpu.vector_load %arg9[%swap3A_895] {strides = array<i32>} : memref<3136xi32, #tpu.memory_space<vmem>>, vector<16xi32>,
    tpu.vector_store %arg9[%swap3A_895], %gather3A_894 {strides = array<i32>} : memref<3136xi32, #tpu.memory_space<vmem>>, vector<16xi32>,
    %get3A_897 = arith.constant 1216 : index
    %get3A_898 = tpu.vector_load %arg6[%get3A_897] {strides = array<i32>} : memref<3136xi32, #tpu.memory_space<vmem>>, vector<16xi32>,
    %max3A_899 = arith.constant 0 : i32
    %max3A_900 = vector.broadcast %max3A_899 : i32 to vector<16xi32>
    %max3A_901 = arith.maxsi %get3A_898, %max3A_900 : vector<16xi32>
    %min3A_902 = arith.constant 127 : i32
    %min3A_903 = vector.broadcast %min3A_902 : i32 to vector<16xi32>
    %min3A_904 = arith.minsi %max3A_901, %min3A_903 : vector<16xi32>
    %gather3A_905 = tpu.vector_load_idx %arg8[%min3A_904] : memref<128xi32, #tpu.memory_space<vmem>>[vector<16xi32>], vector<16xi32>,
    %swap3A_906 = arith.constant 1216 : index
    %swap3A_907 = tpu.vector_load %arg9[%swap3A_906] {strides = array<i32>} : memref<3136xi32, #tpu.memory_space<vmem>>, vector<16xi32>,
    tpu.vector_store %arg9[%swap3A_906], %gather3A_905 {strides = array<i32>} : memref<3136xi32, #tpu.memory_space<vmem>>, vector<16xi32>,
    %get3A_908 = arith.constant 1232 : index
    %get3A_909 = tpu.vector_load %arg6[%get3A_908] {strides = array<i32>} : memref<3136xi32, #tpu.memory_space<vmem>>, vector<16xi32>,
    %max3A_910 = arith.constant 0 : i32
    %max3A_911 = vector.broadcast %max3A_910 : i32 to vector<16xi32>
    %max3A_912 = arith.maxsi %get3A_909, %max3A_911 : vector<16xi32>
    %min3A_913 = arith.constant 127 : i32
    %min3A_914 = vector.broadcast %min3A_913 : i32 to vector<16xi32>
    %min3A_915 = arith.minsi %max3A_912, %min3A_914 : vector<16xi32>
    %gather3A_916 = tpu.vector_load_idx %arg8[%min3A_915] : memref<128xi32, #tpu.memory_space<vmem>>[vector<16xi32>], vector<16xi32>,
    %swap3A_917 = arith.constant 1232 : index
    %swap3A_918 = tpu.vector_load %arg9[%swap3A_917] {strides = array<i32>} : memref<3136xi32, #tpu.memory_space<vmem>>, vector<16xi32>,
    tpu.vector_store %arg9[%swap3A_917], %gather3A_916 {strides = array<i32>} : memref<3136xi32, #tpu.memory_space<vmem>>, vector<16xi32>,
    %get3A_919 = arith.constant 1248 : index
    %get3A_920 = tpu.vector_load %arg6[%get3A_919] {strides = array<i32>} : memref<3136xi32, #tpu.memory_space<vmem>>, vector<16xi32>,
    %max3A_921 = arith.constant 0 : i32
    %max3A_922 = vector.broadcast %max3A_921 : i32 to vector<16xi32>
    %max3A_923 = arith.maxsi %get3A_920, %max3A_922 : vector<16xi32>
    %min3A_924 = arith.constant 127 : i32
    %min3A_925 = vector.broadcast %min3A_924 : i32 to vector<16xi32>
    %min3A_926 = arith.minsi %max3A_923, %min3A_925 : vector<16xi32>
    %gather3A_927 = tpu.vector_load_idx %arg8[%min3A_926] : memref<128xi32, #tpu.memory_space<vmem>>[vector<16xi32>], vector<16xi32>,
    %swap3A_928 = arith.constant 1248 : index
    %swap3A_929 = tpu.vector_load %arg9[%swap3A_928] {strides = array<i32>} : memref<3136xi32, #tpu.memory_space<vmem>>, vector<16xi32>,
    tpu.vector_store %arg9[%swap3A_928], %gather3A_927 {strides = array<i32>} : memref<3136xi32, #tpu.memory_space<vmem>>, vector<16xi32>,
    %get3A_930 = arith.constant 1264 : index
    %get3A_931 = tpu.vector_load %arg6[%get3A_930] {strides = array<i32>} : memref<3136xi32, #tpu.memory_space<vmem>>, vector<16xi32>,
    %max3A_932 = arith.constant 0 : i32
    %max3A_933 = vector.broadcast %max3A_932 : i32 to vector<16xi32>
    %max3A_934 = arith.maxsi %get3A_931, %max3A_933 : vector<16xi32>
    %min3A_935 = arith.constant 127 : i32
    %min3A_936 = vector.broadcast %min3A_935 : i32 to vector<16xi32>
    %min3A_937 = arith.minsi %max3A_934, %min3A_936 : vector<16xi32>
    %gather3A_938 = tpu.vector_load_idx %arg8[%min3A_937] : memref<128xi32, #tpu.memory_space<vmem>>[vector<16xi32>], vector<16xi32>,
    %swap3A_939 = arith.constant 1264 : index
    %swap3A_940 = tpu.vector_load %arg9[%swap3A_939] {strides = array<i32>} : memref<3136xi32, #tpu.memory_space<vmem>>, vector<16xi32>,
    tpu.vector_store %arg9[%swap3A_939], %gather3A_938 {strides = array<i32>} : memref<3136xi32, #tpu.memory_space<vmem>>, vector<16xi32>,
    %get3A_941 = arith.constant 1280 : index
    %get3A_942 = tpu.vector_load %arg6[%get3A_941] {strides = array<i32>} : memref<3136xi32, #tpu.memory_space<vmem>>, vector<16xi32>,
    %max3A_943 = arith.constant 0 : i32
    %max3A_944 = vector.broadcast %max3A_943 : i32 to vector<16xi32>
    %max3A_945 = arith.maxsi %get3A_942, %max3A_944 : vector<16xi32>
    %min3A_946 = arith.constant 127 : i32
    %min3A_947 = vector.broadcast %min3A_946 : i32 to vector<16xi32>
    %min3A_948 = arith.minsi %max3A_945, %min3A_947 : vector<16xi32>
    %gather3A_949 = tpu.vector_load_idx %arg8[%min3A_948] : memref<128xi32, #tpu.memory_space<vmem>>[vector<16xi32>], vector<16xi32>,
    %swap3A_950 = arith.constant 1280 : index
    %swap3A_951 = tpu.vector_load %arg9[%swap3A_950] {strides = array<i32>} : memref<3136xi32, #tpu.memory_space<vmem>>, vector<16xi32>,
    tpu.vector_store %arg9[%swap3A_950], %gather3A_949 {strides = array<i32>} : memref<3136xi32, #tpu.memory_space<vmem>>, vector<16xi32>,
    %get3A_952 = arith.constant 1296 : index
    %get3A_953 = tpu.vector_load %arg6[%get3A_952] {strides = array<i32>} : memref<3136xi32, #tpu.memory_space<vmem>>, vector<16xi32>,
    %max3A_954 = arith.constant 0 : i32
    %max3A_955 = vector.broadcast %max3A_954 : i32 to vector<16xi32>
    %max3A_956 = arith.maxsi %get3A_953, %max3A_955 : vector<16xi32>
    %min3A_957 = arith.constant 127 : i32
    %min3A_958 = vector.broadcast %min3A_957 : i32 to vector<16xi32>
    %min3A_959 = arith.minsi %max3A_956, %min3A_958 : vector<16xi32>
    %gather3A_960 = tpu.vector_load_idx %arg8[%min3A_959] : memref<128xi32, #tpu.memory_space<vmem>>[vector<16xi32>], vector<16xi32>,
    %swap3A_961 = arith.constant 1296 : index
    %swap3A_962 = tpu.vector_load %arg9[%swap3A_961] {strides = array<i32>} : memref<3136xi32, #tpu.memory_space<vmem>>, vector<16xi32>,
    tpu.vector_store %arg9[%swap3A_961], %gather3A_960 {strides = array<i32>} : memref<3136xi32, #tpu.memory_space<vmem>>, vector<16xi32>,
    %get3A_963 = arith.constant 1312 : index
    %get3A_964 = tpu.vector_load %arg6[%get3A_963] {strides = array<i32>} : memref<3136xi32, #tpu.memory_space<vmem>>, vector<16xi32>,
    %max3A_965 = arith.constant 0 : i32
    %max3A_966 = vector.broadcast %max3A_965 : i32 to vector<16xi32>
    %max3A_967 = arith.maxsi %get3A_964, %max3A_966 : vector<16xi32>
    %min3A_968 = arith.constant 127 : i32
    %min3A_969 = vector.broadcast %min3A_968 : i32 to vector<16xi32>
    %min3A_970 = arith.minsi %max3A_967, %min3A_969 : vector<16xi32>
    %gather3A_971 = tpu.vector_load_idx %arg8[%min3A_970] : memref<128xi32, #tpu.memory_space<vmem>>[vector<16xi32>], vector<16xi32>,
    %swap3A_972 = arith.constant 1312 : index
    %swap3A_973 = tpu.vector_load %arg9[%swap3A_972] {strides = array<i32>} : memref<3136xi32, #tpu.memory_space<vmem>>, vector<16xi32>,
    tpu.vector_store %arg9[%swap3A_972], %gather3A_971 {strides = array<i32>} : memref<3136xi32, #tpu.memory_space<vmem>>, vector<16xi32>,
    %get3A_974 = arith.constant 1328 : index
    %get3A_975 = tpu.vector_load %arg6[%get3A_974] {strides = array<i32>} : memref<3136xi32, #tpu.memory_space<vmem>>, vector<16xi32>,
    %max3A_976 = arith.constant 0 : i32
    %max3A_977 = vector.broadcast %max3A_976 : i32 to vector<16xi32>
    %max3A_978 = arith.maxsi %get3A_975, %max3A_977 : vector<16xi32>
    %min3A_979 = arith.constant 127 : i32
    %min3A_980 = vector.broadcast %min3A_979 : i32 to vector<16xi32>
    %min3A_981 = arith.minsi %max3A_978, %min3A_980 : vector<16xi32>
    %gather3A_982 = tpu.vector_load_idx %arg8[%min3A_981] : memref<128xi32, #tpu.memory_space<vmem>>[vector<16xi32>], vector<16xi32>,
    %swap3A_983 = arith.constant 1328 : index
    %swap3A_984 = tpu.vector_load %arg9[%swap3A_983] {strides = array<i32>} : memref<3136xi32, #tpu.memory_space<vmem>>, vector<16xi32>,
    tpu.vector_store %arg9[%swap3A_983], %gather3A_982 {strides = array<i32>} : memref<3136xi32, #tpu.memory_space<vmem>>, vector<16xi32>,
    %get3A_985 = arith.constant 1344 : index
    %get3A_986 = tpu.vector_load %arg6[%get3A_985] {strides = array<i32>} : memref<3136xi32, #tpu.memory_space<vmem>>, vector<16xi32>,
    %max3A_987 = arith.constant 0 : i32
    %max3A_988 = vector.broadcast %max3A_987 : i32 to vector<16xi32>
    %max3A_989 = arith.maxsi %get3A_986, %max3A_988 : vector<16xi32>
    %min3A_990 = arith.constant 127 : i32
    %min3A_991 = vector.broadcast %min3A_990 : i32 to vector<16xi32>
    %min3A_992 = arith.minsi %max3A_989, %min3A_991 : vector<16xi32>
    %gather3A_993 = tpu.vector_load_idx %arg8[%min3A_992] : memref<128xi32, #tpu.memory_space<vmem>>[vector<16xi32>], vector<16xi32>,
    %swap3A_994 = arith.constant 1344 : index
    %swap3A_995 = tpu.vector_load %arg9[%swap3A_994] {strides = array<i32>} : memref<3136xi32, #tpu.memory_space<vmem>>, vector<16xi32>,
    tpu.vector_store %arg9[%swap3A_994], %gather3A_993 {strides = array<i32>} : memref<3136xi32, #tpu.memory_space<vmem>>, vector<16xi32>,
    %get3A_996 = arith.constant 1360 : index
    %get3A_997 = tpu.vector_load %arg6[%get3A_996] {strides = array<i32>} : memref<3136xi32, #tpu.memory_space<vmem>>, vector<16xi32>,
    %max3A_998 = arith.constant 0 : i32
    %max3A_999 = vector.broadcast %max3A_998 : i32 to vector<16xi32>
    %max3A_1000 = arith.maxsi %get3A_997, %max3A_999 : vector<16xi32>
    %min3A_1001 = arith.constant 127 : i32
    %min3A_1002 = vector.broadcast %min3A_1001 : i32 to vector<16xi32>
    %min3A_1003 = arith.minsi %max3A_1000, %min3A_1002 : vector<16xi32>
    %gather3A_1004 = tpu.vector_load_idx %arg8[%min3A_1003] : memref<128xi32, #tpu.memory_space<vmem>>[vector<16xi32>], vector<16xi32>,
    %swap3A_1005 = arith.constant 1360 : index
    %swap3A_1006 = tpu.vector_load %arg9[%swap3A_1005] {strides = array<i32>} : memref<3136xi32, #tpu.memory_space<vmem>>, vector<16xi32>,
    tpu.vector_store %arg9[%swap3A_1005], %gather3A_1004 {strides = array<i32>} : memref<3136xi32, #tpu.memory_space<vmem>>, vector<16xi32>,
    %get3A_1007 = arith.constant 1376 : index
    %get3A_1008 = tpu.vector_load %arg6[%get3A_1007] {strides = array<i32>} : memref<3136xi32, #tpu.memory_space<vmem>>, vector<16xi32>,
    %max3A_1009 = arith.constant 0 : i32
    %max3A_1010 = vector.broadcast %max3A_1009 : i32 to vector<16xi32>
    %max3A_1011 = arith.maxsi %get3A_1008, %max3A_1010 : vector<16xi32>
    %min3A_1012 = arith.constant 127 : i32
    %min3A_1013 = vector.broadcast %min3A_1012 : i32 to vector<16xi32>
    %min3A_1014 = arith.minsi %max3A_1011, %min3A_1013 : vector<16xi32>
    %gather3A_1015 = tpu.vector_load_idx %arg8[%min3A_1014] : memref<128xi32, #tpu.memory_space<vmem>>[vector<16xi32>], vector<16xi32>,
    %swap3A_1016 = arith.constant 1376 : index
    %swap3A_1017 = tpu.vector_load %arg9[%swap3A_1016] {strides = array<i32>} : memref<3136xi32, #tpu.memory_space<vmem>>, vector<16xi32>,
    tpu.vector_store %arg9[%swap3A_1016], %gather3A_1015 {strides = array<i32>} : memref<3136xi32, #tpu.memory_space<vmem>>, vector<16xi32>,
    %get3A_1018 = arith.constant 1392 : index
    %get3A_1019 = tpu.vector_load %arg6[%get3A_1018] {strides = array<i32>} : memref<3136xi32, #tpu.memory_space<vmem>>, vector<16xi32>,
    %max3A_1020 = arith.constant 0 : i32
    %max3A_1021 = vector.broadcast %max3A_1020 : i32 to vector<16xi32>
    %max3A_1022 = arith.maxsi %get3A_1019, %max3A_1021 : vector<16xi32>
    %min3A_1023 = arith.constant 127 : i32
    %min3A_1024 = vector.broadcast %min3A_1023 : i32 to vector<16xi32>
    %min3A_1025 = arith.minsi %max3A_1022, %min3A_1024 : vector<16xi32>
    %gather3A_1026 = tpu.vector_load_idx %arg8[%min3A_1025] : memref<128xi32, #tpu.memory_space<vmem>>[vector<16xi32>], vector<16xi32>,
    %swap3A_1027 = arith.constant 1392 : index
    %swap3A_1028 = tpu.vector_load %arg9[%swap3A_1027] {strides = array<i32>} : memref<3136xi32, #tpu.memory_space<vmem>>, vector<16xi32>,
    tpu.vector_store %arg9[%swap3A_1027], %gather3A_1026 {strides = array<i32>} : memref<3136xi32, #tpu.memory_space<vmem>>, vector<16xi32>,
    %get3A_1029 = arith.constant 1408 : index
    %get3A_1030 = tpu.vector_load %arg6[%get3A_1029] {strides = array<i32>} : memref<3136xi32, #tpu.memory_space<vmem>>, vector<16xi32>,
    %max3A_1031 = arith.constant 0 : i32
    %max3A_1032 = vector.broadcast %max3A_1031 : i32 to vector<16xi32>
    %max3A_1033 = arith.maxsi %get3A_1030, %max3A_1032 : vector<16xi32>
    %min3A_1034 = arith.constant 127 : i32
    %min3A_1035 = vector.broadcast %min3A_1034 : i32 to vector<16xi32>
    %min3A_1036 = arith.minsi %max3A_1033, %min3A_1035 : vector<16xi32>
    %gather3A_1037 = tpu.vector_load_idx %arg8[%min3A_1036] : memref<128xi32, #tpu.memory_space<vmem>>[vector<16xi32>], vector<16xi32>,
    %swap3A_1038 = arith.constant 1408 : index
    %swap3A_1039 = tpu.vector_load %arg9[%swap3A_1038] {strides = array<i32>} : memref<3136xi32, #tpu.memory_space<vmem>>, vector<16xi32>,
    tpu.vector_store %arg9[%swap3A_1038], %gather3A_1037 {strides = array<i32>} : memref<3136xi32, #tpu.memory_space<vmem>>, vector<16xi32>,
    %get3A_1040 = arith.constant 1424 : index
    %get3A_1041 = tpu.vector_load %arg6[%get3A_1040] {strides = array<i32>} : memref<3136xi32, #tpu.memory_space<vmem>>, vector<16xi32>,
    %max3A_1042 = arith.constant 0 : i32
    %max3A_1043 = vector.broadcast %max3A_1042 : i32 to vector<16xi32>
    %max3A_1044 = arith.maxsi %get3A_1041, %max3A_1043 : vector<16xi32>
    %min3A_1045 = arith.constant 127 : i32
    %min3A_1046 = vector.broadcast %min3A_1045 : i32 to vector<16xi32>
    %min3A_1047 = arith.minsi %max3A_1044, %min3A_1046 : vector<16xi32>
    %gather3A_1048 = tpu.vector_load_idx %arg8[%min3A_1047] : memref<128xi32, #tpu.memory_space<vmem>>[vector<16xi32>], vector<16xi32>,
    %swap3A_1049 = arith.constant 1424 : index
    %swap3A_1050 = tpu.vector_load %arg9[%swap3A_1049] {strides = array<i32>} : memref<3136xi32, #tpu.memory_space<vmem>>, vector<16xi32>,
    tpu.vector_store %arg9[%swap3A_1049], %gather3A_1048 {strides = array<i32>} : memref<3136xi32, #tpu.memory_space<vmem>>, vector<16xi32>,
    %get3A_1051 = arith.constant 1440 : index
    %get3A_1052 = tpu.vector_load %arg6[%get3A_1051] {strides = array<i32>} : memref<3136xi32, #tpu.memory_space<vmem>>, vector<16xi32>,
    %max3A_1053 = arith.constant 0 : i32
    %max3A_1054 = vector.broadcast %max3A_1053 : i32 to vector<16xi32>
    %max3A_1055 = arith.maxsi %get3A_1052, %max3A_1054 : vector<16xi32>
    %min3A_1056 = arith.constant 127 : i32
    %min3A_1057 = vector.broadcast %min3A_1056 : i32 to vector<16xi32>
    %min3A_1058 = arith.minsi %max3A_1055, %min3A_1057 : vector<16xi32>
    %gather3A_1059 = tpu.vector_load_idx %arg8[%min3A_1058] : memref<128xi32, #tpu.memory_space<vmem>>[vector<16xi32>], vector<16xi32>,
    %swap3A_1060 = arith.constant 1440 : index
    %swap3A_1061 = tpu.vector_load %arg9[%swap3A_1060] {strides = array<i32>} : memref<3136xi32, #tpu.memory_space<vmem>>, vector<16xi32>,
    tpu.vector_store %arg9[%swap3A_1060], %gather3A_1059 {strides = array<i32>} : memref<3136xi32, #tpu.memory_space<vmem>>, vector<16xi32>,
    %get3A_1062 = arith.constant 1456 : index
    %get3A_1063 = tpu.vector_load %arg6[%get3A_1062] {strides = array<i32>} : memref<3136xi32, #tpu.memory_space<vmem>>, vector<16xi32>,
    %max3A_1064 = arith.constant 0 : i32
    %max3A_1065 = vector.broadcast %max3A_1064 : i32 to vector<16xi32>
    %max3A_1066 = arith.maxsi %get3A_1063, %max3A_1065 : vector<16xi32>
    %min3A_1067 = arith.constant 127 : i32
    %min3A_1068 = vector.broadcast %min3A_1067 : i32 to vector<16xi32>
    %min3A_1069 = arith.minsi %max3A_1066, %min3A_1068 : vector<16xi32>
    %gather3A_1070 = tpu.vector_load_idx %arg8[%min3A_1069] : memref<128xi32, #tpu.memory_space<vmem>>[vector<16xi32>], vector<16xi32>,
    %swap3A_1071 = arith.constant 1456 : index
    %swap3A_1072 = tpu.vector_load %arg9[%swap3A_1071] {strides = array<i32>} : memref<3136xi32, #tpu.memory_space<vmem>>, vector<16xi32>,
    tpu.vector_store %arg9[%swap3A_1071], %gather3A_1070 {strides = array<i32>} : memref<3136xi32, #tpu.memory_space<vmem>>, vector<16xi32>,
    %get3A_1073 = arith.constant 1472 : index
    %get3A_1074 = tpu.vector_load %arg6[%get3A_1073] {strides = array<i32>} : memref<3136xi32, #tpu.memory_space<vmem>>, vector<16xi32>,
    %max3A_1075 = arith.constant 0 : i32
    %max3A_1076 = vector.broadcast %max3A_1075 : i32 to vector<16xi32>
    %max3A_1077 = arith.maxsi %get3A_1074, %max3A_1076 : vector<16xi32>
    %min3A_1078 = arith.constant 127 : i32
    %min3A_1079 = vector.broadcast %min3A_1078 : i32 to vector<16xi32>
    %min3A_1080 = arith.minsi %max3A_1077, %min3A_1079 : vector<16xi32>
    %gather3A_1081 = tpu.vector_load_idx %arg8[%min3A_1080] : memref<128xi32, #tpu.memory_space<vmem>>[vector<16xi32>], vector<16xi32>,
    %swap3A_1082 = arith.constant 1472 : index
    %swap3A_1083 = tpu.vector_load %arg9[%swap3A_1082] {strides = array<i32>} : memref<3136xi32, #tpu.memory_space<vmem>>, vector<16xi32>,
    tpu.vector_store %arg9[%swap3A_1082], %gather3A_1081 {strides = array<i32>} : memref<3136xi32, #tpu.memory_space<vmem>>, vector<16xi32>,
    %get3A_1084 = arith.constant 1488 : index
    %get3A_1085 = tpu.vector_load %arg6[%get3A_1084] {strides = array<i32>} : memref<3136xi32, #tpu.memory_space<vmem>>, vector<16xi32>,
    %max3A_1086 = arith.constant 0 : i32
    %max3A_1087 = vector.broadcast %max3A_1086 : i32 to vector<16xi32>
    %max3A_1088 = arith.maxsi %get3A_1085, %max3A_1087 : vector<16xi32>
    %min3A_1089 = arith.constant 127 : i32
    %min3A_1090 = vector.broadcast %min3A_1089 : i32 to vector<16xi32>
    %min3A_1091 = arith.minsi %max3A_1088, %min3A_1090 : vector<16xi32>
    %gather3A_1092 = tpu.vector_load_idx %arg8[%min3A_1091] : memref<128xi32, #tpu.memory_space<vmem>>[vector<16xi32>], vector<16xi32>,
    %swap3A_1093 = arith.constant 1488 : index
    %swap3A_1094 = tpu.vector_load %arg9[%swap3A_1093] {strides = array<i32>} : memref<3136xi32, #tpu.memory_space<vmem>>, vector<16xi32>,
    tpu.vector_store %arg9[%swap3A_1093], %gather3A_1092 {strides = array<i32>} : memref<3136xi32, #tpu.memory_space<vmem>>, vector<16xi32>,
    %get3A_1095 = arith.constant 1504 : index
    %get3A_1096 = tpu.vector_load %arg6[%get3A_1095] {strides = array<i32>} : memref<3136xi32, #tpu.memory_space<vmem>>, vector<16xi32>,
    %max3A_1097 = arith.constant 0 : i32
    %max3A_1098 = vector.broadcast %max3A_1097 : i32 to vector<16xi32>
    %max3A_1099 = arith.maxsi %get3A_1096, %max3A_1098 : vector<16xi32>
    %min3A_1100 = arith.constant 127 : i32
    %min3A_1101 = vector.broadcast %min3A_1100 : i32 to vector<16xi32>
    %min3A_1102 = arith.minsi %max3A_1099, %min3A_1101 : vector<16xi32>
    %gather3A_1103 = tpu.vector_load_idx %arg8[%min3A_1102] : memref<128xi32, #tpu.memory_space<vmem>>[vector<16xi32>], vector<16xi32>,
    %swap3A_1104 = arith.constant 1504 : index
    %swap3A_1105 = tpu.vector_load %arg9[%swap3A_1104] {strides = array<i32>} : memref<3136xi32, #tpu.memory_space<vmem>>, vector<16xi32>,
    tpu.vector_store %arg9[%swap3A_1104], %gather3A_1103 {strides = array<i32>} : memref<3136xi32, #tpu.memory_space<vmem>>, vector<16xi32>,
    %get3A_1106 = arith.constant 1520 : index
    %get3A_1107 = tpu.vector_load %arg6[%get3A_1106] {strides = array<i32>} : memref<3136xi32, #tpu.memory_space<vmem>>, vector<16xi32>,
    %max3A_1108 = arith.constant 0 : i32
    %max3A_1109 = vector.broadcast %max3A_1108 : i32 to vector<16xi32>
    %max3A_1110 = arith.maxsi %get3A_1107, %max3A_1109 : vector<16xi32>
    %min3A_1111 = arith.constant 127 : i32
    %min3A_1112 = vector.broadcast %min3A_1111 : i32 to vector<16xi32>
    %min3A_1113 = arith.minsi %max3A_1110, %min3A_1112 : vector<16xi32>
    %gather3A_1114 = tpu.vector_load_idx %arg8[%min3A_1113] : memref<128xi32, #tpu.memory_space<vmem>>[vector<16xi32>], vector<16xi32>,
    %swap3A_1115 = arith.constant 1520 : index
    %swap3A_1116 = tpu.vector_load %arg9[%swap3A_1115] {strides = array<i32>} : memref<3136xi32, #tpu.memory_space<vmem>>, vector<16xi32>,
    tpu.vector_store %arg9[%swap3A_1115], %gather3A_1114 {strides = array<i32>} : memref<3136xi32, #tpu.memory_space<vmem>>, vector<16xi32>,
    %get3A_1117 = arith.constant 1536 : index
    %get3A_1118 = tpu.vector_load %arg6[%get3A_1117] {strides = array<i32>} : memref<3136xi32, #tpu.memory_space<vmem>>, vector<16xi32>,
    %max3A_1119 = arith.constant 0 : i32
    %max3A_1120 = vector.broadcast %max3A_1119 : i32 to vector<16xi32>
    %max3A_1121 = arith.maxsi %get3A_1118, %max3A_1120 : vector<16xi32>
    %min3A_1122 = arith.constant 127 : i32
    %min3A_1123 = vector.broadcast %min3A_1122 : i32 to vector<16xi32>
    %min3A_1124 = arith.minsi %max3A_1121, %min3A_1123 : vector<16xi32>
    %gather3A_1125 = tpu.vector_load_idx %arg8[%min3A_1124] : memref<128xi32, #tpu.memory_space<vmem>>[vector<16xi32>], vector<16xi32>,
    %swap3A_1126 = arith.constant 1536 : index
    %swap3A_1127 = tpu.vector_load %arg9[%swap3A_1126] {strides = array<i32>} : memref<3136xi32, #tpu.memory_space<vmem>>, vector<16xi32>,
    tpu.vector_store %arg9[%swap3A_1126], %gather3A_1125 {strides = array<i32>} : memref<3136xi32, #tpu.memory_space<vmem>>, vector<16xi32>,
    %get3A_1128 = arith.constant 1552 : index
    %get3A_1129 = tpu.vector_load %arg6[%get3A_1128] {strides = array<i32>} : memref<3136xi32, #tpu.memory_space<vmem>>, vector<16xi32>,
    %max3A_1130 = arith.constant 0 : i32
    %max3A_1131 = vector.broadcast %max3A_1130 : i32 to vector<16xi32>
    %max3A_1132 = arith.maxsi %get3A_1129, %max3A_1131 : vector<16xi32>
    %min3A_1133 = arith.constant 127 : i32
    %min3A_1134 = vector.broadcast %min3A_1133 : i32 to vector<16xi32>
    %min3A_1135 = arith.minsi %max3A_1132, %min3A_1134 : vector<16xi32>
    %gather3A_1136 = tpu.vector_load_idx %arg8[%min3A_1135] : memref<128xi32, #tpu.memory_space<vmem>>[vector<16xi32>], vector<16xi32>,
    %swap3A_1137 = arith.constant 1552 : index
    %swap3A_1138 = tpu.vector_load %arg9[%swap3A_1137] {strides = array<i32>} : memref<3136xi32, #tpu.memory_space<vmem>>, vector<16xi32>,
    tpu.vector_store %arg9[%swap3A_1137], %gather3A_1136 {strides = array<i32>} : memref<3136xi32, #tpu.memory_space<vmem>>, vector<16xi32>,
    %get3A_1139 = arith.constant 1568 : index
    %get3A_1140 = tpu.vector_load %arg6[%get3A_1139] {strides = array<i32>} : memref<3136xi32, #tpu.memory_space<vmem>>, vector<16xi32>,
    %max3A_1141 = arith.constant 0 : i32
    %max3A_1142 = vector.broadcast %max3A_1141 : i32 to vector<16xi32>
    %max3A_1143 = arith.maxsi %get3A_1140, %max3A_1142 : vector<16xi32>
    %min3A_1144 = arith.constant 127 : i32
    %min3A_1145 = vector.broadcast %min3A_1144 : i32 to vector<16xi32>
    %min3A_1146 = arith.minsi %max3A_1143, %min3A_1145 : vector<16xi32>
    %gather3A_1147 = tpu.vector_load_idx %arg8[%min3A_1146] : memref<128xi32, #tpu.memory_space<vmem>>[vector<16xi32>], vector<16xi32>,
    %swap3A_1148 = arith.constant 1568 : index
    %swap3A_1149 = tpu.vector_load %arg9[%swap3A_1148] {strides = array<i32>} : memref<3136xi32, #tpu.memory_space<vmem>>, vector<16xi32>,
    tpu.vector_store %arg9[%swap3A_1148], %gather3A_1147 {strides = array<i32>} : memref<3136xi32, #tpu.memory_space<vmem>>, vector<16xi32>,
    %get3A_1150 = arith.constant 1584 : index
    %get3A_1151 = tpu.vector_load %arg6[%get3A_1150] {strides = array<i32>} : memref<3136xi32, #tpu.memory_space<vmem>>, vector<16xi32>,
    %max3A_1152 = arith.constant 0 : i32
    %max3A_1153 = vector.broadcast %max3A_1152 : i32 to vector<16xi32>
    %max3A_1154 = arith.maxsi %get3A_1151, %max3A_1153 : vector<16xi32>
    %min3A_1155 = arith.constant 127 : i32
    %min3A_1156 = vector.broadcast %min3A_1155 : i32 to vector<16xi32>
    %min3A_1157 = arith.minsi %max3A_1154, %min3A_1156 : vector<16xi32>
    %gather3A_1158 = tpu.vector_load_idx %arg8[%min3A_1157] : memref<128xi32, #tpu.memory_space<vmem>>[vector<16xi32>], vector<16xi32>,
    %swap3A_1159 = arith.constant 1584 : index
    %swap3A_1160 = tpu.vector_load %arg9[%swap3A_1159] {strides = array<i32>} : memref<3136xi32, #tpu.memory_space<vmem>>, vector<16xi32>,
    tpu.vector_store %arg9[%swap3A_1159], %gather3A_1158 {strides = array<i32>} : memref<3136xi32, #tpu.memory_space<vmem>>, vector<16xi32>,
    %get3A_1161 = arith.constant 1600 : index
    %get3A_1162 = tpu.vector_load %arg6[%get3A_1161] {strides = array<i32>} : memref<3136xi32, #tpu.memory_space<vmem>>, vector<16xi32>,
    %max3A_1163 = arith.constant 0 : i32
    %max3A_1164 = vector.broadcast %max3A_1163 : i32 to vector<16xi32>
    %max3A_1165 = arith.maxsi %get3A_1162, %max3A_1164 : vector<16xi32>
    %min3A_1166 = arith.constant 127 : i32
    %min3A_1167 = vector.broadcast %min3A_1166 : i32 to vector<16xi32>
    %min3A_1168 = arith.minsi %max3A_1165, %min3A_1167 : vector<16xi32>
    %gather3A_1169 = tpu.vector_load_idx %arg8[%min3A_1168] : memref<128xi32, #tpu.memory_space<vmem>>[vector<16xi32>], vector<16xi32>,
    %swap3A_1170 = arith.constant 1600 : index
    %swap3A_1171 = tpu.vector_load %arg9[%swap3A_1170] {strides = array<i32>} : memref<3136xi32, #tpu.memory_space<vmem>>, vector<16xi32>,
    tpu.vector_store %arg9[%swap3A_1170], %gather3A_1169 {strides = array<i32>} : memref<3136xi32, #tpu.memory_space<vmem>>, vector<16xi32>,
    %get3A_1172 = arith.constant 1616 : index
    %get3A_1173 = tpu.vector_load %arg6[%get3A_1172] {strides = array<i32>} : memref<3136xi32, #tpu.memory_space<vmem>>, vector<16xi32>,
    %max3A_1174 = arith.constant 0 : i32
    %max3A_1175 = vector.broadcast %max3A_1174 : i32 to vector<16xi32>
    %max3A_1176 = arith.maxsi %get3A_1173, %max3A_1175 : vector<16xi32>
    %min3A_1177 = arith.constant 127 : i32
    %min3A_1178 = vector.broadcast %min3A_1177 : i32 to vector<16xi32>
    %min3A_1179 = arith.minsi %max3A_1176, %min3A_1178 : vector<16xi32>
    %gather3A_1180 = tpu.vector_load_idx %arg8[%min3A_1179] : memref<128xi32, #tpu.memory_space<vmem>>[vector<16xi32>], vector<16xi32>,
    %swap3A_1181 = arith.constant 1616 : index
    %swap3A_1182 = tpu.vector_load %arg9[%swap3A_1181] {strides = array<i32>} : memref<3136xi32, #tpu.memory_space<vmem>>, vector<16xi32>,
    tpu.vector_store %arg9[%swap3A_1181], %gather3A_1180 {strides = array<i32>} : memref<3136xi32, #tpu.memory_space<vmem>>, vector<16xi32>,
    %get3A_1183 = arith.constant 1632 : index
    %get3A_1184 = tpu.vector_load %arg6[%get3A_1183] {strides = array<i32>} : memref<3136xi32, #tpu.memory_space<vmem>>, vector<16xi32>,
    %max3A_1185 = arith.constant 0 : i32
    %max3A_1186 = vector.broadcast %max3A_1185 : i32 to vector<16xi32>
    %max3A_1187 = arith.maxsi %get3A_1184, %max3A_1186 : vector<16xi32>
    %min3A_1188 = arith.constant 127 : i32
    %min3A_1189 = vector.broadcast %min3A_1188 : i32 to vector<16xi32>
    %min3A_1190 = arith.minsi %max3A_1187, %min3A_1189 : vector<16xi32>
    %gather3A_1191 = tpu.vector_load_idx %arg8[%min3A_1190] : memref<128xi32, #tpu.memory_space<vmem>>[vector<16xi32>], vector<16xi32>,
    %swap3A_1192 = arith.constant 1632 : index
    %swap3A_1193 = tpu.vector_load %arg9[%swap3A_1192] {strides = array<i32>} : memref<3136xi32, #tpu.memory_space<vmem>>, vector<16xi32>,
    tpu.vector_store %arg9[%swap3A_1192], %gather3A_1191 {strides = array<i32>} : memref<3136xi32, #tpu.memory_space<vmem>>, vector<16xi32>,
    %get3A_1194 = arith.constant 1648 : index
    %get3A_1195 = tpu.vector_load %arg6[%get3A_1194] {strides = array<i32>} : memref<3136xi32, #tpu.memory_space<vmem>>, vector<16xi32>,
    %max3A_1196 = arith.constant 0 : i32
    %max3A_1197 = vector.broadcast %max3A_1196 : i32 to vector<16xi32>
    %max3A_1198 = arith.maxsi %get3A_1195, %max3A_1197 : vector<16xi32>
    %min3A_1199 = arith.constant 127 : i32
    %min3A_1200 = vector.broadcast %min3A_1199 : i32 to vector<16xi32>
    %min3A_1201 = arith.minsi %max3A_1198, %min3A_1200 : vector<16xi32>
    %gather3A_1202 = tpu.vector_load_idx %arg8[%min3A_1201] : memref<128xi32, #tpu.memory_space<vmem>>[vector<16xi32>], vector<16xi32>,
    %swap3A_1203 = arith.constant 1648 : index
    %swap3A_1204 = tpu.vector_load %arg9[%swap3A_1203] {strides = array<i32>} : memref<3136xi32, #tpu.memory_space<vmem>>, vector<16xi32>,
    tpu.vector_store %arg9[%swap3A_1203], %gather3A_1202 {strides = array<i32>} : memref<3136xi32, #tpu.memory_space<vmem>>, vector<16xi32>,
    %get3A_1205 = arith.constant 1664 : index
    %get3A_1206 = tpu.vector_load %arg6[%get3A_1205] {strides = array<i32>} : memref<3136xi32, #tpu.memory_space<vmem>>, vector<16xi32>,
    %max3A_1207 = arith.constant 0 : i32
    %max3A_1208 = vector.broadcast %max3A_1207 : i32 to vector<16xi32>
    %max3A_1209 = arith.maxsi %get3A_1206, %max3A_1208 : vector<16xi32>
    %min3A_1210 = arith.constant 127 : i32
    %min3A_1211 = vector.broadcast %min3A_1210 : i32 to vector<16xi32>
    %min3A_1212 = arith.minsi %max3A_1209, %min3A_1211 : vector<16xi32>
    %gather3A_1213 = tpu.vector_load_idx %arg8[%min3A_1212] : memref<128xi32, #tpu.memory_space<vmem>>[vector<16xi32>], vector<16xi32>,
    %swap3A_1214 = arith.constant 1664 : index
    %swap3A_1215 = tpu.vector_load %arg9[%swap3A_1214] {strides = array<i32>} : memref<3136xi32, #tpu.memory_space<vmem>>, vector<16xi32>,
    tpu.vector_store %arg9[%swap3A_1214], %gather3A_1213 {strides = array<i32>} : memref<3136xi32, #tpu.memory_space<vmem>>, vector<16xi32>,
    %get3A_1216 = arith.constant 1680 : index
    %get3A_1217 = tpu.vector_load %arg6[%get3A_1216] {strides = array<i32>} : memref<3136xi32, #tpu.memory_space<vmem>>, vector<16xi32>,
    %max3A_1218 = arith.constant 0 : i32
    %max3A_1219 = vector.broadcast %max3A_1218 : i32 to vector<16xi32>
    %max3A_1220 = arith.maxsi %get3A_1217, %max3A_1219 : vector<16xi32>
    %min3A_1221 = arith.constant 127 : i32
    %min3A_1222 = vector.broadcast %min3A_1221 : i32 to vector<16xi32>
    %min3A_1223 = arith.minsi %max3A_1220, %min3A_1222 : vector<16xi32>
    %gather3A_1224 = tpu.vector_load_idx %arg8[%min3A_1223] : memref<128xi32, #tpu.memory_space<vmem>>[vector<16xi32>], vector<16xi32>,
    %swap3A_1225 = arith.constant 1680 : index
    %swap3A_1226 = tpu.vector_load %arg9[%swap3A_1225] {strides = array<i32>} : memref<3136xi32, #tpu.memory_space<vmem>>, vector<16xi32>,
    tpu.vector_store %arg9[%swap3A_1225], %gather3A_1224 {strides = array<i32>} : memref<3136xi32, #tpu.memory_space<vmem>>, vector<16xi32>,
    %get3A_1227 = arith.constant 1696 : index
    %get3A_1228 = tpu.vector_load %arg6[%get3A_1227] {strides = array<i32>} : memref<3136xi32, #tpu.memory_space<vmem>>, vector<16xi32>,
    %max3A_1229 = arith.constant 0 : i32
    %max3A_1230 = vector.broadcast %max3A_1229 : i32 to vector<16xi32>
    %max3A_1231 = arith.maxsi %get3A_1228, %max3A_1230 : vector<16xi32>
    %min3A_1232 = arith.constant 127 : i32
    %min3A_1233 = vector.broadcast %min3A_1232 : i32 to vector<16xi32>
    %min3A_1234 = arith.minsi %max3A_1231, %min3A_1233 : vector<16xi32>
    %gather3A_1235 = tpu.vector_load_idx %arg8[%min3A_1234] : memref<128xi32, #tpu.memory_space<vmem>>[vector<16xi32>], vector<16xi32>,
    %swap3A_1236 = arith.constant 1696 : index
    %swap3A_1237 = tpu.vector_load %arg9[%swap3A_1236] {strides = array<i32>} : memref<3136xi32, #tpu.memory_space<vmem>>, vector<16xi32>,
    tpu.vector_store %arg9[%swap3A_1236], %gather3A_1235 {strides = array<i32>} : memref<3136xi32, #tpu.memory_space<vmem>>, vector<16xi32>,
    %get3A_1238 = arith.constant 1712 : index
    %get3A_1239 = tpu.vector_load %arg6[%get3A_1238] {strides = array<i32>} : memref<3136xi32, #tpu.memory_space<vmem>>, vector<16xi32>,
    %max3A_1240 = arith.constant 0 : i32
    %max3A_1241 = vector.broadcast %max3A_1240 : i32 to vector<16xi32>
    %max3A_1242 = arith.maxsi %get3A_1239, %max3A_1241 : vector<16xi32>
    %min3A_1243 = arith.constant 127 : i32
    %min3A_1244 = vector.broadcast %min3A_1243 : i32 to vector<16xi32>
    %min3A_1245 = arith.minsi %max3A_1242, %min3A_1244 : vector<16xi32>
    %gather3A_1246 = tpu.vector_load_idx %arg8[%min3A_1245] : memref<128xi32, #tpu.memory_space<vmem>>[vector<16xi32>], vector<16xi32>,
    %swap3A_1247 = arith.constant 1712 : index
    %swap3A_1248 = tpu.vector_load %arg9[%swap3A_1247] {strides = array<i32>} : memref<3136xi32, #tpu.memory_space<vmem>>, vector<16xi32>,
    tpu.vector_store %arg9[%swap3A_1247], %gather3A_1246 {strides = array<i32>} : memref<3136xi32, #tpu.memory_space<vmem>>, vector<16xi32>,
    %get3A_1249 = arith.constant 1728 : index
    %get3A_1250 = tpu.vector_load %arg6[%get3A_1249] {strides = array<i32>} : memref<3136xi32, #tpu.memory_space<vmem>>, vector<16xi32>,
    %max3A_1251 = arith.constant 0 : i32
    %max3A_1252 = vector.broadcast %max3A_1251 : i32 to vector<16xi32>
    %max3A_1253 = arith.maxsi %get3A_1250, %max3A_1252 : vector<16xi32>
    %min3A_1254 = arith.constant 127 : i32
    %min3A_1255 = vector.broadcast %min3A_1254 : i32 to vector<16xi32>
    %min3A_1256 = arith.minsi %max3A_1253, %min3A_1255 : vector<16xi32>
    %gather3A_1257 = tpu.vector_load_idx %arg8[%min3A_1256] : memref<128xi32, #tpu.memory_space<vmem>>[vector<16xi32>], vector<16xi32>,
    %swap3A_1258 = arith.constant 1728 : index
    %swap3A_1259 = tpu.vector_load %arg9[%swap3A_1258] {strides = array<i32>} : memref<3136xi32, #tpu.memory_space<vmem>>, vector<16xi32>,
    tpu.vector_store %arg9[%swap3A_1258], %gather3A_1257 {strides = array<i32>} : memref<3136xi32, #tpu.memory_space<vmem>>, vector<16xi32>,
    %get3A_1260 = arith.constant 1744 : index
    %get3A_1261 = tpu.vector_load %arg6[%get3A_1260] {strides = array<i32>} : memref<3136xi32, #tpu.memory_space<vmem>>, vector<16xi32>,
    %max3A_1262 = arith.constant 0 : i32
    %max3A_1263 = vector.broadcast %max3A_1262 : i32 to vector<16xi32>
    %max3A_1264 = arith.maxsi %get3A_1261, %max3A_1263 : vector<16xi32>
    %min3A_1265 = arith.constant 127 : i32
    %min3A_1266 = vector.broadcast %min3A_1265 : i32 to vector<16xi32>
    %min3A_1267 = arith.minsi %max3A_1264, %min3A_1266 : vector<16xi32>
    %gather3A_1268 = tpu.vector_load_idx %arg8[%min3A_1267] : memref<128xi32, #tpu.memory_space<vmem>>[vector<16xi32>], vector<16xi32>,
    %swap3A_1269 = arith.constant 1744 : index
    %swap3A_1270 = tpu.vector_load %arg9[%swap3A_1269] {strides = array<i32>} : memref<3136xi32, #tpu.memory_space<vmem>>, vector<16xi32>,
    tpu.vector_store %arg9[%swap3A_1269], %gather3A_1268 {strides = array<i32>} : memref<3136xi32, #tpu.memory_space<vmem>>, vector<16xi32>,
    %get3A_1271 = arith.constant 1760 : index
    %get3A_1272 = tpu.vector_load %arg6[%get3A_1271] {strides = array<i32>} : memref<3136xi32, #tpu.memory_space<vmem>>, vector<16xi32>,
    %max3A_1273 = arith.constant 0 : i32
    %max3A_1274 = vector.broadcast %max3A_1273 : i32 to vector<16xi32>
    %max3A_1275 = arith.maxsi %get3A_1272, %max3A_1274 : vector<16xi32>
    %min3A_1276 = arith.constant 127 : i32
    %min3A_1277 = vector.broadcast %min3A_1276 : i32 to vector<16xi32>
    %min3A_1278 = arith.minsi %max3A_1275, %min3A_1277 : vector<16xi32>
    %gather3A_1279 = tpu.vector_load_idx %arg8[%min3A_1278] : memref<128xi32, #tpu.memory_space<vmem>>[vector<16xi32>], vector<16xi32>,
    %swap3A_1280 = arith.constant 1760 : index
    %swap3A_1281 = tpu.vector_load %arg9[%swap3A_1280] {strides = array<i32>} : memref<3136xi32, #tpu.memory_space<vmem>>, vector<16xi32>,
    tpu.vector_store %arg9[%swap3A_1280], %gather3A_1279 {strides = array<i32>} : memref<3136xi32, #tpu.memory_space<vmem>>, vector<16xi32>,
    %get3A_1282 = arith.constant 1776 : index
    %get3A_1283 = tpu.vector_load %arg6[%get3A_1282] {strides = array<i32>} : memref<3136xi32, #tpu.memory_space<vmem>>, vector<16xi32>,
    %max3A_1284 = arith.constant 0 : i32
    %max3A_1285 = vector.broadcast %max3A_1284 : i32 to vector<16xi32>
    %max3A_1286 = arith.maxsi %get3A_1283, %max3A_1285 : vector<16xi32>
    %min3A_1287 = arith.constant 127 : i32
    %min3A_1288 = vector.broadcast %min3A_1287 : i32 to vector<16xi32>
    %min3A_1289 = arith.minsi %max3A_1286, %min3A_1288 : vector<16xi32>
    %gather3A_1290 = tpu.vector_load_idx %arg8[%min3A_1289] : memref<128xi32, #tpu.memory_space<vmem>>[vector<16xi32>], vector<16xi32>,
    %swap3A_1291 = arith.constant 1776 : index
    %swap3A_1292 = tpu.vector_load %arg9[%swap3A_1291] {strides = array<i32>} : memref<3136xi32, #tpu.memory_space<vmem>>, vector<16xi32>,
    tpu.vector_store %arg9[%swap3A_1291], %gather3A_1290 {strides = array<i32>} : memref<3136xi32, #tpu.memory_space<vmem>>, vector<16xi32>,
    %get3A_1293 = arith.constant 1792 : index
    %get3A_1294 = tpu.vector_load %arg6[%get3A_1293] {strides = array<i32>} : memref<3136xi32, #tpu.memory_space<vmem>>, vector<16xi32>,
    %max3A_1295 = arith.constant 0 : i32
    %max3A_1296 = vector.broadcast %max3A_1295 : i32 to vector<16xi32>
    %max3A_1297 = arith.maxsi %get3A_1294, %max3A_1296 : vector<16xi32>
    %min3A_1298 = arith.constant 127 : i32
    %min3A_1299 = vector.broadcast %min3A_1298 : i32 to vector<16xi32>
    %min3A_1300 = arith.minsi %max3A_1297, %min3A_1299 : vector<16xi32>
    %gather3A_1301 = tpu.vector_load_idx %arg8[%min3A_1300] : memref<128xi32, #tpu.memory_space<vmem>>[vector<16xi32>], vector<16xi32>,
    %swap3A_1302 = arith.constant 1792 : index
    %swap3A_1303 = tpu.vector_load %arg9[%swap3A_1302] {strides = array<i32>} : memref<3136xi32, #tpu.memory_space<vmem>>, vector<16xi32>,
    tpu.vector_store %arg9[%swap3A_1302], %gather3A_1301 {strides = array<i32>} : memref<3136xi32, #tpu.memory_space<vmem>>, vector<16xi32>,
    %get3A_1304 = arith.constant 1808 : index
    %get3A_1305 = tpu.vector_load %arg6[%get3A_1304] {strides = array<i32>} : memref<3136xi32, #tpu.memory_space<vmem>>, vector<16xi32>,
    %max3A_1306 = arith.constant 0 : i32
    %max3A_1307 = vector.broadcast %max3A_1306 : i32 to vector<16xi32>
    %max3A_1308 = arith.maxsi %get3A_1305, %max3A_1307 : vector<16xi32>
    %min3A_1309 = arith.constant 127 : i32
    %min3A_1310 = vector.broadcast %min3A_1309 : i32 to vector<16xi32>
    %min3A_1311 = arith.minsi %max3A_1308, %min3A_1310 : vector<16xi32>
    %gather3A_1312 = tpu.vector_load_idx %arg8[%min3A_1311] : memref<128xi32, #tpu.memory_space<vmem>>[vector<16xi32>], vector<16xi32>,
    %swap3A_1313 = arith.constant 1808 : index
    %swap3A_1314 = tpu.vector_load %arg9[%swap3A_1313] {strides = array<i32>} : memref<3136xi32, #tpu.memory_space<vmem>>, vector<16xi32>,
    tpu.vector_store %arg9[%swap3A_1313], %gather3A_1312 {strides = array<i32>} : memref<3136xi32, #tpu.memory_space<vmem>>, vector<16xi32>,
    %get3A_1315 = arith.constant 1824 : index
    %get3A_1316 = tpu.vector_load %arg6[%get3A_1315] {strides = array<i32>} : memref<3136xi32, #tpu.memory_space<vmem>>, vector<16xi32>,
    %max3A_1317 = arith.constant 0 : i32
    %max3A_1318 = vector.broadcast %max3A_1317 : i32 to vector<16xi32>
    %max3A_1319 = arith.maxsi %get3A_1316, %max3A_1318 : vector<16xi32>
    %min3A_1320 = arith.constant 127 : i32
    %min3A_1321 = vector.broadcast %min3A_1320 : i32 to vector<16xi32>
    %min3A_1322 = arith.minsi %max3A_1319, %min3A_1321 : vector<16xi32>
    %gather3A_1323 = tpu.vector_load_idx %arg8[%min3A_1322] : memref<128xi32, #tpu.memory_space<vmem>>[vector<16xi32>], vector<16xi32>,
    %swap3A_1324 = arith.constant 1824 : index
    %swap3A_1325 = tpu.vector_load %arg9[%swap3A_1324] {strides = array<i32>} : memref<3136xi32, #tpu.memory_space<vmem>>, vector<16xi32>,
    tpu.vector_store %arg9[%swap3A_1324], %gather3A_1323 {strides = array<i32>} : memref<3136xi32, #tpu.memory_space<vmem>>, vector<16xi32>,
    %get3A_1326 = arith.constant 1840 : index
    %get3A_1327 = tpu.vector_load %arg6[%get3A_1326] {strides = array<i32>} : memref<3136xi32, #tpu.memory_space<vmem>>, vector<16xi32>,
    %max3A_1328 = arith.constant 0 : i32
    %max3A_1329 = vector.broadcast %max3A_1328 : i32 to vector<16xi32>
    %max3A_1330 = arith.maxsi %get3A_1327, %max3A_1329 : vector<16xi32>
    %min3A_1331 = arith.constant 127 : i32
    %min3A_1332 = vector.broadcast %min3A_1331 : i32 to vector<16xi32>
    %min3A_1333 = arith.minsi %max3A_1330, %min3A_1332 : vector<16xi32>
    %gather3A_1334 = tpu.vector_load_idx %arg8[%min3A_1333] : memref<128xi32, #tpu.memory_space<vmem>>[vector<16xi32>], vector<16xi32>,
    %swap3A_1335 = arith.constant 1840 : index
    %swap3A_1336 = tpu.vector_load %arg9[%swap3A_1335] {strides = array<i32>} : memref<3136xi32, #tpu.memory_space<vmem>>, vector<16xi32>,
    tpu.vector_store %arg9[%swap3A_1335], %gather3A_1334 {strides = array<i32>} : memref<3136xi32, #tpu.memory_space<vmem>>, vector<16xi32>,
    %get3A_1337 = arith.constant 1856 : index
    %get3A_1338 = tpu.vector_load %arg6[%get3A_1337] {strides = array<i32>} : memref<3136xi32, #tpu.memory_space<vmem>>, vector<16xi32>,
    %max3A_1339 = arith.constant 0 : i32
    %max3A_1340 = vector.broadcast %max3A_1339 : i32 to vector<16xi32>
    %max3A_1341 = arith.maxsi %get3A_1338, %max3A_1340 : vector<16xi32>
    %min3A_1342 = arith.constant 127 : i32
    %min3A_1343 = vector.broadcast %min3A_1342 : i32 to vector<16xi32>
    %min3A_1344 = arith.minsi %max3A_1341, %min3A_1343 : vector<16xi32>
    %gather3A_1345 = tpu.vector_load_idx %arg8[%min3A_1344] : memref<128xi32, #tpu.memory_space<vmem>>[vector<16xi32>], vector<16xi32>,
    %swap3A_1346 = arith.constant 1856 : index
    %swap3A_1347 = tpu.vector_load %arg9[%swap3A_1346] {strides = array<i32>} : memref<3136xi32, #tpu.memory_space<vmem>>, vector<16xi32>,
    tpu.vector_store %arg9[%swap3A_1346], %gather3A_1345 {strides = array<i32>} : memref<3136xi32, #tpu.memory_space<vmem>>, vector<16xi32>,
    %get3A_1348 = arith.constant 1872 : index
    %get3A_1349 = tpu.vector_load %arg6[%get3A_1348] {strides = array<i32>} : memref<3136xi32, #tpu.memory_space<vmem>>, vector<16xi32>,
    %max3A_1350 = arith.constant 0 : i32
    %max3A_1351 = vector.broadcast %max3A_1350 : i32 to vector<16xi32>
    %max3A_1352 = arith.maxsi %get3A_1349, %max3A_1351 : vector<16xi32>
    %min3A_1353 = arith.constant 127 : i32
    %min3A_1354 = vector.broadcast %min3A_1353 : i32 to vector<16xi32>
    %min3A_1355 = arith.minsi %max3A_1352, %min3A_1354 : vector<16xi32>
    %gather3A_1356 = tpu.vector_load_idx %arg8[%min3A_1355] : memref<128xi32, #tpu.memory_space<vmem>>[vector<16xi32>], vector<16xi32>,
    %swap3A_1357 = arith.constant 1872 : index
    %swap3A_1358 = tpu.vector_load %arg9[%swap3A_1357] {strides = array<i32>} : memref<3136xi32, #tpu.memory_space<vmem>>, vector<16xi32>,
    tpu.vector_store %arg9[%swap3A_1357], %gather3A_1356 {strides = array<i32>} : memref<3136xi32, #tpu.memory_space<vmem>>, vector<16xi32>,
    %get3A_1359 = arith.constant 1888 : index
    %get3A_1360 = tpu.vector_load %arg6[%get3A_1359] {strides = array<i32>} : memref<3136xi32, #tpu.memory_space<vmem>>, vector<16xi32>,
    %max3A_1361 = arith.constant 0 : i32
    %max3A_1362 = vector.broadcast %max3A_1361 : i32 to vector<16xi32>
    %max3A_1363 = arith.maxsi %get3A_1360, %max3A_1362 : vector<16xi32>
    %min3A_1364 = arith.constant 127 : i32
    %min3A_1365 = vector.broadcast %min3A_1364 : i32 to vector<16xi32>
    %min3A_1366 = arith.minsi %max3A_1363, %min3A_1365 : vector<16xi32>
    %gather3A_1367 = tpu.vector_load_idx %arg8[%min3A_1366] : memref<128xi32, #tpu.memory_space<vmem>>[vector<16xi32>], vector<16xi32>,
    %swap3A_1368 = arith.constant 1888 : index
    %swap3A_1369 = tpu.vector_load %arg9[%swap3A_1368] {strides = array<i32>} : memref<3136xi32, #tpu.memory_space<vmem>>, vector<16xi32>,
    tpu.vector_store %arg9[%swap3A_1368], %gather3A_1367 {strides = array<i32>} : memref<3136xi32, #tpu.memory_space<vmem>>, vector<16xi32>,
    %get3A_1370 = arith.constant 1904 : index
    %get3A_1371 = tpu.vector_load %arg6[%get3A_1370] {strides = array<i32>} : memref<3136xi32, #tpu.memory_space<vmem>>, vector<16xi32>,
    %max3A_1372 = arith.constant 0 : i32
    %max3A_1373 = vector.broadcast %max3A_1372 : i32 to vector<16xi32>
    %max3A_1374 = arith.maxsi %get3A_1371, %max3A_1373 : vector<16xi32>
    %min3A_1375 = arith.constant 127 : i32
    %min3A_1376 = vector.broadcast %min3A_1375 : i32 to vector<16xi32>
    %min3A_1377 = arith.minsi %max3A_1374, %min3A_1376 : vector<16xi32>
    %gather3A_1378 = tpu.vector_load_idx %arg8[%min3A_1377] : memref<128xi32, #tpu.memory_space<vmem>>[vector<16xi32>], vector<16xi32>,
    %swap3A_1379 = arith.constant 1904 : index
    %swap3A_1380 = tpu.vector_load %arg9[%swap3A_1379] {strides = array<i32>} : memref<3136xi32, #tpu.memory_space<vmem>>, vector<16xi32>,
    tpu.vector_store %arg9[%swap3A_1379], %gather3A_1378 {strides = array<i32>} : memref<3136xi32, #tpu.memory_space<vmem>>, vector<16xi32>,
    %get3A_1381 = arith.constant 1920 : index
    %get3A_1382 = tpu.vector_load %arg6[%get3A_1381] {strides = array<i32>} : memref<3136xi32, #tpu.memory_space<vmem>>, vector<16xi32>,
    %max3A_1383 = arith.constant 0 : i32
    %max3A_1384 = vector.broadcast %max3A_1383 : i32 to vector<16xi32>
    %max3A_1385 = arith.maxsi %get3A_1382, %max3A_1384 : vector<16xi32>
    %min3A_1386 = arith.constant 127 : i32
    %min3A_1387 = vector.broadcast %min3A_1386 : i32 to vector<16xi32>
    %min3A_1388 = arith.minsi %max3A_1385, %min3A_1387 : vector<16xi32>
    %gather3A_1389 = tpu.vector_load_idx %arg8[%min3A_1388] : memref<128xi32, #tpu.memory_space<vmem>>[vector<16xi32>], vector<16xi32>,
    %swap3A_1390 = arith.constant 1920 : index
    %swap3A_1391 = tpu.vector_load %arg9[%swap3A_1390] {strides = array<i32>} : memref<3136xi32, #tpu.memory_space<vmem>>, vector<16xi32>,
    tpu.vector_store %arg9[%swap3A_1390], %gather3A_1389 {strides = array<i32>} : memref<3136xi32, #tpu.memory_space<vmem>>, vector<16xi32>,
    %get3A_1392 = arith.constant 1936 : index
    %get3A_1393 = tpu.vector_load %arg6[%get3A_1392] {strides = array<i32>} : memref<3136xi32, #tpu.memory_space<vmem>>, vector<16xi32>,
    %max3A_1394 = arith.constant 0 : i32
    %max3A_1395 = vector.broadcast %max3A_1394 : i32 to vector<16xi32>
    %max3A_1396 = arith.maxsi %get3A_1393, %max3A_1395 : vector<16xi32>
    %min3A_1397 = arith.constant 127 : i32
    %min3A_1398 = vector.broadcast %min3A_1397 : i32 to vector<16xi32>
    %min3A_1399 = arith.minsi %max3A_1396, %min3A_1398 : vector<16xi32>
    %gather3A_1400 = tpu.vector_load_idx %arg8[%min3A_1399] : memref<128xi32, #tpu.memory_space<vmem>>[vector<16xi32>], vector<16xi32>,
    %swap3A_1401 = arith.constant 1936 : index
    %swap3A_1402 = tpu.vector_load %arg9[%swap3A_1401] {strides = array<i32>} : memref<3136xi32, #tpu.memory_space<vmem>>, vector<16xi32>,
    tpu.vector_store %arg9[%swap3A_1401], %gather3A_1400 {strides = array<i32>} : memref<3136xi32, #tpu.memory_space<vmem>>, vector<16xi32>,
    %get3A_1403 = arith.constant 1952 : index
    %get3A_1404 = tpu.vector_load %arg6[%get3A_1403] {strides = array<i32>} : memref<3136xi32, #tpu.memory_space<vmem>>, vector<16xi32>,
    %max3A_1405 = arith.constant 0 : i32
    %max3A_1406 = vector.broadcast %max3A_1405 : i32 to vector<16xi32>
    %max3A_1407 = arith.maxsi %get3A_1404, %max3A_1406 : vector<16xi32>
    %min3A_1408 = arith.constant 127 : i32
    %min3A_1409 = vector.broadcast %min3A_1408 : i32 to vector<16xi32>
    %min3A_1410 = arith.minsi %max3A_1407, %min3A_1409 : vector<16xi32>
    %gather3A_1411 = tpu.vector_load_idx %arg8[%min3A_1410] : memref<128xi32, #tpu.memory_space<vmem>>[vector<16xi32>], vector<16xi32>,
    %swap3A_1412 = arith.constant 1952 : index
    %swap3A_1413 = tpu.vector_load %arg9[%swap3A_1412] {strides = array<i32>} : memref<3136xi32, #tpu.memory_space<vmem>>, vector<16xi32>,
    tpu.vector_store %arg9[%swap3A_1412], %gather3A_1411 {strides = array<i32>} : memref<3136xi32, #tpu.memory_space<vmem>>, vector<16xi32>,
    %get3A_1414 = arith.constant 1968 : index
    %get3A_1415 = tpu.vector_load %arg6[%get3A_1414] {strides = array<i32>} : memref<3136xi32, #tpu.memory_space<vmem>>, vector<16xi32>,
    %max3A_1416 = arith.constant 0 : i32
    %max3A_1417 = vector.broadcast %max3A_1416 : i32 to vector<16xi32>
    %max3A_1418 = arith.maxsi %get3A_1415, %max3A_1417 : vector<16xi32>
    %min3A_1419 = arith.constant 127 : i32
    %min3A_1420 = vector.broadcast %min3A_1419 : i32 to vector<16xi32>
    %min3A_1421 = arith.minsi %max3A_1418, %min3A_1420 : vector<16xi32>
    %gather3A_1422 = tpu.vector_load_idx %arg8[%min3A_1421] : memref<128xi32, #tpu.memory_space<vmem>>[vector<16xi32>], vector<16xi32>,
    %swap3A_1423 = arith.constant 1968 : index
    %swap3A_1424 = tpu.vector_load %arg9[%swap3A_1423] {strides = array<i32>} : memref<3136xi32, #tpu.memory_space<vmem>>, vector<16xi32>,
    tpu.vector_store %arg9[%swap3A_1423], %gather3A_1422 {strides = array<i32>} : memref<3136xi32, #tpu.memory_space<vmem>>, vector<16xi32>,
    %get3A_1425 = arith.constant 1984 : index
    %get3A_1426 = tpu.vector_load %arg6[%get3A_1425] {strides = array<i32>} : memref<3136xi32, #tpu.memory_space<vmem>>, vector<16xi32>,
    %max3A_1427 = arith.constant 0 : i32
    %max3A_1428 = vector.broadcast %max3A_1427 : i32 to vector<16xi32>
    %max3A_1429 = arith.maxsi %get3A_1426, %max3A_1428 : vector<16xi32>
    %min3A_1430 = arith.constant 127 : i32
    %min3A_1431 = vector.broadcast %min3A_1430 : i32 to vector<16xi32>
    %min3A_1432 = arith.minsi %max3A_1429, %min3A_1431 : vector<16xi32>
    %gather3A_1433 = tpu.vector_load_idx %arg8[%min3A_1432] : memref<128xi32, #tpu.memory_space<vmem>>[vector<16xi32>], vector<16xi32>,
    %swap3A_1434 = arith.constant 1984 : index
    %swap3A_1435 = tpu.vector_load %arg9[%swap3A_1434] {strides = array<i32>} : memref<3136xi32, #tpu.memory_space<vmem>>, vector<16xi32>,
    tpu.vector_store %arg9[%swap3A_1434], %gather3A_1433 {strides = array<i32>} : memref<3136xi32, #tpu.memory_space<vmem>>, vector<16xi32>,
    %get3A_1436 = arith.constant 2000 : index
    %get3A_1437 = tpu.vector_load %arg6[%get3A_1436] {strides = array<i32>} : memref<3136xi32, #tpu.memory_space<vmem>>, vector<16xi32>,
    %max3A_1438 = arith.constant 0 : i32
    %max3A_1439 = vector.broadcast %max3A_1438 : i32 to vector<16xi32>
    %max3A_1440 = arith.maxsi %get3A_1437, %max3A_1439 : vector<16xi32>
    %min3A_1441 = arith.constant 127 : i32
    %min3A_1442 = vector.broadcast %min3A_1441 : i32 to vector<16xi32>
    %min3A_1443 = arith.minsi %max3A_1440, %min3A_1442 : vector<16xi32>
    %gather3A_1444 = tpu.vector_load_idx %arg8[%min3A_1443] : memref<128xi32, #tpu.memory_space<vmem>>[vector<16xi32>], vector<16xi32>,
    %swap3A_1445 = arith.constant 2000 : index
    %swap3A_1446 = tpu.vector_load %arg9[%swap3A_1445] {strides = array<i32>} : memref<3136xi32, #tpu.memory_space<vmem>>, vector<16xi32>,
    tpu.vector_store %arg9[%swap3A_1445], %gather3A_1444 {strides = array<i32>} : memref<3136xi32, #tpu.memory_space<vmem>>, vector<16xi32>,
    %get3A_1447 = arith.constant 2016 : index
    %get3A_1448 = tpu.vector_load %arg6[%get3A_1447] {strides = array<i32>} : memref<3136xi32, #tpu.memory_space<vmem>>, vector<16xi32>,
    %max3A_1449 = arith.constant 0 : i32
    %max3A_1450 = vector.broadcast %max3A_1449 : i32 to vector<16xi32>
    %max3A_1451 = arith.maxsi %get3A_1448, %max3A_1450 : vector<16xi32>
    %min3A_1452 = arith.constant 127 : i32
    %min3A_1453 = vector.broadcast %min3A_1452 : i32 to vector<16xi32>
    %min3A_1454 = arith.minsi %max3A_1451, %min3A_1453 : vector<16xi32>
    %gather3A_1455 = tpu.vector_load_idx %arg8[%min3A_1454] : memref<128xi32, #tpu.memory_space<vmem>>[vector<16xi32>], vector<16xi32>,
    %swap3A_1456 = arith.constant 2016 : index
    %swap3A_1457 = tpu.vector_load %arg9[%swap3A_1456] {strides = array<i32>} : memref<3136xi32, #tpu.memory_space<vmem>>, vector<16xi32>,
    tpu.vector_store %arg9[%swap3A_1456], %gather3A_1455 {strides = array<i32>} : memref<3136xi32, #tpu.memory_space<vmem>>, vector<16xi32>,
    %get3A_1458 = arith.constant 2032 : index
    %get3A_1459 = tpu.vector_load %arg6[%get3A_1458] {strides = array<i32>} : memref<3136xi32, #tpu.memory_space<vmem>>, vector<16xi32>,
    %max3A_1460 = arith.constant 0 : i32
    %max3A_1461 = vector.broadcast %max3A_1460 : i32 to vector<16xi32>
    %max3A_1462 = arith.maxsi %get3A_1459, %max3A_1461 : vector<16xi32>
    %min3A_1463 = arith.constant 127 : i32
    %min3A_1464 = vector.broadcast %min3A_1463 : i32 to vector<16xi32>
    %min3A_1465 = arith.minsi %max3A_1462, %min3A_1464 : vector<16xi32>
    %gather3A_1466 = tpu.vector_load_idx %arg8[%min3A_1465] : memref<128xi32, #tpu.memory_space<vmem>>[vector<16xi32>], vector<16xi32>,
    %swap3A_1467 = arith.constant 2032 : index
    %swap3A_1468 = tpu.vector_load %arg9[%swap3A_1467] {strides = array<i32>} : memref<3136xi32, #tpu.memory_space<vmem>>, vector<16xi32>,
    tpu.vector_store %arg9[%swap3A_1467], %gather3A_1466 {strides = array<i32>} : memref<3136xi32, #tpu.memory_space<vmem>>, vector<16xi32>,
    %get3A_1469 = arith.constant 2048 : index
    %get3A_1470 = tpu.vector_load %arg6[%get3A_1469] {strides = array<i32>} : memref<3136xi32, #tpu.memory_space<vmem>>, vector<16xi32>,
    %max3A_1471 = arith.constant 0 : i32
    %max3A_1472 = vector.broadcast %max3A_1471 : i32 to vector<16xi32>
    %max3A_1473 = arith.maxsi %get3A_1470, %max3A_1472 : vector<16xi32>
    %min3A_1474 = arith.constant 127 : i32
    %min3A_1475 = vector.broadcast %min3A_1474 : i32 to vector<16xi32>
    %min3A_1476 = arith.minsi %max3A_1473, %min3A_1475 : vector<16xi32>
    %gather3A_1477 = tpu.vector_load_idx %arg8[%min3A_1476] : memref<128xi32, #tpu.memory_space<vmem>>[vector<16xi32>], vector<16xi32>,
    %swap3A_1478 = arith.constant 2048 : index
    %swap3A_1479 = tpu.vector_load %arg9[%swap3A_1478] {strides = array<i32>} : memref<3136xi32, #tpu.memory_space<vmem>>, vector<16xi32>,
    tpu.vector_store %arg9[%swap3A_1478], %gather3A_1477 {strides = array<i32>} : memref<3136xi32, #tpu.memory_space<vmem>>, vector<16xi32>,
    %get3A_1480 = arith.constant 2064 : index
    %get3A_1481 = tpu.vector_load %arg6[%get3A_1480] {strides = array<i32>} : memref<3136xi32, #tpu.memory_space<vmem>>, vector<16xi32>,
    %max3A_1482 = arith.constant 0 : i32
    %max3A_1483 = vector.broadcast %max3A_1482 : i32 to vector<16xi32>
    %max3A_1484 = arith.maxsi %get3A_1481, %max3A_1483 : vector<16xi32>
    %min3A_1485 = arith.constant 127 : i32
    %min3A_1486 = vector.broadcast %min3A_1485 : i32 to vector<16xi32>
    %min3A_1487 = arith.minsi %max3A_1484, %min3A_1486 : vector<16xi32>
    %gather3A_1488 = tpu.vector_load_idx %arg8[%min3A_1487] : memref<128xi32, #tpu.memory_space<vmem>>[vector<16xi32>], vector<16xi32>,
    %swap3A_1489 = arith.constant 2064 : index
    %swap3A_1490 = tpu.vector_load %arg9[%swap3A_1489] {strides = array<i32>} : memref<3136xi32, #tpu.memory_space<vmem>>, vector<16xi32>,
    tpu.vector_store %arg9[%swap3A_1489], %gather3A_1488 {strides = array<i32>} : memref<3136xi32, #tpu.memory_space<vmem>>, vector<16xi32>,
    %get3A_1491 = arith.constant 2080 : index
    %get3A_1492 = tpu.vector_load %arg6[%get3A_1491] {strides = array<i32>} : memref<3136xi32, #tpu.memory_space<vmem>>, vector<16xi32>,
    %max3A_1493 = arith.constant 0 : i32
    %max3A_1494 = vector.broadcast %max3A_1493 : i32 to vector<16xi32>
    %max3A_1495 = arith.maxsi %get3A_1492, %max3A_1494 : vector<16xi32>
    %min3A_1496 = arith.constant 127 : i32
    %min3A_1497 = vector.broadcast %min3A_1496 : i32 to vector<16xi32>
    %min3A_1498 = arith.minsi %max3A_1495, %min3A_1497 : vector<16xi32>
    %gather3A_1499 = tpu.vector_load_idx %arg8[%min3A_1498] : memref<128xi32, #tpu.memory_space<vmem>>[vector<16xi32>], vector<16xi32>,
    %swap3A_1500 = arith.constant 2080 : index
    %swap3A_1501 = tpu.vector_load %arg9[%swap3A_1500] {strides = array<i32>} : memref<3136xi32, #tpu.memory_space<vmem>>, vector<16xi32>,
    tpu.vector_store %arg9[%swap3A_1500], %gather3A_1499 {strides = array<i32>} : memref<3136xi32, #tpu.memory_space<vmem>>, vector<16xi32>,
    %get3A_1502 = arith.constant 2096 : index
    %get3A_1503 = tpu.vector_load %arg6[%get3A_1502] {strides = array<i32>} : memref<3136xi32, #tpu.memory_space<vmem>>, vector<16xi32>,
    %max3A_1504 = arith.constant 0 : i32
    %max3A_1505 = vector.broadcast %max3A_1504 : i32 to vector<16xi32>
    %max3A_1506 = arith.maxsi %get3A_1503, %max3A_1505 : vector<16xi32>
    %min3A_1507 = arith.constant 127 : i32
    %min3A_1508 = vector.broadcast %min3A_1507 : i32 to vector<16xi32>
    %min3A_1509 = arith.minsi %max3A_1506, %min3A_1508 : vector<16xi32>
    %gather3A_1510 = tpu.vector_load_idx %arg8[%min3A_1509] : memref<128xi32, #tpu.memory_space<vmem>>[vector<16xi32>], vector<16xi32>,
    %swap3A_1511 = arith.constant 2096 : index
    %swap3A_1512 = tpu.vector_load %arg9[%swap3A_1511] {strides = array<i32>} : memref<3136xi32, #tpu.memory_space<vmem>>, vector<16xi32>,
    tpu.vector_store %arg9[%swap3A_1511], %gather3A_1510 {strides = array<i32>} : memref<3136xi32, #tpu.memory_space<vmem>>, vector<16xi32>,
    %get3A_1513 = arith.constant 2112 : index
    %get3A_1514 = tpu.vector_load %arg6[%get3A_1513] {strides = array<i32>} : memref<3136xi32, #tpu.memory_space<vmem>>, vector<16xi32>,
    %max3A_1515 = arith.constant 0 : i32
    %max3A_1516 = vector.broadcast %max3A_1515 : i32 to vector<16xi32>
    %max3A_1517 = arith.maxsi %get3A_1514, %max3A_1516 : vector<16xi32>
    %min3A_1518 = arith.constant 127 : i32
    %min3A_1519 = vector.broadcast %min3A_1518 : i32 to vector<16xi32>
    %min3A_1520 = arith.minsi %max3A_1517, %min3A_1519 : vector<16xi32>
    %gather3A_1521 = tpu.vector_load_idx %arg8[%min3A_1520] : memref<128xi32, #tpu.memory_space<vmem>>[vector<16xi32>], vector<16xi32>,
    %swap3A_1522 = arith.constant 2112 : index
    %swap3A_1523 = tpu.vector_load %arg9[%swap3A_1522] {strides = array<i32>} : memref<3136xi32, #tpu.memory_space<vmem>>, vector<16xi32>,
    tpu.vector_store %arg9[%swap3A_1522], %gather3A_1521 {strides = array<i32>} : memref<3136xi32, #tpu.memory_space<vmem>>, vector<16xi32>,
    %get3A_1524 = arith.constant 2128 : index
    %get3A_1525 = tpu.vector_load %arg6[%get3A_1524] {strides = array<i32>} : memref<3136xi32, #tpu.memory_space<vmem>>, vector<16xi32>,
    %max3A_1526 = arith.constant 0 : i32
    %max3A_1527 = vector.broadcast %max3A_1526 : i32 to vector<16xi32>
    %max3A_1528 = arith.maxsi %get3A_1525, %max3A_1527 : vector<16xi32>
    %min3A_1529 = arith.constant 127 : i32
    %min3A_1530 = vector.broadcast %min3A_1529 : i32 to vector<16xi32>
    %min3A_1531 = arith.minsi %max3A_1528, %min3A_1530 : vector<16xi32>
    %gather3A_1532 = tpu.vector_load_idx %arg8[%min3A_1531] : memref<128xi32, #tpu.memory_space<vmem>>[vector<16xi32>], vector<16xi32>,
    %swap3A_1533 = arith.constant 2128 : index
    %swap3A_1534 = tpu.vector_load %arg9[%swap3A_1533] {strides = array<i32>} : memref<3136xi32, #tpu.memory_space<vmem>>, vector<16xi32>,
    tpu.vector_store %arg9[%swap3A_1533], %gather3A_1532 {strides = array<i32>} : memref<3136xi32, #tpu.memory_space<vmem>>, vector<16xi32>,
    %get3A_1535 = arith.constant 2144 : index
    %get3A_1536 = tpu.vector_load %arg6[%get3A_1535] {strides = array<i32>} : memref<3136xi32, #tpu.memory_space<vmem>>, vector<16xi32>,
    %max3A_1537 = arith.constant 0 : i32
    %max3A_1538 = vector.broadcast %max3A_1537 : i32 to vector<16xi32>
    %max3A_1539 = arith.maxsi %get3A_1536, %max3A_1538 : vector<16xi32>
    %min3A_1540 = arith.constant 127 : i32
    %min3A_1541 = vector.broadcast %min3A_1540 : i32 to vector<16xi32>
    %min3A_1542 = arith.minsi %max3A_1539, %min3A_1541 : vector<16xi32>
    %gather3A_1543 = tpu.vector_load_idx %arg8[%min3A_1542] : memref<128xi32, #tpu.memory_space<vmem>>[vector<16xi32>], vector<16xi32>,
    %swap3A_1544 = arith.constant 2144 : index
    %swap3A_1545 = tpu.vector_load %arg9[%swap3A_1544] {strides = array<i32>} : memref<3136xi32, #tpu.memory_space<vmem>>, vector<16xi32>,
    tpu.vector_store %arg9[%swap3A_1544], %gather3A_1543 {strides = array<i32>} : memref<3136xi32, #tpu.memory_space<vmem>>, vector<16xi32>,
    %get3A_1546 = arith.constant 2160 : index
    %get3A_1547 = tpu.vector_load %arg6[%get3A_1546] {strides = array<i32>} : memref<3136xi32, #tpu.memory_space<vmem>>, vector<16xi32>,
    %max3A_1548 = arith.constant 0 : i32
    %max3A_1549 = vector.broadcast %max3A_1548 : i32 to vector<16xi32>
    %max3A_1550 = arith.maxsi %get3A_1547, %max3A_1549 : vector<16xi32>
    %min3A_1551 = arith.constant 127 : i32
    %min3A_1552 = vector.broadcast %min3A_1551 : i32 to vector<16xi32>
    %min3A_1553 = arith.minsi %max3A_1550, %min3A_1552 : vector<16xi32>
    %gather3A_1554 = tpu.vector_load_idx %arg8[%min3A_1553] : memref<128xi32, #tpu.memory_space<vmem>>[vector<16xi32>], vector<16xi32>,
    %swap3A_1555 = arith.constant 2160 : index
    %swap3A_1556 = tpu.vector_load %arg9[%swap3A_1555] {strides = array<i32>} : memref<3136xi32, #tpu.memory_space<vmem>>, vector<16xi32>,
    tpu.vector_store %arg9[%swap3A_1555], %gather3A_1554 {strides = array<i32>} : memref<3136xi32, #tpu.memory_space<vmem>>, vector<16xi32>,
    %get3A_1557 = arith.constant 2176 : index
    %get3A_1558 = tpu.vector_load %arg6[%get3A_1557] {strides = array<i32>} : memref<3136xi32, #tpu.memory_space<vmem>>, vector<16xi32>,
    %max3A_1559 = arith.constant 0 : i32
    %max3A_1560 = vector.broadcast %max3A_1559 : i32 to vector<16xi32>
    %max3A_1561 = arith.maxsi %get3A_1558, %max3A_1560 : vector<16xi32>
    %min3A_1562 = arith.constant 127 : i32
    %min3A_1563 = vector.broadcast %min3A_1562 : i32 to vector<16xi32>
    %min3A_1564 = arith.minsi %max3A_1561, %min3A_1563 : vector<16xi32>
    %gather3A_1565 = tpu.vector_load_idx %arg8[%min3A_1564] : memref<128xi32, #tpu.memory_space<vmem>>[vector<16xi32>], vector<16xi32>,
    %swap3A_1566 = arith.constant 2176 : index
    %swap3A_1567 = tpu.vector_load %arg9[%swap3A_1566] {strides = array<i32>} : memref<3136xi32, #tpu.memory_space<vmem>>, vector<16xi32>,
    tpu.vector_store %arg9[%swap3A_1566], %gather3A_1565 {strides = array<i32>} : memref<3136xi32, #tpu.memory_space<vmem>>, vector<16xi32>,
    %get3A_1568 = arith.constant 2192 : index
    %get3A_1569 = tpu.vector_load %arg6[%get3A_1568] {strides = array<i32>} : memref<3136xi32, #tpu.memory_space<vmem>>, vector<16xi32>,
    %max3A_1570 = arith.constant 0 : i32
    %max3A_1571 = vector.broadcast %max3A_1570 : i32 to vector<16xi32>
    %max3A_1572 = arith.maxsi %get3A_1569, %max3A_1571 : vector<16xi32>
    %min3A_1573 = arith.constant 127 : i32
    %min3A_1574 = vector.broadcast %min3A_1573 : i32 to vector<16xi32>
    %min3A_1575 = arith.minsi %max3A_1572, %min3A_1574 : vector<16xi32>
    %gather3A_1576 = tpu.vector_load_idx %arg8[%min3A_1575] : memref<128xi32, #tpu.memory_space<vmem>>[vector<16xi32>], vector<16xi32>,
    %swap3A_1577 = arith.constant 2192 : index
    %swap3A_1578 = tpu.vector_load %arg9[%swap3A_1577] {strides = array<i32>} : memref<3136xi32, #tpu.memory_space<vmem>>, vector<16xi32>,
    tpu.vector_store %arg9[%swap3A_1577], %gather3A_1576 {strides = array<i32>} : memref<3136xi32, #tpu.memory_space<vmem>>, vector<16xi32>,
    %get3A_1579 = arith.constant 2208 : index
    %get3A_1580 = tpu.vector_load %arg6[%get3A_1579] {strides = array<i32>} : memref<3136xi32, #tpu.memory_space<vmem>>, vector<16xi32>,
    %max3A_1581 = arith.constant 0 : i32
    %max3A_1582 = vector.broadcast %max3A_1581 : i32 to vector<16xi32>
    %max3A_1583 = arith.maxsi %get3A_1580, %max3A_1582 : vector<16xi32>
    %min3A_1584 = arith.constant 127 : i32
    %min3A_1585 = vector.broadcast %min3A_1584 : i32 to vector<16xi32>
    %min3A_1586 = arith.minsi %max3A_1583, %min3A_1585 : vector<16xi32>
    %gather3A_1587 = tpu.vector_load_idx %arg8[%min3A_1586] : memref<128xi32, #tpu.memory_space<vmem>>[vector<16xi32>], vector<16xi32>,
    %swap3A_1588 = arith.constant 2208 : index
    %swap3A_1589 = tpu.vector_load %arg9[%swap3A_1588] {strides = array<i32>} : memref<3136xi32, #tpu.memory_space<vmem>>, vector<16xi32>,
    tpu.vector_store %arg9[%swap3A_1588], %gather3A_1587 {strides = array<i32>} : memref<3136xi32, #tpu.memory_space<vmem>>, vector<16xi32>,
    %get3A_1590 = arith.constant 2224 : index
    %get3A_1591 = tpu.vector_load %arg6[%get3A_1590] {strides = array<i32>} : memref<3136xi32, #tpu.memory_space<vmem>>, vector<16xi32>,
    %max3A_1592 = arith.constant 0 : i32
    %max3A_1593 = vector.broadcast %max3A_1592 : i32 to vector<16xi32>
    %max3A_1594 = arith.maxsi %get3A_1591, %max3A_1593 : vector<16xi32>
    %min3A_1595 = arith.constant 127 : i32
    %min3A_1596 = vector.broadcast %min3A_1595 : i32 to vector<16xi32>
    %min3A_1597 = arith.minsi %max3A_1594, %min3A_1596 : vector<16xi32>
    %gather3A_1598 = tpu.vector_load_idx %arg8[%min3A_1597] : memref<128xi32, #tpu.memory_space<vmem>>[vector<16xi32>], vector<16xi32>,
    %swap3A_1599 = arith.constant 2224 : index
    %swap3A_1600 = tpu.vector_load %arg9[%swap3A_1599] {strides = array<i32>} : memref<3136xi32, #tpu.memory_space<vmem>>, vector<16xi32>,
    tpu.vector_store %arg9[%swap3A_1599], %gather3A_1598 {strides = array<i32>} : memref<3136xi32, #tpu.memory_space<vmem>>, vector<16xi32>,
    %get3A_1601 = arith.constant 2240 : index
    %get3A_1602 = tpu.vector_load %arg6[%get3A_1601] {strides = array<i32>} : memref<3136xi32, #tpu.memory_space<vmem>>, vector<16xi32>,
    %max3A_1603 = arith.constant 0 : i32
    %max3A_1604 = vector.broadcast %max3A_1603 : i32 to vector<16xi32>
    %max3A_1605 = arith.maxsi %get3A_1602, %max3A_1604 : vector<16xi32>
    %min3A_1606 = arith.constant 127 : i32
    %min3A_1607 = vector.broadcast %min3A_1606 : i32 to vector<16xi32>
    %min3A_1608 = arith.minsi %max3A_1605, %min3A_1607 : vector<16xi32>
    %gather3A_1609 = tpu.vector_load_idx %arg8[%min3A_1608] : memref<128xi32, #tpu.memory_space<vmem>>[vector<16xi32>], vector<16xi32>,
    %swap3A_1610 = arith.constant 2240 : index
    %swap3A_1611 = tpu.vector_load %arg9[%swap3A_1610] {strides = array<i32>} : memref<3136xi32, #tpu.memory_space<vmem>>, vector<16xi32>,
    tpu.vector_store %arg9[%swap3A_1610], %gather3A_1609 {strides = array<i32>} : memref<3136xi32, #tpu.memory_space<vmem>>, vector<16xi32>,
    %get3A_1612 = arith.constant 2256 : index
    %get3A_1613 = tpu.vector_load %arg6[%get3A_1612] {strides = array<i32>} : memref<3136xi32, #tpu.memory_space<vmem>>, vector<16xi32>,
    %max3A_1614 = arith.constant 0 : i32
    %max3A_1615 = vector.broadcast %max3A_1614 : i32 to vector<16xi32>
    %max3A_1616 = arith.maxsi %get3A_1613, %max3A_1615 : vector<16xi32>
    %min3A_1617 = arith.constant 127 : i32
    %min3A_1618 = vector.broadcast %min3A_1617 : i32 to vector<16xi32>
    %min3A_1619 = arith.minsi %max3A_1616, %min3A_1618 : vector<16xi32>
    %gather3A_1620 = tpu.vector_load_idx %arg8[%min3A_1619] : memref<128xi32, #tpu.memory_space<vmem>>[vector<16xi32>], vector<16xi32>,
    %swap3A_1621 = arith.constant 2256 : index
    %swap3A_1622 = tpu.vector_load %arg9[%swap3A_1621] {strides = array<i32>} : memref<3136xi32, #tpu.memory_space<vmem>>, vector<16xi32>,
    tpu.vector_store %arg9[%swap3A_1621], %gather3A_1620 {strides = array<i32>} : memref<3136xi32, #tpu.memory_space<vmem>>, vector<16xi32>,
    %get3A_1623 = arith.constant 2272 : index
    %get3A_1624 = tpu.vector_load %arg6[%get3A_1623] {strides = array<i32>} : memref<3136xi32, #tpu.memory_space<vmem>>, vector<16xi32>,
    %max3A_1625 = arith.constant 0 : i32
    %max3A_1626 = vector.broadcast %max3A_1625 : i32 to vector<16xi32>
    %max3A_1627 = arith.maxsi %get3A_1624, %max3A_1626 : vector<16xi32>
    %min3A_1628 = arith.constant 127 : i32
    %min3A_1629 = vector.broadcast %min3A_1628 : i32 to vector<16xi32>
    %min3A_1630 = arith.minsi %max3A_1627, %min3A_1629 : vector<16xi32>
    %gather3A_1631 = tpu.vector_load_idx %arg8[%min3A_1630] : memref<128xi32, #tpu.memory_space<vmem>>[vector<16xi32>], vector<16xi32>,
    %swap3A_1632 = arith.constant 2272 : index
    %swap3A_1633 = tpu.vector_load %arg9[%swap3A_1632] {strides = array<i32>} : memref<3136xi32, #tpu.memory_space<vmem>>, vector<16xi32>,
    tpu.vector_store %arg9[%swap3A_1632], %gather3A_1631 {strides = array<i32>} : memref<3136xi32, #tpu.memory_space<vmem>>, vector<16xi32>,
    %get3A_1634 = arith.constant 2288 : index
    %get3A_1635 = tpu.vector_load %arg6[%get3A_1634] {strides = array<i32>} : memref<3136xi32, #tpu.memory_space<vmem>>, vector<16xi32>,
    %max3A_1636 = arith.constant 0 : i32
    %max3A_1637 = vector.broadcast %max3A_1636 : i32 to vector<16xi32>
    %max3A_1638 = arith.maxsi %get3A_1635, %max3A_1637 : vector<16xi32>
    %min3A_1639 = arith.constant 127 : i32
    %min3A_1640 = vector.broadcast %min3A_1639 : i32 to vector<16xi32>
    %min3A_1641 = arith.minsi %max3A_1638, %min3A_1640 : vector<16xi32>
    %gather3A_1642 = tpu.vector_load_idx %arg8[%min3A_1641] : memref<128xi32, #tpu.memory_space<vmem>>[vector<16xi32>], vector<16xi32>,
    %swap3A_1643 = arith.constant 2288 : index
    %swap3A_1644 = tpu.vector_load %arg9[%swap3A_1643] {strides = array<i32>} : memref<3136xi32, #tpu.memory_space<vmem>>, vector<16xi32>,
    tpu.vector_store %arg9[%swap3A_1643], %gather3A_1642 {strides = array<i32>} : memref<3136xi32, #tpu.memory_space<vmem>>, vector<16xi32>,
    %get3A_1645 = arith.constant 2304 : index
    %get3A_1646 = tpu.vector_load %arg6[%get3A_1645] {strides = array<i32>} : memref<3136xi32, #tpu.memory_space<vmem>>, vector<16xi32>,
    %max3A_1647 = arith.constant 0 : i32
    %max3A_1648 = vector.broadcast %max3A_1647 : i32 to vector<16xi32>
    %max3A_1649 = arith.maxsi %get3A_1646, %max3A_1648 : vector<16xi32>
    %min3A_1650 = arith.constant 127 : i32
    %min3A_1651 = vector.broadcast %min3A_1650 : i32 to vector<16xi32>
    %min3A_1652 = arith.minsi %max3A_1649, %min3A_1651 : vector<16xi32>
    %gather3A_1653 = tpu.vector_load_idx %arg8[%min3A_1652] : memref<128xi32, #tpu.memory_space<vmem>>[vector<16xi32>], vector<16xi32>,
    %swap3A_1654 = arith.constant 2304 : index
    %swap3A_1655 = tpu.vector_load %arg9[%swap3A_1654] {strides = array<i32>} : memref<3136xi32, #tpu.memory_space<vmem>>, vector<16xi32>,
    tpu.vector_store %arg9[%swap3A_1654], %gather3A_1653 {strides = array<i32>} : memref<3136xi32, #tpu.memory_space<vmem>>, vector<16xi32>,
    %get3A_1656 = arith.constant 2320 : index
    %get3A_1657 = tpu.vector_load %arg6[%get3A_1656] {strides = array<i32>} : memref<3136xi32, #tpu.memory_space<vmem>>, vector<16xi32>,
    %max3A_1658 = arith.constant 0 : i32
    %max3A_1659 = vector.broadcast %max3A_1658 : i32 to vector<16xi32>
    %max3A_1660 = arith.maxsi %get3A_1657, %max3A_1659 : vector<16xi32>
    %min3A_1661 = arith.constant 127 : i32
    %min3A_1662 = vector.broadcast %min3A_1661 : i32 to vector<16xi32>
    %min3A_1663 = arith.minsi %max3A_1660, %min3A_1662 : vector<16xi32>
    %gather3A_1664 = tpu.vector_load_idx %arg8[%min3A_1663] : memref<128xi32, #tpu.memory_space<vmem>>[vector<16xi32>], vector<16xi32>,
    %swap3A_1665 = arith.constant 2320 : index
    %swap3A_1666 = tpu.vector_load %arg9[%swap3A_1665] {strides = array<i32>} : memref<3136xi32, #tpu.memory_space<vmem>>, vector<16xi32>,
    tpu.vector_store %arg9[%swap3A_1665], %gather3A_1664 {strides = array<i32>} : memref<3136xi32, #tpu.memory_space<vmem>>, vector<16xi32>,
    %get3A_1667 = arith.constant 2336 : index
    %get3A_1668 = tpu.vector_load %arg6[%get3A_1667] {strides = array<i32>} : memref<3136xi32, #tpu.memory_space<vmem>>, vector<16xi32>,
    %max3A_1669 = arith.constant 0 : i32
    %max3A_1670 = vector.broadcast %max3A_1669 : i32 to vector<16xi32>
    %max3A_1671 = arith.maxsi %get3A_1668, %max3A_1670 : vector<16xi32>
    %min3A_1672 = arith.constant 127 : i32
    %min3A_1673 = vector.broadcast %min3A_1672 : i32 to vector<16xi32>
    %min3A_1674 = arith.minsi %max3A_1671, %min3A_1673 : vector<16xi32>
    %gather3A_1675 = tpu.vector_load_idx %arg8[%min3A_1674] : memref<128xi32, #tpu.memory_space<vmem>>[vector<16xi32>], vector<16xi32>,
    %swap3A_1676 = arith.constant 2336 : index
    %swap3A_1677 = tpu.vector_load %arg9[%swap3A_1676] {strides = array<i32>} : memref<3136xi32, #tpu.memory_space<vmem>>, vector<16xi32>,
    tpu.vector_store %arg9[%swap3A_1676], %gather3A_1675 {strides = array<i32>} : memref<3136xi32, #tpu.memory_space<vmem>>, vector<16xi32>,
    %get3A_1678 = arith.constant 2352 : index
    %get3A_1679 = tpu.vector_load %arg6[%get3A_1678] {strides = array<i32>} : memref<3136xi32, #tpu.memory_space<vmem>>, vector<16xi32>,
    %max3A_1680 = arith.constant 0 : i32
    %max3A_1681 = vector.broadcast %max3A_1680 : i32 to vector<16xi32>
    %max3A_1682 = arith.maxsi %get3A_1679, %max3A_1681 : vector<16xi32>
    %min3A_1683 = arith.constant 127 : i32
    %min3A_1684 = vector.broadcast %min3A_1683 : i32 to vector<16xi32>
    %min3A_1685 = arith.minsi %max3A_1682, %min3A_1684 : vector<16xi32>
    %gather3A_1686 = tpu.vector_load_idx %arg8[%min3A_1685] : memref<128xi32, #tpu.memory_space<vmem>>[vector<16xi32>], vector<16xi32>,
    %swap3A_1687 = arith.constant 2352 : index
    %swap3A_1688 = tpu.vector_load %arg9[%swap3A_1687] {strides = array<i32>} : memref<3136xi32, #tpu.memory_space<vmem>>, vector<16xi32>,
    tpu.vector_store %arg9[%swap3A_1687], %gather3A_1686 {strides = array<i32>} : memref<3136xi32, #tpu.memory_space<vmem>>, vector<16xi32>,
    %get3A_1689 = arith.constant 2368 : index
    %get3A_1690 = tpu.vector_load %arg6[%get3A_1689] {strides = array<i32>} : memref<3136xi32, #tpu.memory_space<vmem>>, vector<16xi32>,
    %max3A_1691 = arith.constant 0 : i32
    %max3A_1692 = vector.broadcast %max3A_1691 : i32 to vector<16xi32>
    %max3A_1693 = arith.maxsi %get3A_1690, %max3A_1692 : vector<16xi32>
    %min3A_1694 = arith.constant 127 : i32
    %min3A_1695 = vector.broadcast %min3A_1694 : i32 to vector<16xi32>
    %min3A_1696 = arith.minsi %max3A_1693, %min3A_1695 : vector<16xi32>
    %gather3A_1697 = tpu.vector_load_idx %arg8[%min3A_1696] : memref<128xi32, #tpu.memory_space<vmem>>[vector<16xi32>], vector<16xi32>,
    %swap3A_1698 = arith.constant 2368 : index
    %swap3A_1699 = tpu.vector_load %arg9[%swap3A_1698] {strides = array<i32>} : memref<3136xi32, #tpu.memory_space<vmem>>, vector<16xi32>,
    tpu.vector_store %arg9[%swap3A_1698], %gather3A_1697 {strides = array<i32>} : memref<3136xi32, #tpu.memory_space<vmem>>, vector<16xi32>,
    %get3A_1700 = arith.constant 2384 : index
    %get3A_1701 = tpu.vector_load %arg6[%get3A_1700] {strides = array<i32>} : memref<3136xi32, #tpu.memory_space<vmem>>, vector<16xi32>,
    %max3A_1702 = arith.constant 0 : i32
    %max3A_1703 = vector.broadcast %max3A_1702 : i32 to vector<16xi32>
    %max3A_1704 = arith.maxsi %get3A_1701, %max3A_1703 : vector<16xi32>
    %min3A_1705 = arith.constant 127 : i32
    %min3A_1706 = vector.broadcast %min3A_1705 : i32 to vector<16xi32>
    %min3A_1707 = arith.minsi %max3A_1704, %min3A_1706 : vector<16xi32>
    %gather3A_1708 = tpu.vector_load_idx %arg8[%min3A_1707] : memref<128xi32, #tpu.memory_space<vmem>>[vector<16xi32>], vector<16xi32>,
    %swap3A_1709 = arith.constant 2384 : index
    %swap3A_1710 = tpu.vector_load %arg9[%swap3A_1709] {strides = array<i32>} : memref<3136xi32, #tpu.memory_space<vmem>>, vector<16xi32>,
    tpu.vector_store %arg9[%swap3A_1709], %gather3A_1708 {strides = array<i32>} : memref<3136xi32, #tpu.memory_space<vmem>>, vector<16xi32>,
    %get3A_1711 = arith.constant 2400 : index
    %get3A_1712 = tpu.vector_load %arg6[%get3A_1711] {strides = array<i32>} : memref<3136xi32, #tpu.memory_space<vmem>>, vector<16xi32>,
    %max3A_1713 = arith.constant 0 : i32
    %max3A_1714 = vector.broadcast %max3A_1713 : i32 to vector<16xi32>
    %max3A_1715 = arith.maxsi %get3A_1712, %max3A_1714 : vector<16xi32>
    %min3A_1716 = arith.constant 127 : i32
    %min3A_1717 = vector.broadcast %min3A_1716 : i32 to vector<16xi32>
    %min3A_1718 = arith.minsi %max3A_1715, %min3A_1717 : vector<16xi32>
    %gather3A_1719 = tpu.vector_load_idx %arg8[%min3A_1718] : memref<128xi32, #tpu.memory_space<vmem>>[vector<16xi32>], vector<16xi32>,
    %swap3A_1720 = arith.constant 2400 : index
    %swap3A_1721 = tpu.vector_load %arg9[%swap3A_1720] {strides = array<i32>} : memref<3136xi32, #tpu.memory_space<vmem>>, vector<16xi32>,
    tpu.vector_store %arg9[%swap3A_1720], %gather3A_1719 {strides = array<i32>} : memref<3136xi32, #tpu.memory_space<vmem>>, vector<16xi32>,
    %get3A_1722 = arith.constant 2416 : index
    %get3A_1723 = tpu.vector_load %arg6[%get3A_1722] {strides = array<i32>} : memref<3136xi32, #tpu.memory_space<vmem>>, vector<16xi32>,
    %max3A_1724 = arith.constant 0 : i32
    %max3A_1725 = vector.broadcast %max3A_1724 : i32 to vector<16xi32>
    %max3A_1726 = arith.maxsi %get3A_1723, %max3A_1725 : vector<16xi32>
    %min3A_1727 = arith.constant 127 : i32
    %min3A_1728 = vector.broadcast %min3A_1727 : i32 to vector<16xi32>
    %min3A_1729 = arith.minsi %max3A_1726, %min3A_1728 : vector<16xi32>
    %gather3A_1730 = tpu.vector_load_idx %arg8[%min3A_1729] : memref<128xi32, #tpu.memory_space<vmem>>[vector<16xi32>], vector<16xi32>,
    %swap3A_1731 = arith.constant 2416 : index
    %swap3A_1732 = tpu.vector_load %arg9[%swap3A_1731] {strides = array<i32>} : memref<3136xi32, #tpu.memory_space<vmem>>, vector<16xi32>,
    tpu.vector_store %arg9[%swap3A_1731], %gather3A_1730 {strides = array<i32>} : memref<3136xi32, #tpu.memory_space<vmem>>, vector<16xi32>,
    %get3A_1733 = arith.constant 2432 : index
    %get3A_1734 = tpu.vector_load %arg6[%get3A_1733] {strides = array<i32>} : memref<3136xi32, #tpu.memory_space<vmem>>, vector<16xi32>,
    %max3A_1735 = arith.constant 0 : i32
    %max3A_1736 = vector.broadcast %max3A_1735 : i32 to vector<16xi32>
    %max3A_1737 = arith.maxsi %get3A_1734, %max3A_1736 : vector<16xi32>
    %min3A_1738 = arith.constant 127 : i32
    %min3A_1739 = vector.broadcast %min3A_1738 : i32 to vector<16xi32>
    %min3A_1740 = arith.minsi %max3A_1737, %min3A_1739 : vector<16xi32>
    %gather3A_1741 = tpu.vector_load_idx %arg8[%min3A_1740] : memref<128xi32, #tpu.memory_space<vmem>>[vector<16xi32>], vector<16xi32>,
    %swap3A_1742 = arith.constant 2432 : index
    %swap3A_1743 = tpu.vector_load %arg9[%swap3A_1742] {strides = array<i32>} : memref<3136xi32, #tpu.memory_space<vmem>>, vector<16xi32>,
    tpu.vector_store %arg9[%swap3A_1742], %gather3A_1741 {strides = array<i32>} : memref<3136xi32, #tpu.memory_space<vmem>>, vector<16xi32>,
    %get3A_1744 = arith.constant 2448 : index
    %get3A_1745 = tpu.vector_load %arg6[%get3A_1744] {strides = array<i32>} : memref<3136xi32, #tpu.memory_space<vmem>>, vector<16xi32>,
    %max3A_1746 = arith.constant 0 : i32
    %max3A_1747 = vector.broadcast %max3A_1746 : i32 to vector<16xi32>
    %max3A_1748 = arith.maxsi %get3A_1745, %max3A_1747 : vector<16xi32>
    %min3A_1749 = arith.constant 127 : i32
    %min3A_1750 = vector.broadcast %min3A_1749 : i32 to vector<16xi32>
    %min3A_1751 = arith.minsi %max3A_1748, %min3A_1750 : vector<16xi32>
    %gather3A_1752 = tpu.vector_load_idx %arg8[%min3A_1751] : memref<128xi32, #tpu.memory_space<vmem>>[vector<16xi32>], vector<16xi32>,
    %swap3A_1753 = arith.constant 2448 : index
    %swap3A_1754 = tpu.vector_load %arg9[%swap3A_1753] {strides = array<i32>} : memref<3136xi32, #tpu.memory_space<vmem>>, vector<16xi32>,
    tpu.vector_store %arg9[%swap3A_1753], %gather3A_1752 {strides = array<i32>} : memref<3136xi32, #tpu.memory_space<vmem>>, vector<16xi32>,
    %get3A_1755 = arith.constant 2464 : index
    %get3A_1756 = tpu.vector_load %arg6[%get3A_1755] {strides = array<i32>} : memref<3136xi32, #tpu.memory_space<vmem>>, vector<16xi32>,
    %max3A_1757 = arith.constant 0 : i32
    %max3A_1758 = vector.broadcast %max3A_1757 : i32 to vector<16xi32>
    %max3A_1759 = arith.maxsi %get3A_1756, %max3A_1758 : vector<16xi32>
    %min3A_1760 = arith.constant 127 : i32
    %min3A_1761 = vector.broadcast %min3A_1760 : i32 to vector<16xi32>
    %min3A_1762 = arith.minsi %max3A_1759, %min3A_1761 : vector<16xi32>
    %gather3A_1763 = tpu.vector_load_idx %arg8[%min3A_1762] : memref<128xi32, #tpu.memory_space<vmem>>[vector<16xi32>], vector<16xi32>,
    %swap3A_1764 = arith.constant 2464 : index
    %swap3A_1765 = tpu.vector_load %arg9[%swap3A_1764] {strides = array<i32>} : memref<3136xi32, #tpu.memory_space<vmem>>, vector<16xi32>,
    tpu.vector_store %arg9[%swap3A_1764], %gather3A_1763 {strides = array<i32>} : memref<3136xi32, #tpu.memory_space<vmem>>, vector<16xi32>,
    %get3A_1766 = arith.constant 2480 : index
    %get3A_1767 = tpu.vector_load %arg6[%get3A_1766] {strides = array<i32>} : memref<3136xi32, #tpu.memory_space<vmem>>, vector<16xi32>,
    %max3A_1768 = arith.constant 0 : i32
    %max3A_1769 = vector.broadcast %max3A_1768 : i32 to vector<16xi32>
    %max3A_1770 = arith.maxsi %get3A_1767, %max3A_1769 : vector<16xi32>
    %min3A_1771 = arith.constant 127 : i32
    %min3A_1772 = vector.broadcast %min3A_1771 : i32 to vector<16xi32>
    %min3A_1773 = arith.minsi %max3A_1770, %min3A_1772 : vector<16xi32>
    %gather3A_1774 = tpu.vector_load_idx %arg8[%min3A_1773] : memref<128xi32, #tpu.memory_space<vmem>>[vector<16xi32>], vector<16xi32>,
    %swap3A_1775 = arith.constant 2480 : index
    %swap3A_1776 = tpu.vector_load %arg9[%swap3A_1775] {strides = array<i32>} : memref<3136xi32, #tpu.memory_space<vmem>>, vector<16xi32>,
    tpu.vector_store %arg9[%swap3A_1775], %gather3A_1774 {strides = array<i32>} : memref<3136xi32, #tpu.memory_space<vmem>>, vector<16xi32>,
    %get3A_1777 = arith.constant 2496 : index
    %get3A_1778 = tpu.vector_load %arg6[%get3A_1777] {strides = array<i32>} : memref<3136xi32, #tpu.memory_space<vmem>>, vector<16xi32>,
    %max3A_1779 = arith.constant 0 : i32
    %max3A_1780 = vector.broadcast %max3A_1779 : i32 to vector<16xi32>
    %max3A_1781 = arith.maxsi %get3A_1778, %max3A_1780 : vector<16xi32>
    %min3A_1782 = arith.constant 127 : i32
    %min3A_1783 = vector.broadcast %min3A_1782 : i32 to vector<16xi32>
    %min3A_1784 = arith.minsi %max3A_1781, %min3A_1783 : vector<16xi32>
    %gather3A_1785 = tpu.vector_load_idx %arg8[%min3A_1784] : memref<128xi32, #tpu.memory_space<vmem>>[vector<16xi32>], vector<16xi32>,
    %swap3A_1786 = arith.constant 2496 : index
    %swap3A_1787 = tpu.vector_load %arg9[%swap3A_1786] {strides = array<i32>} : memref<3136xi32, #tpu.memory_space<vmem>>, vector<16xi32>,
    tpu.vector_store %arg9[%swap3A_1786], %gather3A_1785 {strides = array<i32>} : memref<3136xi32, #tpu.memory_space<vmem>>, vector<16xi32>,
    %get3A_1788 = arith.constant 2512 : index
    %get3A_1789 = tpu.vector_load %arg6[%get3A_1788] {strides = array<i32>} : memref<3136xi32, #tpu.memory_space<vmem>>, vector<16xi32>,
    %max3A_1790 = arith.constant 0 : i32
    %max3A_1791 = vector.broadcast %max3A_1790 : i32 to vector<16xi32>
    %max3A_1792 = arith.maxsi %get3A_1789, %max3A_1791 : vector<16xi32>
    %min3A_1793 = arith.constant 127 : i32
    %min3A_1794 = vector.broadcast %min3A_1793 : i32 to vector<16xi32>
    %min3A_1795 = arith.minsi %max3A_1792, %min3A_1794 : vector<16xi32>
    %gather3A_1796 = tpu.vector_load_idx %arg8[%min3A_1795] : memref<128xi32, #tpu.memory_space<vmem>>[vector<16xi32>], vector<16xi32>,
    %swap3A_1797 = arith.constant 2512 : index
    %swap3A_1798 = tpu.vector_load %arg9[%swap3A_1797] {strides = array<i32>} : memref<3136xi32, #tpu.memory_space<vmem>>, vector<16xi32>,
    tpu.vector_store %arg9[%swap3A_1797], %gather3A_1796 {strides = array<i32>} : memref<3136xi32, #tpu.memory_space<vmem>>, vector<16xi32>,
    %get3A_1799 = arith.constant 2528 : index
    %get3A_1800 = tpu.vector_load %arg6[%get3A_1799] {strides = array<i32>} : memref<3136xi32, #tpu.memory_space<vmem>>, vector<16xi32>,
    %max3A_1801 = arith.constant 0 : i32
    %max3A_1802 = vector.broadcast %max3A_1801 : i32 to vector<16xi32>
    %max3A_1803 = arith.maxsi %get3A_1800, %max3A_1802 : vector<16xi32>
    %min3A_1804 = arith.constant 127 : i32
    %min3A_1805 = vector.broadcast %min3A_1804 : i32 to vector<16xi32>
    %min3A_1806 = arith.minsi %max3A_1803, %min3A_1805 : vector<16xi32>
    %gather3A_1807 = tpu.vector_load_idx %arg8[%min3A_1806] : memref<128xi32, #tpu.memory_space<vmem>>[vector<16xi32>], vector<16xi32>,
    %swap3A_1808 = arith.constant 2528 : index
    %swap3A_1809 = tpu.vector_load %arg9[%swap3A_1808] {strides = array<i32>} : memref<3136xi32, #tpu.memory_space<vmem>>, vector<16xi32>,
    tpu.vector_store %arg9[%swap3A_1808], %gather3A_1807 {strides = array<i32>} : memref<3136xi32, #tpu.memory_space<vmem>>, vector<16xi32>,
    %get3A_1810 = arith.constant 2544 : index
    %get3A_1811 = tpu.vector_load %arg6[%get3A_1810] {strides = array<i32>} : memref<3136xi32, #tpu.memory_space<vmem>>, vector<16xi32>,
    %max3A_1812 = arith.constant 0 : i32
    %max3A_1813 = vector.broadcast %max3A_1812 : i32 to vector<16xi32>
    %max3A_1814 = arith.maxsi %get3A_1811, %max3A_1813 : vector<16xi32>
    %min3A_1815 = arith.constant 127 : i32
    %min3A_1816 = vector.broadcast %min3A_1815 : i32 to vector<16xi32>
    %min3A_1817 = arith.minsi %max3A_1814, %min3A_1816 : vector<16xi32>
    %gather3A_1818 = tpu.vector_load_idx %arg8[%min3A_1817] : memref<128xi32, #tpu.memory_space<vmem>>[vector<16xi32>], vector<16xi32>,
    %swap3A_1819 = arith.constant 2544 : index
    %swap3A_1820 = tpu.vector_load %arg9[%swap3A_1819] {strides = array<i32>} : memref<3136xi32, #tpu.memory_space<vmem>>, vector<16xi32>,
    tpu.vector_store %arg9[%swap3A_1819], %gather3A_1818 {strides = array<i32>} : memref<3136xi32, #tpu.memory_space<vmem>>, vector<16xi32>,
    %get3A_1821 = arith.constant 2560 : index
    %get3A_1822 = tpu.vector_load %arg6[%get3A_1821] {strides = array<i32>} : memref<3136xi32, #tpu.memory_space<vmem>>, vector<16xi32>,
    %max3A_1823 = arith.constant 0 : i32
    %max3A_1824 = vector.broadcast %max3A_1823 : i32 to vector<16xi32>
    %max3A_1825 = arith.maxsi %get3A_1822, %max3A_1824 : vector<16xi32>
    %min3A_1826 = arith.constant 127 : i32
    %min3A_1827 = vector.broadcast %min3A_1826 : i32 to vector<16xi32>
    %min3A_1828 = arith.minsi %max3A_1825, %min3A_1827 : vector<16xi32>
    %gather3A_1829 = tpu.vector_load_idx %arg8[%min3A_1828] : memref<128xi32, #tpu.memory_space<vmem>>[vector<16xi32>], vector<16xi32>,
    %swap3A_1830 = arith.constant 2560 : index
    %swap3A_1831 = tpu.vector_load %arg9[%swap3A_1830] {strides = array<i32>} : memref<3136xi32, #tpu.memory_space<vmem>>, vector<16xi32>,
    tpu.vector_store %arg9[%swap3A_1830], %gather3A_1829 {strides = array<i32>} : memref<3136xi32, #tpu.memory_space<vmem>>, vector<16xi32>,
    %get3A_1832 = arith.constant 2576 : index
    %get3A_1833 = tpu.vector_load %arg6[%get3A_1832] {strides = array<i32>} : memref<3136xi32, #tpu.memory_space<vmem>>, vector<16xi32>,
    %max3A_1834 = arith.constant 0 : i32
    %max3A_1835 = vector.broadcast %max3A_1834 : i32 to vector<16xi32>
    %max3A_1836 = arith.maxsi %get3A_1833, %max3A_1835 : vector<16xi32>
    %min3A_1837 = arith.constant 127 : i32
    %min3A_1838 = vector.broadcast %min3A_1837 : i32 to vector<16xi32>
    %min3A_1839 = arith.minsi %max3A_1836, %min3A_1838 : vector<16xi32>
    %gather3A_1840 = tpu.vector_load_idx %arg8[%min3A_1839] : memref<128xi32, #tpu.memory_space<vmem>>[vector<16xi32>], vector<16xi32>,
    %swap3A_1841 = arith.constant 2576 : index
    %swap3A_1842 = tpu.vector_load %arg9[%swap3A_1841] {strides = array<i32>} : memref<3136xi32, #tpu.memory_space<vmem>>, vector<16xi32>,
    tpu.vector_store %arg9[%swap3A_1841], %gather3A_1840 {strides = array<i32>} : memref<3136xi32, #tpu.memory_space<vmem>>, vector<16xi32>,
    %get3A_1843 = arith.constant 2592 : index
    %get3A_1844 = tpu.vector_load %arg6[%get3A_1843] {strides = array<i32>} : memref<3136xi32, #tpu.memory_space<vmem>>, vector<16xi32>,
    %max3A_1845 = arith.constant 0 : i32
    %max3A_1846 = vector.broadcast %max3A_1845 : i32 to vector<16xi32>
    %max3A_1847 = arith.maxsi %get3A_1844, %max3A_1846 : vector<16xi32>
    %min3A_1848 = arith.constant 127 : i32
    %min3A_1849 = vector.broadcast %min3A_1848 : i32 to vector<16xi32>
    %min3A_1850 = arith.minsi %max3A_1847, %min3A_1849 : vector<16xi32>
    %gather3A_1851 = tpu.vector_load_idx %arg8[%min3A_1850] : memref<128xi32, #tpu.memory_space<vmem>>[vector<16xi32>], vector<16xi32>,
    %swap3A_1852 = arith.constant 2592 : index
    %swap3A_1853 = tpu.vector_load %arg9[%swap3A_1852] {strides = array<i32>} : memref<3136xi32, #tpu.memory_space<vmem>>, vector<16xi32>,
    tpu.vector_store %arg9[%swap3A_1852], %gather3A_1851 {strides = array<i32>} : memref<3136xi32, #tpu.memory_space<vmem>>, vector<16xi32>,
    %get3A_1854 = arith.constant 2608 : index
    %get3A_1855 = tpu.vector_load %arg6[%get3A_1854] {strides = array<i32>} : memref<3136xi32, #tpu.memory_space<vmem>>, vector<16xi32>,
    %max3A_1856 = arith.constant 0 : i32
    %max3A_1857 = vector.broadcast %max3A_1856 : i32 to vector<16xi32>
    %max3A_1858 = arith.maxsi %get3A_1855, %max3A_1857 : vector<16xi32>
    %min3A_1859 = arith.constant 127 : i32
    %min3A_1860 = vector.broadcast %min3A_1859 : i32 to vector<16xi32>
    %min3A_1861 = arith.minsi %max3A_1858, %min3A_1860 : vector<16xi32>
    %gather3A_1862 = tpu.vector_load_idx %arg8[%min3A_1861] : memref<128xi32, #tpu.memory_space<vmem>>[vector<16xi32>], vector<16xi32>,
    %swap3A_1863 = arith.constant 2608 : index
    %swap3A_1864 = tpu.vector_load %arg9[%swap3A_1863] {strides = array<i32>} : memref<3136xi32, #tpu.memory_space<vmem>>, vector<16xi32>,
    tpu.vector_store %arg9[%swap3A_1863], %gather3A_1862 {strides = array<i32>} : memref<3136xi32, #tpu.memory_space<vmem>>, vector<16xi32>,
    %get3A_1865 = arith.constant 2624 : index
    %get3A_1866 = tpu.vector_load %arg6[%get3A_1865] {strides = array<i32>} : memref<3136xi32, #tpu.memory_space<vmem>>, vector<16xi32>,
    %max3A_1867 = arith.constant 0 : i32
    %max3A_1868 = vector.broadcast %max3A_1867 : i32 to vector<16xi32>
    %max3A_1869 = arith.maxsi %get3A_1866, %max3A_1868 : vector<16xi32>
    %min3A_1870 = arith.constant 127 : i32
    %min3A_1871 = vector.broadcast %min3A_1870 : i32 to vector<16xi32>
    %min3A_1872 = arith.minsi %max3A_1869, %min3A_1871 : vector<16xi32>
    %gather3A_1873 = tpu.vector_load_idx %arg8[%min3A_1872] : memref<128xi32, #tpu.memory_space<vmem>>[vector<16xi32>], vector<16xi32>,
    %swap3A_1874 = arith.constant 2624 : index
    %swap3A_1875 = tpu.vector_load %arg9[%swap3A_1874] {strides = array<i32>} : memref<3136xi32, #tpu.memory_space<vmem>>, vector<16xi32>,
    tpu.vector_store %arg9[%swap3A_1874], %gather3A_1873 {strides = array<i32>} : memref<3136xi32, #tpu.memory_space<vmem>>, vector<16xi32>,
    %get3A_1876 = arith.constant 2640 : index
    %get3A_1877 = tpu.vector_load %arg6[%get3A_1876] {strides = array<i32>} : memref<3136xi32, #tpu.memory_space<vmem>>, vector<16xi32>,
    %max3A_1878 = arith.constant 0 : i32
    %max3A_1879 = vector.broadcast %max3A_1878 : i32 to vector<16xi32>
    %max3A_1880 = arith.maxsi %get3A_1877, %max3A_1879 : vector<16xi32>
    %min3A_1881 = arith.constant 127 : i32
    %min3A_1882 = vector.broadcast %min3A_1881 : i32 to vector<16xi32>
    %min3A_1883 = arith.minsi %max3A_1880, %min3A_1882 : vector<16xi32>
    %gather3A_1884 = tpu.vector_load_idx %arg8[%min3A_1883] : memref<128xi32, #tpu.memory_space<vmem>>[vector<16xi32>], vector<16xi32>,
    %swap3A_1885 = arith.constant 2640 : index
    %swap3A_1886 = tpu.vector_load %arg9[%swap3A_1885] {strides = array<i32>} : memref<3136xi32, #tpu.memory_space<vmem>>, vector<16xi32>,
    tpu.vector_store %arg9[%swap3A_1885], %gather3A_1884 {strides = array<i32>} : memref<3136xi32, #tpu.memory_space<vmem>>, vector<16xi32>,
    %get3A_1887 = arith.constant 2656 : index
    %get3A_1888 = tpu.vector_load %arg6[%get3A_1887] {strides = array<i32>} : memref<3136xi32, #tpu.memory_space<vmem>>, vector<16xi32>,
    %max3A_1889 = arith.constant 0 : i32
    %max3A_1890 = vector.broadcast %max3A_1889 : i32 to vector<16xi32>
    %max3A_1891 = arith.maxsi %get3A_1888, %max3A_1890 : vector<16xi32>
    %min3A_1892 = arith.constant 127 : i32
    %min3A_1893 = vector.broadcast %min3A_1892 : i32 to vector<16xi32>
    %min3A_1894 = arith.minsi %max3A_1891, %min3A_1893 : vector<16xi32>
    %gather3A_1895 = tpu.vector_load_idx %arg8[%min3A_1894] : memref<128xi32, #tpu.memory_space<vmem>>[vector<16xi32>], vector<16xi32>,
    %swap3A_1896 = arith.constant 2656 : index
    %swap3A_1897 = tpu.vector_load %arg9[%swap3A_1896] {strides = array<i32>} : memref<3136xi32, #tpu.memory_space<vmem>>, vector<16xi32>,
    tpu.vector_store %arg9[%swap3A_1896], %gather3A_1895 {strides = array<i32>} : memref<3136xi32, #tpu.memory_space<vmem>>, vector<16xi32>,
    %get3A_1898 = arith.constant 2672 : index
    %get3A_1899 = tpu.vector_load %arg6[%get3A_1898] {strides = array<i32>} : memref<3136xi32, #tpu.memory_space<vmem>>, vector<16xi32>,
    %max3A_1900 = arith.constant 0 : i32
    %max3A_1901 = vector.broadcast %max3A_1900 : i32 to vector<16xi32>
    %max3A_1902 = arith.maxsi %get3A_1899, %max3A_1901 : vector<16xi32>
    %min3A_1903 = arith.constant 127 : i32
    %min3A_1904 = vector.broadcast %min3A_1903 : i32 to vector<16xi32>
    %min3A_1905 = arith.minsi %max3A_1902, %min3A_1904 : vector<16xi32>
    %gather3A_1906 = tpu.vector_load_idx %arg8[%min3A_1905] : memref<128xi32, #tpu.memory_space<vmem>>[vector<16xi32>], vector<16xi32>,
    %swap3A_1907 = arith.constant 2672 : index
    %swap3A_1908 = tpu.vector_load %arg9[%swap3A_1907] {strides = array<i32>} : memref<3136xi32, #tpu.memory_space<vmem>>, vector<16xi32>,
    tpu.vector_store %arg9[%swap3A_1907], %gather3A_1906 {strides = array<i32>} : memref<3136xi32, #tpu.memory_space<vmem>>, vector<16xi32>,
    %get3A_1909 = arith.constant 2688 : index
    %get3A_1910 = tpu.vector_load %arg6[%get3A_1909] {strides = array<i32>} : memref<3136xi32, #tpu.memory_space<vmem>>, vector<16xi32>,
    %max3A_1911 = arith.constant 0 : i32
    %max3A_1912 = vector.broadcast %max3A_1911 : i32 to vector<16xi32>
    %max3A_1913 = arith.maxsi %get3A_1910, %max3A_1912 : vector<16xi32>
    %min3A_1914 = arith.constant 127 : i32
    %min3A_1915 = vector.broadcast %min3A_1914 : i32 to vector<16xi32>
    %min3A_1916 = arith.minsi %max3A_1913, %min3A_1915 : vector<16xi32>
    %gather3A_1917 = tpu.vector_load_idx %arg8[%min3A_1916] : memref<128xi32, #tpu.memory_space<vmem>>[vector<16xi32>], vector<16xi32>,
    %swap3A_1918 = arith.constant 2688 : index
    %swap3A_1919 = tpu.vector_load %arg9[%swap3A_1918] {strides = array<i32>} : memref<3136xi32, #tpu.memory_space<vmem>>, vector<16xi32>,
    tpu.vector_store %arg9[%swap3A_1918], %gather3A_1917 {strides = array<i32>} : memref<3136xi32, #tpu.memory_space<vmem>>, vector<16xi32>,
    %get3A_1920 = arith.constant 2704 : index
    %get3A_1921 = tpu.vector_load %arg6[%get3A_1920] {strides = array<i32>} : memref<3136xi32, #tpu.memory_space<vmem>>, vector<16xi32>,
    %max3A_1922 = arith.constant 0 : i32
    %max3A_1923 = vector.broadcast %max3A_1922 : i32 to vector<16xi32>
    %max3A_1924 = arith.maxsi %get3A_1921, %max3A_1923 : vector<16xi32>
    %min3A_1925 = arith.constant 127 : i32
    %min3A_1926 = vector.broadcast %min3A_1925 : i32 to vector<16xi32>
    %min3A_1927 = arith.minsi %max3A_1924, %min3A_1926 : vector<16xi32>
    %gather3A_1928 = tpu.vector_load_idx %arg8[%min3A_1927] : memref<128xi32, #tpu.memory_space<vmem>>[vector<16xi32>], vector<16xi32>,
    %swap3A_1929 = arith.constant 2704 : index
    %swap3A_1930 = tpu.vector_load %arg9[%swap3A_1929] {strides = array<i32>} : memref<3136xi32, #tpu.memory_space<vmem>>, vector<16xi32>,
    tpu.vector_store %arg9[%swap3A_1929], %gather3A_1928 {strides = array<i32>} : memref<3136xi32, #tpu.memory_space<vmem>>, vector<16xi32>,
    %get3A_1931 = arith.constant 2720 : index
    %get3A_1932 = tpu.vector_load %arg6[%get3A_1931] {strides = array<i32>} : memref<3136xi32, #tpu.memory_space<vmem>>, vector<16xi32>,
    %max3A_1933 = arith.constant 0 : i32
    %max3A_1934 = vector.broadcast %max3A_1933 : i32 to vector<16xi32>
    %max3A_1935 = arith.maxsi %get3A_1932, %max3A_1934 : vector<16xi32>
    %min3A_1936 = arith.constant 127 : i32
    %min3A_1937 = vector.broadcast %min3A_1936 : i32 to vector<16xi32>
    %min3A_1938 = arith.minsi %max3A_1935, %min3A_1937 : vector<16xi32>
    %gather3A_1939 = tpu.vector_load_idx %arg8[%min3A_1938] : memref<128xi32, #tpu.memory_space<vmem>>[vector<16xi32>], vector<16xi32>,
    %swap3A_1940 = arith.constant 2720 : index
    %swap3A_1941 = tpu.vector_load %arg9[%swap3A_1940] {strides = array<i32>} : memref<3136xi32, #tpu.memory_space<vmem>>, vector<16xi32>,
    tpu.vector_store %arg9[%swap3A_1940], %gather3A_1939 {strides = array<i32>} : memref<3136xi32, #tpu.memory_space<vmem>>, vector<16xi32>,
    %get3A_1942 = arith.constant 2736 : index
    %get3A_1943 = tpu.vector_load %arg6[%get3A_1942] {strides = array<i32>} : memref<3136xi32, #tpu.memory_space<vmem>>, vector<16xi32>,
    %max3A_1944 = arith.constant 0 : i32
    %max3A_1945 = vector.broadcast %max3A_1944 : i32 to vector<16xi32>
    %max3A_1946 = arith.maxsi %get3A_1943, %max3A_1945 : vector<16xi32>
    %min3A_1947 = arith.constant 127 : i32
    %min3A_1948 = vector.broadcast %min3A_1947 : i32 to vector<16xi32>
    %min3A_1949 = arith.minsi %max3A_1946, %min3A_1948 : vector<16xi32>
    %gather3A_1950 = tpu.vector_load_idx %arg8[%min3A_1949] : memref<128xi32, #tpu.memory_space<vmem>>[vector<16xi32>], vector<16xi32>,
    %swap3A_1951 = arith.constant 2736 : index
    %swap3A_1952 = tpu.vector_load %arg9[%swap3A_1951] {strides = array<i32>} : memref<3136xi32, #tpu.memory_space<vmem>>, vector<16xi32>,
    tpu.vector_store %arg9[%swap3A_1951], %gather3A_1950 {strides = array<i32>} : memref<3136xi32, #tpu.memory_space<vmem>>, vector<16xi32>,
    %get3A_1953 = arith.constant 2752 : index
    %get3A_1954 = tpu.vector_load %arg6[%get3A_1953] {strides = array<i32>} : memref<3136xi32, #tpu.memory_space<vmem>>, vector<16xi32>,
    %max3A_1955 = arith.constant 0 : i32
    %max3A_1956 = vector.broadcast %max3A_1955 : i32 to vector<16xi32>
    %max3A_1957 = arith.maxsi %get3A_1954, %max3A_1956 : vector<16xi32>
    %min3A_1958 = arith.constant 127 : i32
    %min3A_1959 = vector.broadcast %min3A_1958 : i32 to vector<16xi32>
    %min3A_1960 = arith.minsi %max3A_1957, %min3A_1959 : vector<16xi32>
    %gather3A_1961 = tpu.vector_load_idx %arg8[%min3A_1960] : memref<128xi32, #tpu.memory_space<vmem>>[vector<16xi32>], vector<16xi32>,
    %swap3A_1962 = arith.constant 2752 : index
    %swap3A_1963 = tpu.vector_load %arg9[%swap3A_1962] {strides = array<i32>} : memref<3136xi32, #tpu.memory_space<vmem>>, vector<16xi32>,
    tpu.vector_store %arg9[%swap3A_1962], %gather3A_1961 {strides = array<i32>} : memref<3136xi32, #tpu.memory_space<vmem>>, vector<16xi32>,
    %get3A_1964 = arith.constant 2768 : index
    %get3A_1965 = tpu.vector_load %arg6[%get3A_1964] {strides = array<i32>} : memref<3136xi32, #tpu.memory_space<vmem>>, vector<16xi32>,
    %max3A_1966 = arith.constant 0 : i32
    %max3A_1967 = vector.broadcast %max3A_1966 : i32 to vector<16xi32>
    %max3A_1968 = arith.maxsi %get3A_1965, %max3A_1967 : vector<16xi32>
    %min3A_1969 = arith.constant 127 : i32
    %min3A_1970 = vector.broadcast %min3A_1969 : i32 to vector<16xi32>
    %min3A_1971 = arith.minsi %max3A_1968, %min3A_1970 : vector<16xi32>
    %gather3A_1972 = tpu.vector_load_idx %arg8[%min3A_1971] : memref<128xi32, #tpu.memory_space<vmem>>[vector<16xi32>], vector<16xi32>,
    %swap3A_1973 = arith.constant 2768 : index
    %swap3A_1974 = tpu.vector_load %arg9[%swap3A_1973] {strides = array<i32>} : memref<3136xi32, #tpu.memory_space<vmem>>, vector<16xi32>,
    tpu.vector_store %arg9[%swap3A_1973], %gather3A_1972 {strides = array<i32>} : memref<3136xi32, #tpu.memory_space<vmem>>, vector<16xi32>,
    %get3A_1975 = arith.constant 2784 : index
    %get3A_1976 = tpu.vector_load %arg6[%get3A_1975] {strides = array<i32>} : memref<3136xi32, #tpu.memory_space<vmem>>, vector<16xi32>,
    %max3A_1977 = arith.constant 0 : i32
    %max3A_1978 = vector.broadcast %max3A_1977 : i32 to vector<16xi32>
    %max3A_1979 = arith.maxsi %get3A_1976, %max3A_1978 : vector<16xi32>
    %min3A_1980 = arith.constant 127 : i32
    %min3A_1981 = vector.broadcast %min3A_1980 : i32 to vector<16xi32>
    %min3A_1982 = arith.minsi %max3A_1979, %min3A_1981 : vector<16xi32>
    %gather3A_1983 = tpu.vector_load_idx %arg8[%min3A_1982] : memref<128xi32, #tpu.memory_space<vmem>>[vector<16xi32>], vector<16xi32>,
    %swap3A_1984 = arith.constant 2784 : index
    %swap3A_1985 = tpu.vector_load %arg9[%swap3A_1984] {strides = array<i32>} : memref<3136xi32, #tpu.memory_space<vmem>>, vector<16xi32>,
    tpu.vector_store %arg9[%swap3A_1984], %gather3A_1983 {strides = array<i32>} : memref<3136xi32, #tpu.memory_space<vmem>>, vector<16xi32>,
    %get3A_1986 = arith.constant 2800 : index
    %get3A_1987 = tpu.vector_load %arg6[%get3A_1986] {strides = array<i32>} : memref<3136xi32, #tpu.memory_space<vmem>>, vector<16xi32>,
    %max3A_1988 = arith.constant 0 : i32
    %max3A_1989 = vector.broadcast %max3A_1988 : i32 to vector<16xi32>
    %max3A_1990 = arith.maxsi %get3A_1987, %max3A_1989 : vector<16xi32>
    %min3A_1991 = arith.constant 127 : i32
    %min3A_1992 = vector.broadcast %min3A_1991 : i32 to vector<16xi32>
    %min3A_1993 = arith.minsi %max3A_1990, %min3A_1992 : vector<16xi32>
    %gather3A_1994 = tpu.vector_load_idx %arg8[%min3A_1993] : memref<128xi32, #tpu.memory_space<vmem>>[vector<16xi32>], vector<16xi32>,
    %swap3A_1995 = arith.constant 2800 : index
    %swap3A_1996 = tpu.vector_load %arg9[%swap3A_1995] {strides = array<i32>} : memref<3136xi32, #tpu.memory_space<vmem>>, vector<16xi32>,
    tpu.vector_store %arg9[%swap3A_1995], %gather3A_1994 {strides = array<i32>} : memref<3136xi32, #tpu.memory_space<vmem>>, vector<16xi32>,
    %get3A_1997 = arith.constant 2816 : index
    %get3A_1998 = tpu.vector_load %arg6[%get3A_1997] {strides = array<i32>} : memref<3136xi32, #tpu.memory_space<vmem>>, vector<16xi32>,
    %max3A_1999 = arith.constant 0 : i32
    %max3A_2000 = vector.broadcast %max3A_1999 : i32 to vector<16xi32>
    %max3A_2001 = arith.maxsi %get3A_1998, %max3A_2000 : vector<16xi32>
    %min3A_2002 = arith.constant 127 : i32
    %min3A_2003 = vector.broadcast %min3A_2002 : i32 to vector<16xi32>
    %min3A_2004 = arith.minsi %max3A_2001, %min3A_2003 : vector<16xi32>
    %gather3A_2005 = tpu.vector_load_idx %arg8[%min3A_2004] : memref<128xi32, #tpu.memory_space<vmem>>[vector<16xi32>], vector<16xi32>,
    %swap3A_2006 = arith.constant 2816 : index
    %swap3A_2007 = tpu.vector_load %arg9[%swap3A_2006] {strides = array<i32>} : memref<3136xi32, #tpu.memory_space<vmem>>, vector<16xi32>,
    tpu.vector_store %arg9[%swap3A_2006], %gather3A_2005 {strides = array<i32>} : memref<3136xi32, #tpu.memory_space<vmem>>, vector<16xi32>,
    %get3A_2008 = arith.constant 2832 : index
    %get3A_2009 = tpu.vector_load %arg6[%get3A_2008] {strides = array<i32>} : memref<3136xi32, #tpu.memory_space<vmem>>, vector<16xi32>,
    %max3A_2010 = arith.constant 0 : i32
    %max3A_2011 = vector.broadcast %max3A_2010 : i32 to vector<16xi32>
    %max3A_2012 = arith.maxsi %get3A_2009, %max3A_2011 : vector<16xi32>
    %min3A_2013 = arith.constant 127 : i32
    %min3A_2014 = vector.broadcast %min3A_2013 : i32 to vector<16xi32>
    %min3A_2015 = arith.minsi %max3A_2012, %min3A_2014 : vector<16xi32>
    %gather3A_2016 = tpu.vector_load_idx %arg8[%min3A_2015] : memref<128xi32, #tpu.memory_space<vmem>>[vector<16xi32>], vector<16xi32>,
    %swap3A_2017 = arith.constant 2832 : index
    %swap3A_2018 = tpu.vector_load %arg9[%swap3A_2017] {strides = array<i32>} : memref<3136xi32, #tpu.memory_space<vmem>>, vector<16xi32>,
    tpu.vector_store %arg9[%swap3A_2017], %gather3A_2016 {strides = array<i32>} : memref<3136xi32, #tpu.memory_space<vmem>>, vector<16xi32>,
    %get3A_2019 = arith.constant 2848 : index
    %get3A_2020 = tpu.vector_load %arg6[%get3A_2019] {strides = array<i32>} : memref<3136xi32, #tpu.memory_space<vmem>>, vector<16xi32>,
    %max3A_2021 = arith.constant 0 : i32
    %max3A_2022 = vector.broadcast %max3A_2021 : i32 to vector<16xi32>
    %max3A_2023 = arith.maxsi %get3A_2020, %max3A_2022 : vector<16xi32>
    %min3A_2024 = arith.constant 127 : i32
    %min3A_2025 = vector.broadcast %min3A_2024 : i32 to vector<16xi32>
    %min3A_2026 = arith.minsi %max3A_2023, %min3A_2025 : vector<16xi32>
    %gather3A_2027 = tpu.vector_load_idx %arg8[%min3A_2026] : memref<128xi32, #tpu.memory_space<vmem>>[vector<16xi32>], vector<16xi32>,
    %swap3A_2028 = arith.constant 2848 : index
    %swap3A_2029 = tpu.vector_load %arg9[%swap3A_2028] {strides = array<i32>} : memref<3136xi32, #tpu.memory_space<vmem>>, vector<16xi32>,
    tpu.vector_store %arg9[%swap3A_2028], %gather3A_2027 {strides = array<i32>} : memref<3136xi32, #tpu.memory_space<vmem>>, vector<16xi32>,
    %get3A_2030 = arith.constant 2864 : index
    %get3A_2031 = tpu.vector_load %arg6[%get3A_2030] {strides = array<i32>} : memref<3136xi32, #tpu.memory_space<vmem>>, vector<16xi32>,
    %max3A_2032 = arith.constant 0 : i32
    %max3A_2033 = vector.broadcast %max3A_2032 : i32 to vector<16xi32>
    %max3A_2034 = arith.maxsi %get3A_2031, %max3A_2033 : vector<16xi32>
    %min3A_2035 = arith.constant 127 : i32
    %min3A_2036 = vector.broadcast %min3A_2035 : i32 to vector<16xi32>
    %min3A_2037 = arith.minsi %max3A_2034, %min3A_2036 : vector<16xi32>
    %gather3A_2038 = tpu.vector_load_idx %arg8[%min3A_2037] : memref<128xi32, #tpu.memory_space<vmem>>[vector<16xi32>], vector<16xi32>,
    %swap3A_2039 = arith.constant 2864 : index
    %swap3A_2040 = tpu.vector_load %arg9[%swap3A_2039] {strides = array<i32>} : memref<3136xi32, #tpu.memory_space<vmem>>, vector<16xi32>,
    tpu.vector_store %arg9[%swap3A_2039], %gather3A_2038 {strides = array<i32>} : memref<3136xi32, #tpu.memory_space<vmem>>, vector<16xi32>,
    %get3A_2041 = arith.constant 2880 : index
    %get3A_2042 = tpu.vector_load %arg6[%get3A_2041] {strides = array<i32>} : memref<3136xi32, #tpu.memory_space<vmem>>, vector<16xi32>,
    %max3A_2043 = arith.constant 0 : i32
    %max3A_2044 = vector.broadcast %max3A_2043 : i32 to vector<16xi32>
    %max3A_2045 = arith.maxsi %get3A_2042, %max3A_2044 : vector<16xi32>
    %min3A_2046 = arith.constant 127 : i32
    %min3A_2047 = vector.broadcast %min3A_2046 : i32 to vector<16xi32>
    %min3A_2048 = arith.minsi %max3A_2045, %min3A_2047 : vector<16xi32>
    %gather3A_2049 = tpu.vector_load_idx %arg8[%min3A_2048] : memref<128xi32, #tpu.memory_space<vmem>>[vector<16xi32>], vector<16xi32>,
    %swap3A_2050 = arith.constant 2880 : index
    %swap3A_2051 = tpu.vector_load %arg9[%swap3A_2050] {strides = array<i32>} : memref<3136xi32, #tpu.memory_space<vmem>>, vector<16xi32>,
    tpu.vector_store %arg9[%swap3A_2050], %gather3A_2049 {strides = array<i32>} : memref<3136xi32, #tpu.memory_space<vmem>>, vector<16xi32>,
    %get3A_2052 = arith.constant 2896 : index
    %get3A_2053 = tpu.vector_load %arg6[%get3A_2052] {strides = array<i32>} : memref<3136xi32, #tpu.memory_space<vmem>>, vector<16xi32>,
    %max3A_2054 = arith.constant 0 : i32
    %max3A_2055 = vector.broadcast %max3A_2054 : i32 to vector<16xi32>
    %max3A_2056 = arith.maxsi %get3A_2053, %max3A_2055 : vector<16xi32>
    %min3A_2057 = arith.constant 127 : i32
    %min3A_2058 = vector.broadcast %min3A_2057 : i32 to vector<16xi32>
    %min3A_2059 = arith.minsi %max3A_2056, %min3A_2058 : vector<16xi32>
    %gather3A_2060 = tpu.vector_load_idx %arg8[%min3A_2059] : memref<128xi32, #tpu.memory_space<vmem>>[vector<16xi32>], vector<16xi32>,
    %swap3A_2061 = arith.constant 2896 : index
    %swap3A_2062 = tpu.vector_load %arg9[%swap3A_2061] {strides = array<i32>} : memref<3136xi32, #tpu.memory_space<vmem>>, vector<16xi32>,
    tpu.vector_store %arg9[%swap3A_2061], %gather3A_2060 {strides = array<i32>} : memref<3136xi32, #tpu.memory_space<vmem>>, vector<16xi32>,
    %get3A_2063 = arith.constant 2912 : index
    %get3A_2064 = tpu.vector_load %arg6[%get3A_2063] {strides = array<i32>} : memref<3136xi32, #tpu.memory_space<vmem>>, vector<16xi32>,
    %max3A_2065 = arith.constant 0 : i32
    %max3A_2066 = vector.broadcast %max3A_2065 : i32 to vector<16xi32>
    %max3A_2067 = arith.maxsi %get3A_2064, %max3A_2066 : vector<16xi32>
    %min3A_2068 = arith.constant 127 : i32
    %min3A_2069 = vector.broadcast %min3A_2068 : i32 to vector<16xi32>
    %min3A_2070 = arith.minsi %max3A_2067, %min3A_2069 : vector<16xi32>
    %gather3A_2071 = tpu.vector_load_idx %arg8[%min3A_2070] : memref<128xi32, #tpu.memory_space<vmem>>[vector<16xi32>], vector<16xi32>,
    %swap3A_2072 = arith.constant 2912 : index
    %swap3A_2073 = tpu.vector_load %arg9[%swap3A_2072] {strides = array<i32>} : memref<3136xi32, #tpu.memory_space<vmem>>, vector<16xi32>,
    tpu.vector_store %arg9[%swap3A_2072], %gather3A_2071 {strides = array<i32>} : memref<3136xi32, #tpu.memory_space<vmem>>, vector<16xi32>,
    %get3A_2074 = arith.constant 2928 : index
    %get3A_2075 = tpu.vector_load %arg6[%get3A_2074] {strides = array<i32>} : memref<3136xi32, #tpu.memory_space<vmem>>, vector<16xi32>,
    %max3A_2076 = arith.constant 0 : i32
    %max3A_2077 = vector.broadcast %max3A_2076 : i32 to vector<16xi32>
    %max3A_2078 = arith.maxsi %get3A_2075, %max3A_2077 : vector<16xi32>
    %min3A_2079 = arith.constant 127 : i32
    %min3A_2080 = vector.broadcast %min3A_2079 : i32 to vector<16xi32>
    %min3A_2081 = arith.minsi %max3A_2078, %min3A_2080 : vector<16xi32>
    %gather3A_2082 = tpu.vector_load_idx %arg8[%min3A_2081] : memref<128xi32, #tpu.memory_space<vmem>>[vector<16xi32>], vector<16xi32>,
    %swap3A_2083 = arith.constant 2928 : index
    %swap3A_2084 = tpu.vector_load %arg9[%swap3A_2083] {strides = array<i32>} : memref<3136xi32, #tpu.memory_space<vmem>>, vector<16xi32>,
    tpu.vector_store %arg9[%swap3A_2083], %gather3A_2082 {strides = array<i32>} : memref<3136xi32, #tpu.memory_space<vmem>>, vector<16xi32>,
    %get3A_2085 = arith.constant 2944 : index
    %get3A_2086 = tpu.vector_load %arg6[%get3A_2085] {strides = array<i32>} : memref<3136xi32, #tpu.memory_space<vmem>>, vector<16xi32>,
    %max3A_2087 = arith.constant 0 : i32
    %max3A_2088 = vector.broadcast %max3A_2087 : i32 to vector<16xi32>
    %max3A_2089 = arith.maxsi %get3A_2086, %max3A_2088 : vector<16xi32>
    %min3A_2090 = arith.constant 127 : i32
    %min3A_2091 = vector.broadcast %min3A_2090 : i32 to vector<16xi32>
    %min3A_2092 = arith.minsi %max3A_2089, %min3A_2091 : vector<16xi32>
    %gather3A_2093 = tpu.vector_load_idx %arg8[%min3A_2092] : memref<128xi32, #tpu.memory_space<vmem>>[vector<16xi32>], vector<16xi32>,
    %swap3A_2094 = arith.constant 2944 : index
    %swap3A_2095 = tpu.vector_load %arg9[%swap3A_2094] {strides = array<i32>} : memref<3136xi32, #tpu.memory_space<vmem>>, vector<16xi32>,
    tpu.vector_store %arg9[%swap3A_2094], %gather3A_2093 {strides = array<i32>} : memref<3136xi32, #tpu.memory_space<vmem>>, vector<16xi32>,
    %get3A_2096 = arith.constant 2960 : index
    %get3A_2097 = tpu.vector_load %arg6[%get3A_2096] {strides = array<i32>} : memref<3136xi32, #tpu.memory_space<vmem>>, vector<16xi32>,
    %max3A_2098 = arith.constant 0 : i32
    %max3A_2099 = vector.broadcast %max3A_2098 : i32 to vector<16xi32>
    %max3A_2100 = arith.maxsi %get3A_2097, %max3A_2099 : vector<16xi32>
    %min3A_2101 = arith.constant 127 : i32
    %min3A_2102 = vector.broadcast %min3A_2101 : i32 to vector<16xi32>
    %min3A_2103 = arith.minsi %max3A_2100, %min3A_2102 : vector<16xi32>
    %gather3A_2104 = tpu.vector_load_idx %arg8[%min3A_2103] : memref<128xi32, #tpu.memory_space<vmem>>[vector<16xi32>], vector<16xi32>,
    %swap3A_2105 = arith.constant 2960 : index
    %swap3A_2106 = tpu.vector_load %arg9[%swap3A_2105] {strides = array<i32>} : memref<3136xi32, #tpu.memory_space<vmem>>, vector<16xi32>,
    tpu.vector_store %arg9[%swap3A_2105], %gather3A_2104 {strides = array<i32>} : memref<3136xi32, #tpu.memory_space<vmem>>, vector<16xi32>,
    %get3A_2107 = arith.constant 2976 : index
    %get3A_2108 = tpu.vector_load %arg6[%get3A_2107] {strides = array<i32>} : memref<3136xi32, #tpu.memory_space<vmem>>, vector<16xi32>,
    %max3A_2109 = arith.constant 0 : i32
    %max3A_2110 = vector.broadcast %max3A_2109 : i32 to vector<16xi32>
    %max3A_2111 = arith.maxsi %get3A_2108, %max3A_2110 : vector<16xi32>
    %min3A_2112 = arith.constant 127 : i32
    %min3A_2113 = vector.broadcast %min3A_2112 : i32 to vector<16xi32>
    %min3A_2114 = arith.minsi %max3A_2111, %min3A_2113 : vector<16xi32>
    %gather3A_2115 = tpu.vector_load_idx %arg8[%min3A_2114] : memref<128xi32, #tpu.memory_space<vmem>>[vector<16xi32>], vector<16xi32>,
    %swap3A_2116 = arith.constant 2976 : index
    %swap3A_2117 = tpu.vector_load %arg9[%swap3A_2116] {strides = array<i32>} : memref<3136xi32, #tpu.memory_space<vmem>>, vector<16xi32>,
    tpu.vector_store %arg9[%swap3A_2116], %gather3A_2115 {strides = array<i32>} : memref<3136xi32, #tpu.memory_space<vmem>>, vector<16xi32>,
    %get3A_2118 = arith.constant 2992 : index
    %get3A_2119 = tpu.vector_load %arg6[%get3A_2118] {strides = array<i32>} : memref<3136xi32, #tpu.memory_space<vmem>>, vector<16xi32>,
    %max3A_2120 = arith.constant 0 : i32
    %max3A_2121 = vector.broadcast %max3A_2120 : i32 to vector<16xi32>
    %max3A_2122 = arith.maxsi %get3A_2119, %max3A_2121 : vector<16xi32>
    %min3A_2123 = arith.constant 127 : i32
    %min3A_2124 = vector.broadcast %min3A_2123 : i32 to vector<16xi32>
    %min3A_2125 = arith.minsi %max3A_2122, %min3A_2124 : vector<16xi32>
    %gather3A_2126 = tpu.vector_load_idx %arg8[%min3A_2125] : memref<128xi32, #tpu.memory_space<vmem>>[vector<16xi32>], vector<16xi32>,
    %swap3A_2127 = arith.constant 2992 : index
    %swap3A_2128 = tpu.vector_load %arg9[%swap3A_2127] {strides = array<i32>} : memref<3136xi32, #tpu.memory_space<vmem>>, vector<16xi32>,
    tpu.vector_store %arg9[%swap3A_2127], %gather3A_2126 {strides = array<i32>} : memref<3136xi32, #tpu.memory_space<vmem>>, vector<16xi32>,
    %get3A_2129 = arith.constant 3008 : index
    %get3A_2130 = tpu.vector_load %arg6[%get3A_2129] {strides = array<i32>} : memref<3136xi32, #tpu.memory_space<vmem>>, vector<16xi32>,
    %max3A_2131 = arith.constant 0 : i32
    %max3A_2132 = vector.broadcast %max3A_2131 : i32 to vector<16xi32>
    %max3A_2133 = arith.maxsi %get3A_2130, %max3A_2132 : vector<16xi32>
    %min3A_2134 = arith.constant 127 : i32
    %min3A_2135 = vector.broadcast %min3A_2134 : i32 to vector<16xi32>
    %min3A_2136 = arith.minsi %max3A_2133, %min3A_2135 : vector<16xi32>
    %gather3A_2137 = tpu.vector_load_idx %arg8[%min3A_2136] : memref<128xi32, #tpu.memory_space<vmem>>[vector<16xi32>], vector<16xi32>,
    %swap3A_2138 = arith.constant 3008 : index
    %swap3A_2139 = tpu.vector_load %arg9[%swap3A_2138] {strides = array<i32>} : memref<3136xi32, #tpu.memory_space<vmem>>, vector<16xi32>,
    tpu.vector_store %arg9[%swap3A_2138], %gather3A_2137 {strides = array<i32>} : memref<3136xi32, #tpu.memory_space<vmem>>, vector<16xi32>,
    %get3A_2140 = arith.constant 3024 : index
    %get3A_2141 = tpu.vector_load %arg6[%get3A_2140] {strides = array<i32>} : memref<3136xi32, #tpu.memory_space<vmem>>, vector<16xi32>,
    %max3A_2142 = arith.constant 0 : i32
    %max3A_2143 = vector.broadcast %max3A_2142 : i32 to vector<16xi32>
    %max3A_2144 = arith.maxsi %get3A_2141, %max3A_2143 : vector<16xi32>
    %min3A_2145 = arith.constant 127 : i32
    %min3A_2146 = vector.broadcast %min3A_2145 : i32 to vector<16xi32>
    %min3A_2147 = arith.minsi %max3A_2144, %min3A_2146 : vector<16xi32>
    %gather3A_2148 = tpu.vector_load_idx %arg8[%min3A_2147] : memref<128xi32, #tpu.memory_space<vmem>>[vector<16xi32>], vector<16xi32>,
    %swap3A_2149 = arith.constant 3024 : index
    %swap3A_2150 = tpu.vector_load %arg9[%swap3A_2149] {strides = array<i32>} : memref<3136xi32, #tpu.memory_space<vmem>>, vector<16xi32>,
    tpu.vector_store %arg9[%swap3A_2149], %gather3A_2148 {strides = array<i32>} : memref<3136xi32, #tpu.memory_space<vmem>>, vector<16xi32>,
    %get3A_2151 = arith.constant 3040 : index
    %get3A_2152 = tpu.vector_load %arg6[%get3A_2151] {strides = array<i32>} : memref<3136xi32, #tpu.memory_space<vmem>>, vector<16xi32>,
    %max3A_2153 = arith.constant 0 : i32
    %max3A_2154 = vector.broadcast %max3A_2153 : i32 to vector<16xi32>
    %max3A_2155 = arith.maxsi %get3A_2152, %max3A_2154 : vector<16xi32>
    %min3A_2156 = arith.constant 127 : i32
    %min3A_2157 = vector.broadcast %min3A_2156 : i32 to vector<16xi32>
    %min3A_2158 = arith.minsi %max3A_2155, %min3A_2157 : vector<16xi32>
    %gather3A_2159 = tpu.vector_load_idx %arg8[%min3A_2158] : memref<128xi32, #tpu.memory_space<vmem>>[vector<16xi32>], vector<16xi32>,
    %swap3A_2160 = arith.constant 3040 : index
    %swap3A_2161 = tpu.vector_load %arg9[%swap3A_2160] {strides = array<i32>} : memref<3136xi32, #tpu.memory_space<vmem>>, vector<16xi32>,
    tpu.vector_store %arg9[%swap3A_2160], %gather3A_2159 {strides = array<i32>} : memref<3136xi32, #tpu.memory_space<vmem>>, vector<16xi32>,
    %get3A_2162 = arith.constant 3056 : index
    %get3A_2163 = tpu.vector_load %arg6[%get3A_2162] {strides = array<i32>} : memref<3136xi32, #tpu.memory_space<vmem>>, vector<16xi32>,
    %max3A_2164 = arith.constant 0 : i32
    %max3A_2165 = vector.broadcast %max3A_2164 : i32 to vector<16xi32>
    %max3A_2166 = arith.maxsi %get3A_2163, %max3A_2165 : vector<16xi32>
    %min3A_2167 = arith.constant 127 : i32
    %min3A_2168 = vector.broadcast %min3A_2167 : i32 to vector<16xi32>
    %min3A_2169 = arith.minsi %max3A_2166, %min3A_2168 : vector<16xi32>
    %gather3A_2170 = tpu.vector_load_idx %arg8[%min3A_2169] : memref<128xi32, #tpu.memory_space<vmem>>[vector<16xi32>], vector<16xi32>,
    %swap3A_2171 = arith.constant 3056 : index
    %swap3A_2172 = tpu.vector_load %arg9[%swap3A_2171] {strides = array<i32>} : memref<3136xi32, #tpu.memory_space<vmem>>, vector<16xi32>,
    tpu.vector_store %arg9[%swap3A_2171], %gather3A_2170 {strides = array<i32>} : memref<3136xi32, #tpu.memory_space<vmem>>, vector<16xi32>,
    %get3A_2173 = arith.constant 3072 : index
    %get3A_2174 = tpu.vector_load %arg6[%get3A_2173] {strides = array<i32>} : memref<3136xi32, #tpu.memory_space<vmem>>, vector<16xi32>,
    %max3A_2175 = arith.constant 0 : i32
    %max3A_2176 = vector.broadcast %max3A_2175 : i32 to vector<16xi32>
    %max3A_2177 = arith.maxsi %get3A_2174, %max3A_2176 : vector<16xi32>
    %min3A_2178 = arith.constant 127 : i32
    %min3A_2179 = vector.broadcast %min3A_2178 : i32 to vector<16xi32>
    %min3A_2180 = arith.minsi %max3A_2177, %min3A_2179 : vector<16xi32>
    %gather3A_2181 = tpu.vector_load_idx %arg8[%min3A_2180] : memref<128xi32, #tpu.memory_space<vmem>>[vector<16xi32>], vector<16xi32>,
    %swap3A_2182 = arith.constant 3072 : index
    %swap3A_2183 = tpu.vector_load %arg9[%swap3A_2182] {strides = array<i32>} : memref<3136xi32, #tpu.memory_space<vmem>>, vector<16xi32>,
    tpu.vector_store %arg9[%swap3A_2182], %gather3A_2181 {strides = array<i32>} : memref<3136xi32, #tpu.memory_space<vmem>>, vector<16xi32>,
    %get3A_2184 = arith.constant 3088 : index
    %get3A_2185 = tpu.vector_load %arg6[%get3A_2184] {strides = array<i32>} : memref<3136xi32, #tpu.memory_space<vmem>>, vector<16xi32>,
    %max3A_2186 = arith.constant 0 : i32
    %max3A_2187 = vector.broadcast %max3A_2186 : i32 to vector<16xi32>
    %max3A_2188 = arith.maxsi %get3A_2185, %max3A_2187 : vector<16xi32>
    %min3A_2189 = arith.constant 127 : i32
    %min3A_2190 = vector.broadcast %min3A_2189 : i32 to vector<16xi32>
    %min3A_2191 = arith.minsi %max3A_2188, %min3A_2190 : vector<16xi32>
    %gather3A_2192 = tpu.vector_load_idx %arg8[%min3A_2191] : memref<128xi32, #tpu.memory_space<vmem>>[vector<16xi32>], vector<16xi32>,
    %swap3A_2193 = arith.constant 3088 : index
    %swap3A_2194 = tpu.vector_load %arg9[%swap3A_2193] {strides = array<i32>} : memref<3136xi32, #tpu.memory_space<vmem>>, vector<16xi32>,
    tpu.vector_store %arg9[%swap3A_2193], %gather3A_2192 {strides = array<i32>} : memref<3136xi32, #tpu.memory_space<vmem>>, vector<16xi32>,
    %get3A_2195 = arith.constant 3104 : index
    %get3A_2196 = tpu.vector_load %arg6[%get3A_2195] {strides = array<i32>} : memref<3136xi32, #tpu.memory_space<vmem>>, vector<16xi32>,
    %max3A_2197 = arith.constant 0 : i32
    %max3A_2198 = vector.broadcast %max3A_2197 : i32 to vector<16xi32>
    %max3A_2199 = arith.maxsi %get3A_2196, %max3A_2198 : vector<16xi32>
    %min3A_2200 = arith.constant 127 : i32
    %min3A_2201 = vector.broadcast %min3A_2200 : i32 to vector<16xi32>
    %min3A_2202 = arith.minsi %max3A_2199, %min3A_2201 : vector<16xi32>
    %gather3A_2203 = tpu.vector_load_idx %arg8[%min3A_2202] : memref<128xi32, #tpu.memory_space<vmem>>[vector<16xi32>], vector<16xi32>,
    %swap3A_2204 = arith.constant 3104 : index
    %swap3A_2205 = tpu.vector_load %arg9[%swap3A_2204] {strides = array<i32>} : memref<3136xi32, #tpu.memory_space<vmem>>, vector<16xi32>,
    tpu.vector_store %arg9[%swap3A_2204], %gather3A_2203 {strides = array<i32>} : memref<3136xi32, #tpu.memory_space<vmem>>, vector<16xi32>,
    %get3A_2206 = arith.constant 3120 : index
    %get3A_2207 = tpu.vector_load %arg6[%get3A_2206] {strides = array<i32>} : memref<3136xi32, #tpu.memory_space<vmem>>, vector<16xi32>,
    %max3A_2208 = arith.constant 0 : i32
    %max3A_2209 = vector.broadcast %max3A_2208 : i32 to vector<16xi32>
    %max3A_2210 = arith.maxsi %get3A_2207, %max3A_2209 : vector<16xi32>
    %min3A_2211 = arith.constant 127 : i32
    %min3A_2212 = vector.broadcast %min3A_2211 : i32 to vector<16xi32>
    %min3A_2213 = arith.minsi %max3A_2210, %min3A_2212 : vector<16xi32>
    %gather3A_2214 = tpu.vector_load_idx %arg8[%min3A_2213] : memref<128xi32, #tpu.memory_space<vmem>>[vector<16xi32>], vector<16xi32>,
    %swap3A_2215 = arith.constant 3120 : index
    %swap3A_2216 = tpu.vector_load %arg9[%swap3A_2215] {strides = array<i32>} : memref<3136xi32, #tpu.memory_space<vmem>>, vector<16xi32>,
    tpu.vector_store %arg9[%swap3A_2215], %gather3A_2214 {strides = array<i32>} : memref<3136xi32, #tpu.memory_space<vmem>>, vector<16xi32>,
    %not3A_2217 = arith.constant true
    %not3A_2218 = arith.xori %eq3A_3, %not3A_2217 : i1
    %convert_element_type3A_2219 = arith.extui %not3A_2218 : i1 to i32
    %cond3A_2220 = arith.constant 0 : i32
    %cond3A_2221 = arith.cmpi ne, %convert_element_type3A_2219, %cond3A_2220 : i32
    scf.if %cond3A_2221 {
      "tpu.region"() ({
        %run_scoped3A = tpu.sem_alloc : memref<!tpu.dma_semaphore, #tpu.memory_space<semaphore_mem>>
        %dma_start3A = tpu.memref_slice %arg4[%mul3A_2] : memref<100000xi32, #tpu.memory_space<hbm>> -> memref<3136xi32, #tpu.memory_space<hbm>>
        %dma_start3A_2225 = tpu.memref_slice %arg4[%mul3A_2] : memref<100000xi32, #tpu.memory_space<hbm>> -> memref<3136xi32, #tpu.memory_space<hbm>>
        tpu.enqueue_dma source(%arg9 : memref<3136xi32, #tpu.memory_space<vmem>>) target(%dma_start3A_2225 : memref<3136xi32, #tpu.memory_space<hbm>>) target_semaphore(%run_scoped3A : memref<!tpu.dma_semaphore, #tpu.memory_space<semaphore_mem>>)
        %dma_wait3A = tpu.memref_slice %arg4[%mul3A_2] : memref<100000xi32, #tpu.memory_space<hbm>> -> memref<3136xi32, #tpu.memory_space<hbm>>
        %dma_wait3A_2226 = tpu.memref_slice %arg4[%mul3A_2] : memref<100000xi32, #tpu.memory_space<hbm>> -> memref<3136xi32, #tpu.memory_space<hbm>>
        tpu.wait_dma2 semaphore(%run_scoped3A : memref<!tpu.dma_semaphore, #tpu.memory_space<semaphore_mem>>) src(%arg9 : memref<3136xi32, #tpu.memory_space<vmem>>) dst(%dma_wait3A_2226 : memref<3136xi32, #tpu.memory_space<hbm>>)
        tpu.yield
      }) : () -> ()
      "tpu.region"() ({
        %run_scoped3A = tpu.sem_alloc : memref<!tpu.dma_semaphore, #tpu.memory_space<semaphore_mem>>
        %dma_start3A = tpu.memref_slice %arg5[%mul3A_2] : memref<100000xi32, #tpu.memory_space<hbm>> -> memref<3136xi32, #tpu.memory_space<hbm>>
        %dma_start3A_2225 = tpu.memref_slice %arg5[%mul3A_2] : memref<100000xi32, #tpu.memory_space<hbm>> -> memref<3136xi32, #tpu.memory_space<hbm>>
        tpu.enqueue_dma source(%arg6 : memref<3136xi32, #tpu.memory_space<vmem>>) target(%dma_start3A_2225 : memref<3136xi32, #tpu.memory_space<hbm>>) target_semaphore(%run_scoped3A : memref<!tpu.dma_semaphore, #tpu.memory_space<semaphore_mem>>)
        %dma_wait3A = tpu.memref_slice %arg5[%mul3A_2] : memref<100000xi32, #tpu.memory_space<hbm>> -> memref<3136xi32, #tpu.memory_space<hbm>>
        %dma_wait3A_2226 = tpu.memref_slice %arg5[%mul3A_2] : memref<100000xi32, #tpu.memory_space<hbm>> -> memref<3136xi32, #tpu.memory_space<hbm>>
        tpu.wait_dma2 semaphore(%run_scoped3A : memref<!tpu.dma_semaphore, #tpu.memory_space<semaphore_mem>>) src(%arg6 : memref<3136xi32, #tpu.memory_space<vmem>>) dst(%dma_wait3A_2226 : memref<3136xi32, #tpu.memory_space<hbm>>)
        tpu.yield
      }) : () -> ()
    } else {
    }
    %convert_element_type3A_2222 = arith.extui %eq3A_3 : i1 to i32
    %cond3A_2223 = arith.constant 0 : i32
    %cond3A_2224 = arith.cmpi ne, %convert_element_type3A_2222, %cond3A_2223 : i32
    scf.if %cond3A_2224 {
      "tpu.region"() ({
        %run_scoped3A = tpu.sem_alloc : memref<!tpu.dma_semaphore, #tpu.memory_space<semaphore_mem>>
        %dma_start3A = arith.constant 0 : i32
        %dma_start3A_2225 = tpu.memref_slice %arg9[%dma_start3A] : memref<3136xi32, #tpu.memory_space<vmem>> -> memref<2784xi32, #tpu.memory_space<vmem>>
        %dma_start3A_2226 = tpu.memref_slice %arg4[%mul3A_2] : memref<100000xi32, #tpu.memory_space<hbm>> -> memref<2784xi32, #tpu.memory_space<hbm>>
        %dma_start3A_2227 = tpu.memref_slice %arg4[%mul3A_2] : memref<100000xi32, #tpu.memory_space<hbm>> -> memref<2784xi32, #tpu.memory_space<hbm>>
        %dma_start3A_2228 = arith.constant 0 : i32
        %dma_start3A_2229 = tpu.memref_slice %arg9[%dma_start3A_2228] : memref<3136xi32, #tpu.memory_space<vmem>> -> memref<2784xi32, #tpu.memory_space<vmem>>
        tpu.enqueue_dma source(%dma_start3A_2229 : memref<2784xi32, #tpu.memory_space<vmem>>) target(%dma_start3A_2227 : memref<2784xi32, #tpu.memory_space<hbm>>) target_semaphore(%run_scoped3A : memref<!tpu.dma_semaphore, #tpu.memory_space<semaphore_mem>>)
        %dma_wait3A = arith.constant 0 : i32
        %dma_wait3A_2230 = tpu.memref_slice %arg9[%dma_wait3A] : memref<3136xi32, #tpu.memory_space<vmem>> -> memref<2784xi32, #tpu.memory_space<vmem>>
        %dma_wait3A_2231 = tpu.memref_slice %arg4[%mul3A_2] : memref<100000xi32, #tpu.memory_space<hbm>> -> memref<2784xi32, #tpu.memory_space<hbm>>
        %dma_wait3A_2232 = tpu.memref_slice %arg4[%mul3A_2] : memref<100000xi32, #tpu.memory_space<hbm>> -> memref<2784xi32, #tpu.memory_space<hbm>>
        %dma_wait3A_2233 = arith.constant 0 : i32
        %dma_wait3A_2234 = tpu.memref_slice %arg9[%dma_wait3A_2233] : memref<3136xi32, #tpu.memory_space<vmem>> -> memref<2784xi32, #tpu.memory_space<vmem>>
        tpu.wait_dma2 semaphore(%run_scoped3A : memref<!tpu.dma_semaphore, #tpu.memory_space<semaphore_mem>>) src(%dma_wait3A_2234 : memref<2784xi32, #tpu.memory_space<vmem>>) dst(%dma_wait3A_2232 : memref<2784xi32, #tpu.memory_space<hbm>>)
        tpu.yield
      }) : () -> ()
      "tpu.region"() ({
        %run_scoped3A = tpu.sem_alloc : memref<!tpu.dma_semaphore, #tpu.memory_space<semaphore_mem>>
        %dma_start3A = arith.constant 0 : i32
        %dma_start3A_2225 = tpu.memref_slice %arg6[%dma_start3A] : memref<3136xi32, #tpu.memory_space<vmem>> -> memref<2784xi32, #tpu.memory_space<vmem>>
        %dma_start3A_2226 = tpu.memref_slice %arg5[%mul3A_2] : memref<100000xi32, #tpu.memory_space<hbm>> -> memref<2784xi32, #tpu.memory_space<hbm>>
        %dma_start3A_2227 = tpu.memref_slice %arg5[%mul3A_2] : memref<100000xi32, #tpu.memory_space<hbm>> -> memref<2784xi32, #tpu.memory_space<hbm>>
        %dma_start3A_2228 = arith.constant 0 : i32
        %dma_start3A_2229 = tpu.memref_slice %arg6[%dma_start3A_2228] : memref<3136xi32, #tpu.memory_space<vmem>> -> memref<2784xi32, #tpu.memory_space<vmem>>
        tpu.enqueue_dma source(%dma_start3A_2229 : memref<2784xi32, #tpu.memory_space<vmem>>) target(%dma_start3A_2227 : memref<2784xi32, #tpu.memory_space<hbm>>) target_semaphore(%run_scoped3A : memref<!tpu.dma_semaphore, #tpu.memory_space<semaphore_mem>>)
        %dma_wait3A = arith.constant 0 : i32
        %dma_wait3A_2230 = tpu.memref_slice %arg6[%dma_wait3A] : memref<3136xi32, #tpu.memory_space<vmem>> -> memref<2784xi32, #tpu.memory_space<vmem>>
        %dma_wait3A_2231 = tpu.memref_slice %arg5[%mul3A_2] : memref<100000xi32, #tpu.memory_space<hbm>> -> memref<2784xi32, #tpu.memory_space<hbm>>
        %dma_wait3A_2232 = tpu.memref_slice %arg5[%mul3A_2] : memref<100000xi32, #tpu.memory_space<hbm>> -> memref<2784xi32, #tpu.memory_space<hbm>>
        %dma_wait3A_2233 = arith.constant 0 : i32
        %dma_wait3A_2234 = tpu.memref_slice %arg6[%dma_wait3A_2233] : memref<3136xi32, #tpu.memory_space<vmem>> -> memref<2784xi32, #tpu.memory_space<vmem>>
        tpu.wait_dma2 semaphore(%run_scoped3A : memref<!tpu.dma_semaphore, #tpu.memory_space<semaphore_mem>>) src(%dma_wait3A_2234 : memref<2784xi32, #tpu.memory_space<vmem>>) dst(%dma_wait3A_2232 : memref<2784xi32, #tpu.memory_space<hbm>>)
        tpu.yield
      }) : () -> ()
    } else {
    }
    return
  }
}

module attributes {stable_mosaic.version = 14 : i64} {
  func.func @_copy_block(%arg0: i32, %arg1: memref<2000x128xf32, #tpu.memory_space<vmem>>, %arg2: memref<2000x128xf32, #tpu.memory_space<vmem>>) attributes {dimension_semantics = [#tpu.dimension_semantics<arbitrary>], iteration_bounds = array<i64: 50>, scalar_prefetch = 0 : i64, scratch_operands = 0 : i64, tpu.core_type = #tpu.core_type<tc>, window_params = [{transform_indices = @transform_0, window_bounds = array<i64: 2000, 128>}, {transform_indices = @transform_1, window_bounds = array<i64: 2000, 128>}]} {
    %get3A = arith.constant 0 : index
    %get3A_0 = arith.constant 0 : index
    %get3A_1 = vector.load %arg1[%get3A, %get3A_0] : memref<2000x128xf32, #tpu.memory_space<vmem>>, vector<2000x128xf32>
    %swap3A = arith.constant 0 : index
    %swap3A_2 = arith.constant 0 : index
    %swap3A_3 = vector.load %arg2[%swap3A, %swap3A_2] : memref<2000x128xf32, #tpu.memory_space<vmem>>, vector<2000x128xf32>
    tpu.vector_store %arg2[%swap3A, %swap3A_2], %get3A_1 {strides = array<i32>} : memref<2000x128xf32, #tpu.memory_space<vmem>>, vector<2000x128xf32>,
    return
  }
  func.func @transform_0(%arg0: i32) -> (i32, i32) {
    %c0_i32 = arith.constant 0 : i32
    %c0_i32_0 = arith.constant 0 : i32
    return %arg0, %c0_i32 : i32, i32
  }
  func.func @transform_1(%arg0: i32) -> (i32, i32) {
    %c0_i32 = arith.constant 0 : i32
    %c0_i32_0 = arith.constant 0 : i32
    return %arg0, %c0_i32 : i32, i32
  }
}

</mosaic_0001>

<sc_bundles>
// kernel: kernel.4.cloned.1.call-start
scs
__scs_entry_jumppad:
0x0: {  	(pc) =	sbr.rel $0x88, $3  }
0x1: {  	(tag) =	ssettag $0x0;
	lr =	simm.s32 $0x1  }
0x2: {  	[smem:$0x3F9E] =	sst lr;
	_ =	strace $0xD0000000  }
0x3: {  	_ = 	snop  }
0x4: {  	_ = 	snop  }
0x5: {  	_ = 	snop  }
0x6: {  	_ = 	snop  }
0x7: {  	_ = 	snop  }
__scs_overlays_trampoline_lowered:
0x8: {  	[smem:$0x3FAD] =	sst s0  }
0x9: {  	[smem:$0x3FAE] =	sst s1  }
0xa: {  	[smem:$0x3FAF] =	sst s2  }
0xb: {  	[smem:$0x3FB0] =	sst s3  }
0xc: {  	[smem:$0x3FB1] =	sst s4  }
0xd: {  	[smem:$0x3FB2] =	sst s5  }
0xe: {  	[smem:$0x3FB3] =	sst s6  }
0xf: {  	[smem:$0x3FB4] =	sst s7  }
0x10: {  	[smem:$0x3FB5] =	sst s8  }
0x11: {  	[smem:$0x3FB6] =	sst s9;
	s0 =	simm.s32 @!p0 $0x0  }
0x12: {  	s1 =	sld [smem:$0x3F9C];
	s0 =	simm.s32 @p0 $0x1  }
0x13: {  	[smem:$0x3FB7] =	sst s0;
	s0 =	simm.s32 @!p1 $0x0  }
0x14: {  	s2 =	sld [smem:$0x3F9B];
	s0 =	simm.s32 @p1 $0x1  }
0x15: {  	[smem:$0x3FB8] =	sst s0;
	s0 =	simm.s32 @!p2 $0x0  }
0x16: {  	s3 =	sld [smem:$0x3FDB];
	s0 =	simm.s32 @p2 $0x1  }
0x17: {  	s4 =	simm.s32 $0x1BF5;
	[smem:$0x3FBA] =	sst s0  }
0x18: {  	s0 =	sld [smem:$0x3F9D];
	_ =	swait.ge [sflag:s4], $0x0  }
0x19: {  	s7 =	sld [smem:$0x3F9E]  }
0x1a: {  	s8 =	sadd.s32 $0xFFFFE003, lr  }
0x1b: {  	s9 =	sadd.s32 $0xFFFFFEF7, lr;
	s5 =	simm.s32 $0xFFFFFFFF;
	p2 =	slt.u32 s8, $0xFFFFF086  }
0x1c: {  	p1 =	slt.u32 s9, $0xF7A;
	s5 =	simm.s32 @!p2 $0x0  }
0x1d: {  	s5 =	simm.s32 @p1 $0x1;
	p0 =	seq.s32 s7, s2  }
0x1e: {  	s7 =	smul.u32 @!p0 $0xF7A, s2;
	p2 =	seq.s32 @!p0 s5, $0x0  }
0x1f: {  	s9 =	smul.u32 $0xF7A, s1;
	s8 =	simm.s32 @!p0 $0x1BF5;
	p2 =	por !p2, p0  }
0x20: {  	[sflag:s8] =	ssyncset.s32 @!p0 $0xFFFFF086;
	s6 =	sadd.s32 @!p0 s3, s7;
	s7 =	simm.s32 @!p0 $0x108  }
0x21: {  	s3 =	sadd.s32 s3, s9;
	s6 =	sadd.s32 @!p0 $0x88, s6;
	s7 =	simm.s32 @p2 $0x1082  }
0x22: {  	[simem:s7], [sflag:s8] =	dma.local @!p0 [hbm:s6], $0xF7A  }
0x23: {  	s9 =	sor.u32 $0xD0000000, s2;
	s6 =	simm.s32 $0x108;
	_ =	swait.ge @!p0 [sflag:s8], $0x0  }
0x24: {  	s3 =	sadd.s32 $0x88, s3;
	s6 =	simm.s32 @!p1 $0x1082;
	[sflag:s4] =	ssyncset.s32 $0xFFFFF086  }
0x25: {  	[simem:s6], [sflag:s4] =	dma.local [hbm:s3], $0xF7A  }
0x26: {  	[smem:$0x3F9E] =	sst s1;
	(tag) =	ssettag s2;
	_ =	strace s9  }
0x27: {  	s1 =	sld [smem:$0x3FAE]  }
0x28: {  	s2 =	sld [smem:$0x3FAF]  }
0x29: {  	s4 =	sld [smem:$0x3FB1]  }
0x2a: {  	p0 =	seq.s32 s5, $0x0;
	s5 =	sld [smem:$0x3FB2]  }
0x2b: {  	s6 =	sld [smem:$0x3FB3]  }
0x2c: {  	s7 =	sld [smem:$0x3FB4]  }
0x2d: {  	s3 =	simm.s32 $0x108;
	s8 =	sld [smem:$0x3FB5]  }
0x2e: {  	s3 =	simm.s32 @!p0 $0x1082;
	s9 =	sld [smem:$0x3FB6]  }
0x2f: {  	lr =	sadd.s32 s0, s3;
	s0 =	sld [smem:$0x3FAD]  }
0x30: {  	s3 =	sld [smem:$0x3FB0]  }
0x31: {  	[smem:$0x3FB9] =	sst s10  }
0x32: {  	s10 =	sld [smem:$0x3FB7];
	_ =	sdelay $0x3  }
0x33: {  	p0 =	seq.s32 s10, $0x1;
	s10 =	sld [smem:$0x3FB9];
	_ =	sdelay $0x3  }
0x34: {  	[smem:$0x3FB9] =	sst s10  }
0x35: {  	s10 =	sld [smem:$0x3FB8];
	_ =	sdelay $0x3  }
0x36: {  	p1 =	seq.s32 s10, $0x1;
	s10 =	sld [smem:$0x3FB9];
	_ =	sdelay $0x3  }
0x37: {  	[smem:$0x3FB9] =	sst s10  }
0x38: {  	s10 =	sld [smem:$0x3FBA]  }
0x39: {  	_ = 	snop;
	(pc) =	sbr.ind lr, $3  }
0x3a: {  	_ = 	snop  }
0x3b: {  	_ = 	snop  }
0x3c: {  	p2 =	seq.s32 s10, $0x1;
	s10 =	sld [smem:$0x3FB9]  }
0x3d: {  	_ =	shalt  }
0x3e: {  	_ =	shalt  }
0x3f: {  	_ =	shalt  }
0x40: {  	_ =	shalt  }
0x41: {  	_ =	shalt  }
0x42: {  	_ =	shalt  }
0x43: {  	_ =	shalt  }
0x44: {  	_ =	shalt  }
0x45: {  	_ =	shalt  }
0x46: {  	_ =	shalt  }
0x47: {  	_ =	shalt  }
0x48: {  	_ =	shalt  }
0x49: {  	_ =	shalt  }
0x4a: {  	_ =	shalt  }
0x4b: {  	_ =	shalt  }
0x4c: {  	_ =	shalt  }
0x4d: {  	_ =	shalt  }
0x4e: {  	_ =	shalt  }
0x4f: {  	_ =	shalt  }
0x50: {  	_ =	shalt  }
0x51: {  	_ =	shalt  }
0x52: {  	_ =	shalt  }
0x53: {  	_ =	shalt  }
0x54: {  	_ =	shalt  }
0x55: {  	_ =	shalt  }
0x56: {  	_ =	shalt  }
0x57: {  	_ =	shalt  }
0x58: {  	_ =	shalt  }
0x59: {  	_ =	shalt  }
0x5a: {  	_ =	shalt  }
0x5b: {  	_ =	shalt  }
0x5c: {  	_ =	shalt  }
0x5d: {  	_ =	shalt  }
0x5e: {  	_ =	shalt  }
0x5f: {  	_ =	shalt  }
0x60: {  	_ =	shalt  }
0x61: {  	_ =	shalt  }
0x62: {  	_ =	shalt  }
0x63: {  	_ =	shalt  }
0x64: {  	_ =	shalt  }
0x65: {  	_ =	shalt  }
0x66: {  	_ =	shalt  }
0x67: {  	_ =	shalt  }
0x68: {  	_ =	shalt  }
0x69: {  	_ =	shalt  }
0x6a: {  	_ =	shalt  }
0x6b: {  	_ =	shalt  }
0x6c: {  	_ =	shalt  }
0x6d: {  	_ =	shalt  }
0x6e: {  	_ =	shalt  }
0x6f: {  	_ =	shalt  }
0x70: {  	_ =	shalt  }
0x71: {  	_ =	shalt  }
0x72: {  	_ =	shalt  }
0x73: {  	_ =	shalt  }
0x74: {  	_ =	shalt  }
0x75: {  	_ =	shalt  }
0x76: {  	_ =	shalt  }
0x77: {  	_ =	shalt  }
0x78: {  	_ =	shalt  }
0x79: {  	_ =	shalt  }
0x7a: {  	_ =	shalt  }
0x7b: {  	_ =	shalt  }
0x7c: {  	_ =	shalt  }
0x7d: {  	_ =	shalt  }
0x7e: {  	_ =	shalt  }
0x7f: {  	_ =	shalt  }
0x80: {  	_ =	shalt  }
0x81: {  	_ =	shalt  }
0x82: {  	_ =	shalt  }
0x83: {  	_ =	shalt  }
0x84: {  	_ =	shalt  }
0x85: {  	_ =	shalt  }
0x86: {  	_ =	shalt  }
0x87: {  	_ =	shalt  }
.Lfunc_end0:
.L_simem_size_0:
called_computation_lowered:
.L_overlay_start_0:
0x88: {  	s2 =	sld [smem:$0x3FD9]  }
0x89: {  	s3 =	sld [smem:$0x3FFE];
	_ =	sdelay $0x1  }
0x8a: {  	s1 =	srdreg.scid  }
0x8b: {  	s0 =	sand.u32 $0x1, s1  }
0x8c: {  	s15 =	sshll.u32 s0, $0xA;
	s2 =	sadd.s32 s3, s2  }
0x8d: {  	s2 =	sadd.s32 s2, s15  }
0x8e: {  	[smem:$0x3FC5] =	sst s2  }
0x8f: {  	_ = 	snop  }
0x90: {  	s2 =	sld [smem:$0x3FD0];
	_ =	sdelay $0x1  }
0x91: {  	s16 =	sld [smem:$0x3FC9]  }
0x92: {  	s5 =	simm.s32 $0xA;
	s6 =	simm.s32 $0x10;
	s4 =	sld [smem:$0x3FC7]  }
0x93: {  	[smem:s6], [sflag:s5] =	dma.local [hbm:s2], $0x1  }
0x94: {  	_ =	swait.eq [sflag:s5], $0x1  }
0x95: {  	[sflag:s5] =	ssyncset.done $0x0  }
0x96: {  	s17 =	sld [smem:$0x10];
	[sflag:s5] =	ssyncadd.s32 $0xFFFFFFFF  }
0x97: {  	s18 =	sld [smem:$0x12];
	(tm) =	ssettm $0x1  }
0x98: {  	s19 =	sld [smem:$0x3FFB];
	_ =	sdelay $0x3  }
0x99: {  	_ =	strace s19  }
0x9a: {  	s6 =	sld [smem:$0x3FFC];
	_ =	sdelay $0x3  }
0x9b: {  	_ =	strace s6  }
0x9c: {  	s6 =	sld [smem:$0x3FFD];
	_ =	sdelay $0x3  }
0x9d: {  	_ =	strace s6  }
0x9e: {  	_ =	strace $0x8FFFFFFF  }
0x9f: {  	s20 =	sld [smem:$0x3FDB];
	_ =	sdelay $0x1  }
0xa0: {  	s7 =	simm.s32 $_scs_section_size  }
0xa1: {  	s8 =	simm.s32 $_size__tile_overlayer_lowered;
	s9 =	simm.s32 $_tile_overlayer_lowered  }
0xa2: {  	s23 =	simm.s32 $0x1BFF;
	s22 =	sshll.u32 s9, $0x1;
	s6 =	sadd.s32 s7, s20  }
0xa3: {  	s10 =	simm.s32 $0x0;
	s21 =	sshll.u32 s8, $0x1;
	s8 =	sadd.s32 s22, s6  }
0xa4: {  	[timem:s10], [sflag:s23] =	dma.local [hbm:s8], s21  }
0xa5: {  	_ =	swait.ge [sflag:s23], s21  }
0xa6: {  	s7 =	ssub.s32 $0x0, s21;
	[sflag:s23] =	ssyncset.done $0x0  }
0xa7: {  	[sflag:s23] =	ssyncadd.s32 s7;
	_ =	sdelay $0x1  }
0xa8: {  	s24 =	simm.s32 $0x1B8B  }
0xa9: {  	_ =	swait.ge [sflag:s24], $0x1  }
0xaa: {  	[sflag:s24] =	ssyncset.done $0x0  }
0xab: {  	s25 =	simm.s32 $0x1B8E;
	[sflag:s24] =	ssyncadd.s32 $0xFFFFFFFF  }
0xac: {  	s26 =	simm.s32 $execute0_lowered;
	[smem:$0x3FD2] =	sst s25  }
0xad: {  	s7 =	sshll.u32 s26, $0x1;
	_ =	strace $0x80000046;
	[dreg:$0x1] =	wrdreg $0xFFFFFFFF  }
0xae: {  	s28 =	simm.s32 $_size_execute0_lowered;
	s6 =	sadd.s32 s6, s7;
	[dreg:$0x0] =	wrdreg $0x0  }
0xaf: {  	s7 =	sshll.u32 s28, $0x1;
	[dreg:$0x2] =	wrdreg s6  }
0xb0: {  	[dreg:$0x3] =	wrdreg s7  }
0xb1: {  	[dreg:$0x4] =	wrdreg $0xC0  }
0xb2: {  	_ =	task [dreg:s10], $0x5FFFF  }
0xb3: {  	[dreg:$0x1] =	wrdreg $0xFFFFFFFF  }
0xb4: {  	[dreg:$0x0] =	wrdreg $0x60  }
0xb5: {  	[dreg:$0x2] =	wrdreg s16  }
0xb6: {  	[dreg:$0x3] =	wrdreg s4  }
0xb7: {  	[dreg:$0x4] =	wrdreg s17  }
0xb8: {  	[dreg:$0x5] =	wrdreg s18  }
0xb9: {  	[dreg:$0x6] =	wrdreg $0x9  }
0xba: {  	_ =	task.clear_ibuf [dreg:s10], $0x7FFFF;
	_ =	strace $0x90000046  }
0xbb: {  	s29 =	simm.s32 $0x9;
	_ =	strace $0x80000048  }
0xbc: {  	_ =	swait.ge [sflag:s29], $0x1  }
0xbd: {  	[sflag:s29] =	ssyncadd.s32 $0xFFFFFFFF  }
0xbe: {  	_ =	strace $0x90000048  }
0xbf: {  	_ =	sfence  }
0xc0: {  	s30 =	sld [smem:$0x0];
	_ =	sdelay $0x2  }
0xc1: {  	s31 =	sshll.u32 s1, $0xD;
	s1 =	sshrl.u32 s1, $0x2  }
0xc2: {  	s3 =	sand.u32 $0x4000, s31;
	s1 =	sadd.s32 s1, s30  }
0xc3: {  	s0 =	sor.u32 s3, s0;
	s1 =	sshll.u32 s1, $0x11  }
0xc4: {  	s0 =	sor.u32 s1, s0  }
0xc5: {  	s0 =	sadd.s32 $0x8F2B, s0  }
0xc6: {  	[sflag:s0] =	ssyncadd.remote.s32 $0x1  }
0xc7: {  	_ =	sfence.sel $0xFFFF  }
0xc8: {  	[dreg:$0x0] =	wrdreg $0xFFFFFFFF;
	(pc) =	sbr.abs _section_cstart, $3  }
0xc9: {  	[dreg:$0x1] =	wrdreg $0xFFFFFFFF  }
0xca: {  	_ =	task.clear_ibuf [dreg:s10], $0x2FFFF;
	_ =	strace $0x9FFFFFFF  }
0xcb: {  	(tm) =	ssettm $0x7FFFFFFF  }
tec
execute0_lowered:
.L_overlay_start_1:
0x0: {  	(tag) =	ssettag $0x1  }
0x1: {  	s5 =	rddreg [dreg:$0x0]  }
0x2: {  	s1 =	rddreg [dreg:$0x1]  }
0x3: {  	s8 =	rddreg [dreg:$0x2];
	s2 =	srdreg.scid  }
0x4: {  	s0 =	stileid.u32;
	s9 =	rddreg [dreg:$0x3];
	s3 =	simm.s32 $0x0  }
0x5: {  	s12 =	simm.s32 $0x2;
	s4 =	sand.u32 $0x1, s2;
	s6 =	sshll.u32 s0, $0x1  }
0x6: {  	s13 =	simm.s32 $0xD00;
	s2 =	rddreg [dreg:$0x4];
	s11 =	sor.u32 s4, s6  }
0x7: {  	[smem:$0x7FF] =	sst s3;
	s4 =	ssub.s32 $0x2, s4;
	s7 =	smul.u32 $0x188, s11  }
0x8: {  	v0 =	vlaneseq.u32;
	_ =	strace $0x80000047;
	s31 =	sshrl.u32 s4, $0x1;
	p0 =	seq.s32 s11, $0x1F  }
0x9: {  	v1 =	vor.u32 $0x10, v0;
	s11 =	simm.s32 $0xC80;
	s10 =	ssub.s32 s4, s31;
	s4 =	sadd.s32 s5, s7  }
0xa: {  	v2 =	vor.u32 $0x20, v0;
	v3 =	vor.u32 $0x30, v0;
	v4 =	vor.u32 $0x40, v0;
	s5 =	sadd.s32 $0x2F78, s5;
	s6 =	sadd.s32 s8, s7;
	s7 =	sadd.s32 s9, s7  }
0xb: {  	v5 =	vor.u32 $0x50, v0;
	v6 =	vor.u32 $0x60, v0;
	v7 =	vor.u32 $0x70, v0;
	s8 =	sadd.s32 $0x2F78, s8;
	s9 =	sadd.s32 $0x2F78, s9;
	s10 =	smax.u32 s10, $0x1  }
.LBB2_1:
0xc: {  	s15 =	simm.s32 @p0 $0x0  }
0xd: {  	[tilespmem:s15], [sflag:$0x1] =	stream.linear.gather @p0 [hbm4b:s5+s15], $0xAE0, $0x38;
	[tilespmem:$0x1A00] =	vst v63  }
0xe: {  	s14 =	simm.s32 @!p0 $0x0  }
0xf: {  	[tilespmem:s14], [sflag:$0x1] =	stream.linear.gather @!p0 [hbm4b:s4+s14], $0xC40, $0x38;
	[tilespmem:$0x1A00] =	vst v63  }
0x10: {  	_ = 	snop  }
0x11: {  	[tilespmem:s11], [sflag:$0x2] =	stream.linear.gather [hbm4b:s1+s3], $0x77, $0x38;
	[tilespmem:$0x1A00] =	vst v63  }
0x12: {  	_ =	swait.ge [sflag:s12], $0x77  }
0x13: {  	[sflag:s12] =	ssyncset.done $0x0  }
0x14: {  	[sflag:s12] =	ssyncadd.s32 $0xFFFFFF89  }
0x15: {  	v8 =	vld [tilespmem:$0xC80];
	_ =	sdelay $0x7  }
0x16: {  	[tilespmem:v8+s13+$0x0] =	vst.idx.msk $0xffff, v0  }
0x17: {  	v8 =	vld [tilespmem:$0xC90];
	_ =	sdelay $0x7  }
0x18: {  	[tilespmem:v8+s13+$0x0] =	vst.idx.msk $0xffff, v1  }
0x19: {  	v8 =	vld [tilespmem:$0xCA0];
	_ =	sdelay $0x7  }
0x1a: {  	[tilespmem:v8+s13+$0x0] =	vst.idx.msk $0xffff, v2  }
0x1b: {  	v8 =	vld [tilespmem:$0xCB0];
	_ =	sdelay $0x7  }
0x1c: {  	[tilespmem:v8+s13+$0x0] =	vst.idx.msk $0xffff, v3  }
0x1d: {  	v8 =	vld [tilespmem:$0xCC0];
	_ =	sdelay $0x7  }
0x1e: {  	[tilespmem:v8+s13+$0x0] =	vst.idx.msk $0xffff, v4  }
0x1f: {  	v8 =	vld [tilespmem:$0xCD0];
	_ =	sdelay $0x7  }
0x20: {  	[tilespmem:v8+s13+$0x0] =	vst.idx.msk $0xffff, v5  }
0x21: {  	v8 =	vld [tilespmem:$0xCE0];
	_ =	sdelay $0x7  }
0x22: {  	[tilespmem:v8+s13+$0x0] =	vst.idx.msk $0xffff, v6  }
0x23: {  	v8 =	vld [tilespmem:$0xCF0];
	_ =	sdelay $0x7  }
0x24: {  	s16 =	simm.s32 @p0 $0x1;
	[tilespmem:v8+s13+$0x0] =	vst.idx.msk $0x7f, v7  }
0x25: {  	_ =	swait.ge @p0 [sflag:s16], $0xAE0  }
0x26: {  	[sflag:s16] =	ssyncset.done @p0 $0x0  }
0x27: {  	[sflag:s16] =	ssyncadd.s32 @p0 $0xFFFFF520;
	s16 =	simm.s32 @!p0 $0x1  }
0x28: {  	_ =	swait.ge @!p0 [sflag:s16], $0xC40  }
0x29: {  	[sflag:s16] =	ssyncset.done @!p0 $0x0  }
0x2a: {  	[sflag:s16] =	ssyncadd.s32 @!p0 $0xFFFFF3C0  }
0x2b: {  	v8 =	vld [tilespmem:$0x0];
	_ =	sdelay $0x4  }
0x2c: {  	vm0 =	vgt.s32 v8, $0x0  }
0x2d: {  	v9 =	vld [tilespmem:$0x10];
	v8 =	vnsel vm0, $0x0, v8  }
0x2e: {  	v8 =	vmin.u32 v8, $0x7F;
	_ =	sdelay $0x3  }
0x2f: {  	v10 =	vld [tilespmem:$0x20];
	vm13 =	vgt.s32 v9, $0x0  }
0x30: {  	v9 =	vnsel vm13, $0x0, v9;
	v8 =	vld.idx.msk [tilespmem:v8+s13+$0x0], $0xffff  }
0x31: {  	v9 =	vmin.u32 v9, $0x7F;
	_ =	sdelay $0x3  }
0x32: {  	v45 =	vld [tilespmem:$0x30];
	vm14 =	vgt.s32 v10, $0x0;
	[tilespmem:$0xD80] =	vst v8  }
0x33: {  	v44 =	vnsel vm14, $0x0, v10;
	v8 =	vld.idx.msk [tilespmem:v9+s13+$0x0], $0xffff  }
0x34: {  	v9 =	vmin.u32 v44, $0x7F;
	_ =	sdelay $0x3  }
0x35: {  	v47 =	vld [tilespmem:$0x40];
	vm15 =	vgt.s32 v45, $0x0;
	[tilespmem:$0xD90] =	vst v8  }
0x36: {  	v46 =	vnsel vm15, $0x0, v45;
	v8 =	vld.idx.msk [tilespmem:v9+s13+$0x0], $0xffff  }
0x37: {  	v9 =	vmin.u32 v46, $0x7F;
	_ =	sdelay $0x3  }
0x38: {  	v49 =	vld [tilespmem:$0x50];
	vm4 =	vgt.s32 v47, $0x0;
	[tilespmem:$0xDA0] =	vst v8  }
0x39: {  	v48 =	vnsel vm4, $0x0, v47;
	v8 =	vld.idx.msk [tilespmem:v9+s13+$0x0], $0xffff  }
0x3a: {  	v9 =	vmin.u32 v48, $0x7F;
	_ =	sdelay $0x3  }
0x3b: {  	v51 =	vld [tilespmem:$0x60];
	vm5 =	vgt.s32 v49, $0x0;
	[tilespmem:$0xDB0] =	vst v8  }
0x3c: {  	v50 =	vnsel vm5, $0x0, v49;
	v8 =	vld.idx.msk [tilespmem:v9+s13+$0x0], $0xffff  }
0x3d: {  	v9 =	vmin.u32 v50, $0x7F;
	_ =	sdelay $0x3  }
0x3e: {  	v53 =	vld [tilespmem:$0x70];
	vm6 =	vgt.s32 v51, $0x0;
	[tilespmem:$0xDC0] =	vst v8  }
0x3f: {  	v52 =	vnsel vm6, $0x0, v51;
	v8 =	vld.idx.msk [tilespmem:v9+s13+$0x0], $0xffff  }
0x40: {  	v9 =	vmin.u32 v52, $0x7F;
	_ =	sdelay $0x3  }
0x41: {  	v55 =	vld [tilespmem:$0x80];
	vm7 =	vgt.s32 v53, $0x0;
	[tilespmem:$0xDD0] =	vst v8  }
0x42: {  	v54 =	vnsel vm7, $0x0, v53;
	v8 =	vld.idx.msk [tilespmem:v9+s13+$0x0], $0xffff  }
0x43: {  	v9 =	vmin.u32 v54, $0x7F;
	_ =	sdelay $0x3  }
0x44: {  	v57 =	vld [tilespmem:$0x90];
	vm8 =	vgt.s32 v55, $0x0;
	[tilespmem:$0xDE0] =	vst v8  }
0x45: {  	v56 =	vnsel vm8, $0x0, v55;
	v8 =	vld.idx.msk [tilespmem:v9+s13+$0x0], $0xffff  }
0x46: {  	v9 =	vmin.u32 v56, $0x7F;
	_ =	sdelay $0x3  }
0x47: {  	v59 =	vld [tilespmem:$0xA0];
	vm9 =	vgt.s32 v57, $0x0;
	[tilespmem:$0xDF0] =	vst v8  }
0x48: {  	v58 =	vnsel vm9, $0x0, v57;
	v8 =	vld.idx.msk [tilespmem:v9+s13+$0x0], $0xffff  }
0x49: {  	v9 =	vmin.u32 v58, $0x7F;
	_ =	sdelay $0x3  }
0x4a: {  	v61 =	vld [tilespmem:$0xB0];
	vm10 =	vgt.s32 v59, $0x0;
	[tilespmem:$0xE00] =	vst v8  }
0x4b: {  	v60 =	vnsel vm10, $0x0, v59;
	v8 =	vld.idx.msk [tilespmem:v9+s13+$0x0], $0xffff  }
0x4c: {  	v9 =	vmin.u32 v60, $0x7F;
	_ =	sdelay $0x3  }
0x4d: {  	v63 =	vld [tilespmem:$0xC0];
	vm11 =	vgt.s32 v61, $0x0;
	[tilespmem:$0xE10] =	vst v8  }
0x4e: {  	v62 =	vnsel vm11, $0x0, v61;
	v8 =	vld.idx.msk [tilespmem:v9+s13+$0x0], $0xffff  }
0x4f: {  	v9 =	vmin.u32 v62, $0x7F;
	_ =	sdelay $0x3  }
0x50: {  	v13 =	vld [tilespmem:$0xD0];
	vm12 =	vgt.s32 v63, $0x0;
	[tilespmem:$0xE20] =	vst v8  }
0x51: {  	v12 =	vnsel vm12, $0x0, v63;
	v8 =	vld.idx.msk [tilespmem:v9+s13+$0x0], $0xffff  }
0x52: {  	v9 =	vmin.u32 v12, $0x7F;
	_ =	sdelay $0x3  }
0x53: {  	v15 =	vld [tilespmem:$0xE0];
	vm13 =	vgt.s32 v13, $0x0;
	[tilespmem:$0xE30] =	vst v8  }
0x54: {  	v14 =	vnsel vm13, $0x0, v13;
	v8 =	vld.idx.msk [tilespmem:v9+s13+$0x0], $0xffff  }
0x55: {  	v9 =	vmin.u32 v14, $0x7F;
	_ =	sdelay $0x3  }
0x56: {  	v17 =	vld [tilespmem:$0xF0];
	vm14 =	vgt.s32 v15, $0x0;
	[tilespmem:$0xE40] =	vst v8  }
0x57: {  	v16 =	vnsel vm14, $0x0, v15;
	v8 =	vld.idx.msk [tilespmem:v9+s13+$0x0], $0xffff  }
0x58: {  	v9 =	vmin.u32 v16, $0x7F;
	_ =	sdelay $0x3  }
0x59: {  	v19 =	vld [tilespmem:$0x100];
	vm15 =	vgt.s32 v17, $0x0;
	[tilespmem:$0xE50] =	vst v8  }
0x5a: {  	v18 =	vnsel vm15, $0x0, v17;
	v8 =	vld.idx.msk [tilespmem:v9+s13+$0x0], $0xffff  }
0x5b: {  	v9 =	vmin.u32 v18, $0x7F;
	_ =	sdelay $0x3  }
0x5c: {  	v21 =	vld [tilespmem:$0x110];
	vm4 =	vgt.s32 v19, $0x0;
	[tilespmem:$0xE60] =	vst v8  }
0x5d: {  	v20 =	vnsel vm4, $0x0, v19;
	v8 =	vld.idx.msk [tilespmem:v9+s13+$0x0], $0xffff  }
0x5e: {  	v9 =	vmin.u32 v20, $0x7F;
	_ =	sdelay $0x3  }
0x5f: {  	v23 =	vld [tilespmem:$0x120];
	vm5 =	vgt.s32 v21, $0x0;
	[tilespmem:$0xE70] =	vst v8  }
0x60: {  	v22 =	vnsel vm5, $0x0, v21;
	v8 =	vld.idx.msk [tilespmem:v9+s13+$0x0], $0xffff  }
0x61: {  	v9 =	vmin.u32 v22, $0x7F;
	_ =	sdelay $0x3  }
0x62: {  	v25 =	vld [tilespmem:$0x130];
	vm6 =	vgt.s32 v23, $0x0;
	[tilespmem:$0xE80] =	vst v8  }
0x63: {  	v24 =	vnsel vm6, $0x0, v23;
	v8 =	vld.idx.msk [tilespmem:v9+s13+$0x0], $0xffff  }
0x64: {  	v9 =	vmin.u32 v24, $0x7F;
	_ =	sdelay $0x3  }
0x65: {  	v27 =	vld [tilespmem:$0x140];
	vm7 =	vgt.s32 v25, $0x0;
	[tilespmem:$0xE90] =	vst v8  }
0x66: {  	v26 =	vnsel vm7, $0x0, v25;
	v8 =	vld.idx.msk [tilespmem:v9+s13+$0x0], $0xffff  }
0x67: {  	v9 =	vmin.u32 v26, $0x7F;
	_ =	sdelay $0x3  }
0x68: {  	v29 =	vld [tilespmem:$0x150];
	vm8 =	vgt.s32 v27, $0x0;
	[tilespmem:$0xEA0] =	vst v8  }
0x69: {  	v28 =	vnsel vm8, $0x0, v27;
	v8 =	vld.idx.msk [tilespmem:v9+s13+$0x0], $0xffff  }
0x6a: {  	v9 =	vmin.u32 v28, $0x7F;
	_ =	sdelay $0x3  }
0x6b: {  	v31 =	vld [tilespmem:$0x160];
	vm9 =	vgt.s32 v29, $0x0;
	[tilespmem:$0xEB0] =	vst v8  }
0x6c: {  	v30 =	vnsel vm9, $0x0, v29;
	v8 =	vld.idx.msk [tilespmem:v9+s13+$0x0], $0xffff  }
0x6d: {  	v9 =	vmin.u32 v30, $0x7F;
	_ =	sdelay $0x3  }
0x6e: {  	v33 =	vld [tilespmem:$0x170];
	vm10 =	vgt.s32 v31, $0x0;
	[tilespmem:$0xEC0] =	vst v8  }
0x6f: {  	v32 =	vnsel vm10, $0x0, v31;
	v8 =	vld.idx.msk [tilespmem:v9+s13+$0x0], $0xffff  }
0x70: {  	v9 =	vmin.u32 v32, $0x7F;
	_ =	sdelay $0x3  }
0x71: {  	v35 =	vld [tilespmem:$0x180];
	vm11 =	vgt.s32 v33, $0x0;
	[tilespmem:$0xED0] =	vst v8  }
0x72: {  	v34 =	vnsel vm11, $0x0, v33;
	v8 =	vld.idx.msk [tilespmem:v9+s13+$0x0], $0xffff  }
0x73: {  	v9 =	vmin.u32 v34, $0x7F;
	_ =	sdelay $0x3  }
0x74: {  	v37 =	vld [tilespmem:$0x190];
	vm12 =	vgt.s32 v35, $0x0;
	[tilespmem:$0xEE0] =	vst v8  }
0x75: {  	v36 =	vnsel vm12, $0x0, v35;
	v8 =	vld.idx.msk [tilespmem:v9+s13+$0x0], $0xffff  }
0x76: {  	v9 =	vmin.u32 v36, $0x7F;
	_ =	sdelay $0x3  }
0x77: {  	v39 =	vld [tilespmem:$0x1A0];
	vm13 =	vgt.s32 v37, $0x0;
	[tilespmem:$0xEF0] =	vst v8  }
0x78: {  	v38 =	vnsel vm13, $0x0, v37;
	v8 =	vld.idx.msk [tilespmem:v9+s13+$0x0], $0xffff  }
0x79: {  	v9 =	vmin.u32 v38, $0x7F;
	_ =	sdelay $0x3  }
0x7a: {  	v41 =	vld [tilespmem:$0x1B0];
	vm14 =	vgt.s32 v39, $0x0;
	[tilespmem:$0xF00] =	vst v8  }
0x7b: {  	v40 =	vnsel vm14, $0x0, v39;
	v8 =	vld.idx.msk [tilespmem:v9+s13+$0x0], $0xffff  }
0x7c: {  	v9 =	vmin.u32 v40, $0x7F;
	_ =	sdelay $0x3  }
0x7d: {  	v43 =	vld [tilespmem:$0x1C0];
	vm15 =	vgt.s32 v41, $0x0;
	[tilespmem:$0xF10] =	vst v8  }
0x7e: {  	v42 =	vnsel vm15, $0x0, v41;
	v8 =	vld.idx.msk [tilespmem:v9+s13+$0x0], $0xffff  }
0x7f: {  	v9 =	vmin.u32 v42, $0x7F;
	_ =	sdelay $0x3  }
0x80: {  	v45 =	vld [tilespmem:$0x1D0];
	vm4 =	vgt.s32 v43, $0x0;
	[tilespmem:$0xF20] =	vst v8  }
0x81: {  	v44 =	vnsel vm4, $0x0, v43;
	v8 =	vld.idx.msk [tilespmem:v9+s13+$0x0], $0xffff  }
0x82: {  	v9 =	vmin.u32 v44, $0x7F;
	_ =	sdelay $0x3  }
0x83: {  	v47 =	vld [tilespmem:$0x1E0];
	vm5 =	vgt.s32 v45, $0x0;
	[tilespmem:$0xF30] =	vst v8  }
0x84: {  	v46 =	vnsel vm5, $0x0, v45;
	v8 =	vld.idx.msk [tilespmem:v9+s13+$0x0], $0xffff  }
0x85: {  	v9 =	vmin.u32 v46, $0x7F;
	_ =	sdelay $0x3  }
0x86: {  	v49 =	vld [tilespmem:$0x1F0];
	vm6 =	vgt.s32 v47, $0x0;
	[tilespmem:$0xF40] =	vst v8  }
0x87: {  	v48 =	vnsel vm6, $0x0, v47;
	v8 =	vld.idx.msk [tilespmem:v9+s13+$0x0], $0xffff  }
0x88: {  	v9 =	vmin.u32 v48, $0x7F;
	_ =	sdelay $0x3  }
0x89: {  	v51 =	vld [tilespmem:$0x200];
	vm7 =	vgt.s32 v49, $0x0;
	[tilespmem:$0xF50] =	vst v8  }
0x8a: {  	v50 =	vnsel vm7, $0x0, v49;
	v8 =	vld.idx.msk [tilespmem:v9+s13+$0x0], $0xffff  }
0x8b: {  	v9 =	vmin.u32 v50, $0x7F;
	_ =	sdelay $0x3  }
0x8c: {  	v53 =	vld [tilespmem:$0x210];
	vm8 =	vgt.s32 v51, $0x0;
	[tilespmem:$0xF60] =	vst v8  }
0x8d: {  	v52 =	vnsel vm8, $0x0, v51;
	v8 =	vld.idx.msk [tilespmem:v9+s13+$0x0], $0xffff  }
0x8e: {  	v9 =	vmin.u32 v52, $0x7F;
	_ =	sdelay $0x3  }
0x8f: {  	vm9 =	vgt.s32 v53, $0x0;
	[tilespmem:$0xF70] =	vst v8  }
0x90: {  	v54 =	vnsel vm9, $0x0, v53;
	v8 =	vld.idx.msk [tilespmem:v9+s13+$0x0], $0xffff  }
0x91: {  	v9 =	vmin.u32 v54, $0x7F;
	_ =	sdelay $0x3  }
0x92: {  	[tilespmem:$0xF80] =	vst v8  }
0x93: {  	v8 =	vld.idx.msk [tilespmem:v9+s13+$0x0], $0xffff  }
0x94: {  	v9 =	vld [tilespmem:$0x220];
	_ =	sdelay $0x4  }
0x95: {  	vm10 =	vgt.s32 v9, $0x0  }
0x96: {  	v55 =	vld [tilespmem:$0x230];
	v9 =	vnsel vm10, $0x0, v9  }
0x97: {  	v9 =	vmin.u32 v9, $0x7F;
	_ =	sdelay $0x3  }
0x98: {  	v57 =	vld [tilespmem:$0x240];
	[tilespmem:$0xF90] =	vst v8;
	vm11 =	vgt.s32 v55, $0x0  }
0x99: {  	v56 =	vnsel vm11, $0x0, v55;
	v8 =	vld.idx.msk [tilespmem:v9+s13+$0x0], $0xffff  }
0x9a: {  	v9 =	vmin.u32 v56, $0x7F;
	_ =	sdelay $0x3  }
0x9b: {  	v59 =	vld [tilespmem:$0x250];
	vm12 =	vgt.s32 v57, $0x0;
	[tilespmem:$0xFA0] =	vst v8  }
0x9c: {  	v58 =	vnsel vm12, $0x0, v57;
	v8 =	vld.idx.msk [tilespmem:v9+s13+$0x0], $0xffff  }
0x9d: {  	v9 =	vmin.u32 v58, $0x7F;
	_ =	sdelay $0x3  }
0x9e: {  	v61 =	vld [tilespmem:$0x260];
	vm13 =	vgt.s32 v59, $0x0;
	[tilespmem:$0xFB0] =	vst v8  }
0x9f: {  	v60 =	vnsel vm13, $0x0, v59;
	v8 =	vld.idx.msk [tilespmem:v9+s13+$0x0], $0xffff  }
0xa0: {  	v9 =	vmin.u32 v60, $0x7F;
	_ =	sdelay $0x3  }
0xa1: {  	v63 =	vld [tilespmem:$0x270];
	vm14 =	vgt.s32 v61, $0x0;
	[tilespmem:$0xFC0] =	vst v8  }
0xa2: {  	v62 =	vnsel vm14, $0x0, v61;
	v8 =	vld.idx.msk [tilespmem:v9+s13+$0x0], $0xffff  }
0xa3: {  	v9 =	vmin.u32 v62, $0x7F;
	_ =	sdelay $0x3  }
0xa4: {  	v13 =	vld [tilespmem:$0x280];
	vm15 =	vgt.s32 v63, $0x0;
	[tilespmem:$0xFD0] =	vst v8  }
0xa5: {  	v12 =	vnsel vm15, $0x0, v63;
	v8 =	vld.idx.msk [tilespmem:v9+s13+$0x0], $0xffff  }
0xa6: {  	v9 =	vmin.u32 v12, $0x7F;
	_ =	sdelay $0x3  }
0xa7: {  	v15 =	vld [tilespmem:$0x290];
	vm4 =	vgt.s32 v13, $0x0;
	[tilespmem:$0xFE0] =	vst v8  }
0xa8: {  	v14 =	vnsel vm4, $0x0, v13;
	v8 =	vld.idx.msk [tilespmem:v9+s13+$0x0], $0xffff  }
0xa9: {  	v9 =	vmin.u32 v14, $0x7F;
	_ =	sdelay $0x3  }
0xaa: {  	v17 =	vld [tilespmem:$0x2A0];
	vm5 =	vgt.s32 v15, $0x0;
	[tilespmem:$0xFF0] =	vst v8  }
0xab: {  	v16 =	vnsel vm5, $0x0, v15;
	v8 =	vld.idx.msk [tilespmem:v9+s13+$0x0], $0xffff  }
0xac: {  	v9 =	vmin.u32 v16, $0x7F;
	_ =	sdelay $0x3  }
0xad: {  	v19 =	vld [tilespmem:$0x2B0];
	vm6 =	vgt.s32 v17, $0x0;
	[tilespmem:$0x1000] =	vst v8  }
0xae: {  	v18 =	vnsel vm6, $0x0, v17;
	v8 =	vld.idx.msk [tilespmem:v9+s13+$0x0], $0xffff  }
0xaf: {  	v9 =	vmin.u32 v18, $0x7F;
	_ =	sdelay $0x3  }
0xb0: {  	v21 =	vld [tilespmem:$0x2C0];
	vm7 =	vgt.s32 v19, $0x0;
	[tilespmem:$0x1010] =	vst v8  }
0xb1: {  	v20 =	vnsel vm7, $0x0, v19;
	v8 =	vld.idx.msk [tilespmem:v9+s13+$0x0], $0xffff  }
0xb2: {  	v9 =	vmin.u32 v20, $0x7F;
	_ =	sdelay $0x3  }
0xb3: {  	v23 =	vld [tilespmem:$0x2D0];
	vm8 =	vgt.s32 v21, $0x0;
	[tilespmem:$0x1020] =	vst v8  }
0xb4: {  	v22 =	vnsel vm8, $0x0, v21;
	v8 =	vld.idx.msk [tilespmem:v9+s13+$0x0], $0xffff  }
0xb5: {  	v9 =	vmin.u32 v22, $0x7F;
	_ =	sdelay $0x3  }
0xb6: {  	v25 =	vld [tilespmem:$0x2E0];
	vm9 =	vgt.s32 v23, $0x0;
	[tilespmem:$0x1030] =	vst v8  }
0xb7: {  	v24 =	vnsel vm9, $0x0, v23;
	v8 =	vld.idx.msk [tilespmem:v9+s13+$0x0], $0xffff  }
0xb8: {  	v9 =	vmin.u32 v24, $0x7F;
	_ =	sdelay $0x3  }
0xb9: {  	v27 =	vld [tilespmem:$0x2F0];
	vm10 =	vgt.s32 v25, $0x0;
	[tilespmem:$0x1040] =	vst v8  }
0xba: {  	v26 =	vnsel vm10, $0x0, v25;
	v8 =	vld.idx.msk [tilespmem:v9+s13+$0x0], $0xffff  }
0xbb: {  	v9 =	vmin.u32 v26, $0x7F;
	_ =	sdelay $0x3  }
0xbc: {  	v29 =	vld [tilespmem:$0x300];
	vm11 =	vgt.s32 v27, $0x0;
	[tilespmem:$0x1050] =	vst v8  }
0xbd: {  	v28 =	vnsel vm11, $0x0, v27;
	v8 =	vld.idx.msk [tilespmem:v9+s13+$0x0], $0xffff  }
0xbe: {  	v9 =	vmin.u32 v28, $0x7F;
	_ =	sdelay $0x3  }
0xbf: {  	v31 =	vld [tilespmem:$0x310];
	vm12 =	vgt.s32 v29, $0x0;
	[tilespmem:$0x1060] =	vst v8  }
0xc0: {  	v30 =	vnsel vm12, $0x0, v29;
	v8 =	vld.idx.msk [tilespmem:v9+s13+$0x0], $0xffff  }
0xc1: {  	v9 =	vmin.u32 v30, $0x7F;
	_ =	sdelay $0x3  }
0xc2: {  	v33 =	vld [tilespmem:$0x320];
	vm13 =	vgt.s32 v31, $0x0;
	[tilespmem:$0x1070] =	vst v8  }
0xc3: {  	v32 =	vnsel vm13, $0x0, v31;
	v8 =	vld.idx.msk [tilespmem:v9+s13+$0x0], $0xffff  }
0xc4: {  	v9 =	vmin.u32 v32, $0x7F;
	_ =	sdelay $0x3  }
0xc5: {  	v35 =	vld [tilespmem:$0x330];
	vm14 =	vgt.s32 v33, $0x0;
	[tilespmem:$0x1080] =	vst v8  }
0xc6: {  	v34 =	vnsel vm14, $0x0, v33;
	v8 =	vld.idx.msk [tilespmem:v9+s13+$0x0], $0xffff  }
0xc7: {  	v9 =	vmin.u32 v34, $0x7F;
	_ =	sdelay $0x3  }
0xc8: {  	v37 =	vld [tilespmem:$0x340];
	vm15 =	vgt.s32 v35, $0x0;
	[tilespmem:$0x1090] =	vst v8  }
0xc9: {  	v36 =	vnsel vm15, $0x0, v35;
	v8 =	vld.idx.msk [tilespmem:v9+s13+$0x0], $0xffff  }
0xca: {  	v9 =	vmin.u32 v36, $0x7F;
	_ =	sdelay $0x3  }
0xcb: {  	v39 =	vld [tilespmem:$0x350];
	vm4 =	vgt.s32 v37, $0x0;
	[tilespmem:$0x10A0] =	vst v8  }
0xcc: {  	v38 =	vnsel vm4, $0x0, v37;
	v8 =	vld.idx.msk [tilespmem:v9+s13+$0x0], $0xffff  }
0xcd: {  	v9 =	vmin.u32 v38, $0x7F;
	_ =	sdelay $0x3  }
0xce: {  	v41 =	vld [tilespmem:$0x360];
	vm5 =	vgt.s32 v39, $0x0;
	[tilespmem:$0x10B0] =	vst v8  }
0xcf: {  	v40 =	vnsel vm5, $0x0, v39;
	v8 =	vld.idx.msk [tilespmem:v9+s13+$0x0], $0xffff  }
0xd0: {  	v9 =	vmin.u32 v40, $0x7F;
	_ =	sdelay $0x3  }
0xd1: {  	v43 =	vld [tilespmem:$0x370];
	vm6 =	vgt.s32 v41, $0x0;
	[tilespmem:$0x10C0] =	vst v8  }
0xd2: {  	v42 =	vnsel vm6, $0x0, v41;
	v8 =	vld.idx.msk [tilespmem:v9+s13+$0x0], $0xffff  }
0xd3: {  	v9 =	vmin.u32 v42, $0x7F;
	_ =	sdelay $0x3  }
0xd4: {  	v45 =	vld [tilespmem:$0x380];
	vm7 =	vgt.s32 v43, $0x0;
	[tilespmem:$0x10D0] =	vst v8  }
0xd5: {  	v44 =	vnsel vm7, $0x0, v43;
	v8 =	vld.idx.msk [tilespmem:v9+s13+$0x0], $0xffff  }
0xd6: {  	v9 =	vmin.u32 v44, $0x7F;
	_ =	sdelay $0x3  }
0xd7: {  	v47 =	vld [tilespmem:$0x390];
	vm8 =	vgt.s32 v45, $0x0;
	[tilespmem:$0x10E0] =	vst v8  }
0xd8: {  	v46 =	vnsel vm8, $0x0, v45;
	v8 =	vld.idx.msk [tilespmem:v9+s13+$0x0], $0xffff  }
0xd9: {  	v9 =	vmin.u32 v46, $0x7F;
	_ =	sdelay $0x3  }
0xda: {  	v49 =	vld [tilespmem:$0x3A0];
	vm9 =	vgt.s32 v47, $0x0;
	[tilespmem:$0x10F0] =	vst v8  }
0xdb: {  	v48 =	vnsel vm9, $0x0, v47;
	v8 =	vld.idx.msk [tilespmem:v9+s13+$0x0], $0xffff  }
0xdc: {  	v9 =	vmin.u32 v48, $0x7F;
	_ =	sdelay $0x3  }
0xdd: {  	v51 =	vld [tilespmem:$0x3B0];
	vm10 =	vgt.s32 v49, $0x0;
	[tilespmem:$0x1100] =	vst v8  }
0xde: {  	v50 =	vnsel vm10, $0x0, v49;
	v8 =	vld.idx.msk [tilespmem:v9+s13+$0x0], $0xffff  }
0xdf: {  	v9 =	vmin.u32 v50, $0x7F;
	_ =	sdelay $0x3  }
0xe0: {  	v53 =	vld [tilespmem:$0x3C0];
	vm11 =	vgt.s32 v51, $0x0;
	[tilespmem:$0x1110] =	vst v8  }
0xe1: {  	v52 =	vnsel vm11, $0x0, v51;
	v8 =	vld.idx.msk [tilespmem:v9+s13+$0x0], $0xffff  }
0xe2: {  	v9 =	vmin.u32 v52, $0x7F;
	_ =	sdelay $0x3  }
0xe3: {  	v55 =	vld [tilespmem:$0x3D0];
	vm12 =	vgt.s32 v53, $0x0;
	[tilespmem:$0x1120] =	vst v8  }
0xe4: {  	v54 =	vnsel vm12, $0x0, v53;
	v8 =	vld.idx.msk [tilespmem:v9+s13+$0x0], $0xffff  }
0xe5: {  	v9 =	vmin.u32 v54, $0x7F;
	_ =	sdelay $0x3  }
0xe6: {  	v57 =	vld [tilespmem:$0x3E0];
	vm13 =	vgt.s32 v55, $0x0;
	[tilespmem:$0x1130] =	vst v8  }
0xe7: {  	v56 =	vnsel vm13, $0x0, v55;
	v8 =	vld.idx.msk [tilespmem:v9+s13+$0x0], $0xffff  }
0xe8: {  	v9 =	vmin.u32 v56, $0x7F;
	_ =	sdelay $0x3  }
0xe9: {  	v59 =	vld [tilespmem:$0x3F0];
	vm14 =	vgt.s32 v57, $0x0;
	[tilespmem:$0x1140] =	vst v8  }
0xea: {  	v58 =	vnsel vm14, $0x0, v57;
	v8 =	vld.idx.msk [tilespmem:v9+s13+$0x0], $0xffff  }
0xeb: {  	v9 =	vmin.u32 v58, $0x7F;
	_ =	sdelay $0x3  }
0xec: {  	v61 =	vld [tilespmem:$0x400];
	vm15 =	vgt.s32 v59, $0x0;
	[tilespmem:$0x1150] =	vst v8  }
0xed: {  	v60 =	vnsel vm15, $0x0, v59;
	v8 =	vld.idx.msk [tilespmem:v9+s13+$0x0], $0xffff  }
0xee: {  	v9 =	vmin.u32 v60, $0x7F;
	_ =	sdelay $0x3  }
0xef: {  	v63 =	vld [tilespmem:$0x410];
	vm4 =	vgt.s32 v61, $0x0;
	[tilespmem:$0x1160] =	vst v8  }
0xf0: {  	v62 =	vnsel vm4, $0x0, v61;
	v8 =	vld.idx.msk [tilespmem:v9+s13+$0x0], $0xffff  }
0xf1: {  	v9 =	vmin.u32 v62, $0x7F;
	_ =	sdelay $0x3  }
0xf2: {  	v13 =	vld [tilespmem:$0x420];
	vm5 =	vgt.s32 v63, $0x0;
	[tilespmem:$0x1170] =	vst v8  }
0xf3: {  	v12 =	vnsel vm5, $0x0, v63;
	v8 =	vld.idx.msk [tilespmem:v9+s13+$0x0], $0xffff  }
0xf4: {  	v9 =	vmin.u32 v12, $0x7F;
	_ =	sdelay $0x3  }
0xf5: {  	v15 =	vld [tilespmem:$0x430];
	vm6 =	vgt.s32 v13, $0x0;
	[tilespmem:$0x1180] =	vst v8  }
0xf6: {  	v14 =	vnsel vm6, $0x0, v13;
	v8 =	vld.idx.msk [tilespmem:v9+s13+$0x0], $0xffff  }
0xf7: {  	v9 =	vmin.u32 v14, $0x7F;
	_ =	sdelay $0x3  }
0xf8: {  	v17 =	vld [tilespmem:$0x440];
	vm7 =	vgt.s32 v15, $0x0;
	[tilespmem:$0x1190] =	vst v8  }
0xf9: {  	v16 =	vnsel vm7, $0x0, v15;
	v8 =	vld.idx.msk [tilespmem:v9+s13+$0x0], $0xffff  }
0xfa: {  	v9 =	vmin.u32 v16, $0x7F;
	_ =	sdelay $0x3  }
0xfb: {  	v19 =	vld [tilespmem:$0x450];
	vm8 =	vgt.s32 v17, $0x0;
	[tilespmem:$0x11A0] =	vst v8  }
0xfc: {  	v18 =	vnsel vm8, $0x0, v17;
	v8 =	vld.idx.msk [tilespmem:v9+s13+$0x0], $0xffff  }
0xfd: {  	v9 =	vmin.u32 v18, $0x7F;
	_ =	sdelay $0x3  }
0xfe: {  	v21 =	vld [tilespmem:$0x460];
	vm9 =	vgt.s32 v19, $0x0;
	[tilespmem:$0x11B0] =	vst v8  }
0xff: {  	v20 =	vnsel vm9, $0x0, v19;
	v8 =	vld.idx.msk [tilespmem:v9+s13+$0x0], $0xffff  }
0x100: {  	v9 =	vmin.u32 v20, $0x7F;
	_ =	sdelay $0x3  }
0x101: {  	v23 =	vld [tilespmem:$0x470];
	vm10 =	vgt.s32 v21, $0x0;
	[tilespmem:$0x11C0] =	vst v8  }
0x102: {  	v22 =	vnsel vm10, $0x0, v21;
	v8 =	vld.idx.msk [tilespmem:v9+s13+$0x0], $0xffff  }
0x103: {  	v9 =	vmin.u32 v22, $0x7F;
	_ =	sdelay $0x3  }
0x104: {  	v25 =	vld [tilespmem:$0x480];
	vm11 =	vgt.s32 v23, $0x0;
	[tilespmem:$0x11D0] =	vst v8  }
0x105: {  	v24 =	vnsel vm11, $0x0, v23;
	v8 =	vld.idx.msk [tilespmem:v9+s13+$0x0], $0xffff  }
0x106: {  	v9 =	vmin.u32 v24, $0x7F;
	_ =	sdelay $0x3  }
0x107: {  	v27 =	vld [tilespmem:$0x490];
	vm12 =	vgt.s32 v25, $0x0;
	[tilespmem:$0x11E0] =	vst v8  }
0x108: {  	v26 =	vnsel vm12, $0x0, v25;
	v8 =	vld.idx.msk [tilespmem:v9+s13+$0x0], $0xffff  }
0x109: {  	v9 =	vmin.u32 v26, $0x7F;
	_ =	sdelay $0x3  }
0x10a: {  	v29 =	vld [tilespmem:$0x4A0];
	vm13 =	vgt.s32 v27, $0x0;
	[tilespmem:$0x11F0] =	vst v8  }
0x10b: {  	v28 =	vnsel vm13, $0x0, v27;
	v8 =	vld.idx.msk [tilespmem:v9+s13+$0x0], $0xffff  }
0x10c: {  	v9 =	vmin.u32 v28, $0x7F;
	_ =	sdelay $0x3  }
0x10d: {  	v31 =	vld [tilespmem:$0x4B0];
	vm14 =	vgt.s32 v29, $0x0;
	[tilespmem:$0x1200] =	vst v8  }
0x10e: {  	v30 =	vnsel vm14, $0x0, v29;
	v8 =	vld.idx.msk [tilespmem:v9+s13+$0x0], $0xffff  }
0x10f: {  	v9 =	vmin.u32 v30, $0x7F;
	_ =	sdelay $0x3  }
0x110: {  	v33 =	vld [tilespmem:$0x4C0];
	vm15 =	vgt.s32 v31, $0x0;
	[tilespmem:$0x1210] =	vst v8  }
0x111: {  	v32 =	vnsel vm15, $0x0, v31;
	v8 =	vld.idx.msk [tilespmem:v9+s13+$0x0], $0xffff  }
0x112: {  	v9 =	vmin.u32 v32, $0x7F;
	_ =	sdelay $0x3  }
0x113: {  	v35 =	vld [tilespmem:$0x4D0];
	vm4 =	vgt.s32 v33, $0x0;
	[tilespmem:$0x1220] =	vst v8  }
0x114: {  	v34 =	vnsel vm4, $0x0, v33;
	v8 =	vld.idx.msk [tilespmem:v9+s13+$0x0], $0xffff  }
0x115: {  	v9 =	vmin.u32 v34, $0x7F;
	_ =	sdelay $0x3  }
0x116: {  	v37 =	vld [tilespmem:$0x4E0];
	vm5 =	vgt.s32 v35, $0x0;
	[tilespmem:$0x1230] =	vst v8  }
0x117: {  	v36 =	vnsel vm5, $0x0, v35;
	v8 =	vld.idx.msk [tilespmem:v9+s13+$0x0], $0xffff  }
0x118: {  	v9 =	vmin.u32 v36, $0x7F;
	_ =	sdelay $0x3  }
0x119: {  	v39 =	vld [tilespmem:$0x4F0];
	vm6 =	vgt.s32 v37, $0x0;
	[tilespmem:$0x1240] =	vst v8  }
0x11a: {  	v38 =	vnsel vm6, $0x0, v37;
	v8 =	vld.idx.msk [tilespmem:v9+s13+$0x0], $0xffff  }
0x11b: {  	v9 =	vmin.u32 v38, $0x7F;
	_ =	sdelay $0x3  }
0x11c: {  	v41 =	vld [tilespmem:$0x500];
	vm7 =	vgt.s32 v39, $0x0;
	[tilespmem:$0x1250] =	vst v8  }
0x11d: {  	v40 =	vnsel vm7, $0x0, v39;
	v8 =	vld.idx.msk [tilespmem:v9+s13+$0x0], $0xffff  }
0x11e: {  	v9 =	vmin.u32 v40, $0x7F;
	_ =	sdelay $0x3  }
0x11f: {  	v43 =	vld [tilespmem:$0x510];
	vm8 =	vgt.s32 v41, $0x0;
	[tilespmem:$0x1260] =	vst v8  }
0x120: {  	v42 =	vnsel vm8, $0x0, v41;
	v8 =	vld.idx.msk [tilespmem:v9+s13+$0x0], $0xffff  }
0x121: {  	v9 =	vmin.u32 v42, $0x7F;
	_ =	sdelay $0x3  }
0x122: {  	v45 =	vld [tilespmem:$0x520];
	vm9 =	vgt.s32 v43, $0x0;
	[tilespmem:$0x1270] =	vst v8  }
0x123: {  	v44 =	vnsel vm9, $0x0, v43;
	v8 =	vld.idx.msk [tilespmem:v9+s13+$0x0], $0xffff  }
0x124: {  	v9 =	vmin.u32 v44, $0x7F;
	_ =	sdelay $0x3  }
0x125: {  	v47 =	vld [tilespmem:$0x530];
	vm10 =	vgt.s32 v45, $0x0;
	[tilespmem:$0x1280] =	vst v8  }
0x126: {  	v46 =	vnsel vm10, $0x0, v45;
	v8 =	vld.idx.msk [tilespmem:v9+s13+$0x0], $0xffff  }
0x127: {  	v9 =	vmin.u32 v46, $0x7F;
	_ =	sdelay $0x3  }
0x128: {  	v49 =	vld [tilespmem:$0x540];
	vm11 =	vgt.s32 v47, $0x0;
	[tilespmem:$0x1290] =	vst v8  }
0x129: {  	v48 =	vnsel vm11, $0x0, v47;
	v8 =	vld.idx.msk [tilespmem:v9+s13+$0x0], $0xffff  }
0x12a: {  	v9 =	vmin.u32 v48, $0x7F;
	_ =	sdelay $0x3  }
0x12b: {  	v51 =	vld [tilespmem:$0x550];
	vm12 =	vgt.s32 v49, $0x0;
	[tilespmem:$0x12A0] =	vst v8  }
0x12c: {  	v50 =	vnsel vm12, $0x0, v49;
	v8 =	vld.idx.msk [tilespmem:v9+s13+$0x0], $0xffff  }
0x12d: {  	v9 =	vmin.u32 v50, $0x7F;
	_ =	sdelay $0x3  }
0x12e: {  	v53 =	vld [tilespmem:$0x560];
	vm13 =	vgt.s32 v51, $0x0;
	[tilespmem:$0x12B0] =	vst v8  }
0x12f: {  	v52 =	vnsel vm13, $0x0, v51;
	v8 =	vld.idx.msk [tilespmem:v9+s13+$0x0], $0xffff  }
0x130: {  	v9 =	vmin.u32 v52, $0x7F;
	_ =	sdelay $0x3  }
0x131: {  	v55 =	vld [tilespmem:$0x570];
	vm14 =	vgt.s32 v53, $0x0;
	[tilespmem:$0x12C0] =	vst v8  }
0x132: {  	v54 =	vnsel vm14, $0x0, v53;
	v8 =	vld.idx.msk [tilespmem:v9+s13+$0x0], $0xffff  }
0x133: {  	v9 =	vmin.u32 v54, $0x7F;
	_ =	sdelay $0x3  }
0x134: {  	v57 =	vld [tilespmem:$0x580];
	vm15 =	vgt.s32 v55, $0x0;
	[tilespmem:$0x12D0] =	vst v8  }
0x135: {  	v56 =	vnsel vm15, $0x0, v55;
	v8 =	vld.idx.msk [tilespmem:v9+s13+$0x0], $0xffff  }
0x136: {  	v9 =	vmin.u32 v56, $0x7F;
	_ =	sdelay $0x3  }
0x137: {  	v59 =	vld [tilespmem:$0x590];
	vm4 =	vgt.s32 v57, $0x0;
	[tilespmem:$0x12E0] =	vst v8  }
0x138: {  	v58 =	vnsel vm4, $0x0, v57;
	v8 =	vld.idx.msk [tilespmem:v9+s13+$0x0], $0xffff  }
0x139: {  	v9 =	vmin.u32 v58, $0x7F;
	_ =	sdelay $0x3  }
0x13a: {  	v61 =	vld [tilespmem:$0x5A0];
	vm5 =	vgt.s32 v59, $0x0;
	[tilespmem:$0x12F0] =	vst v8  }
0x13b: {  	v60 =	vnsel vm5, $0x0, v59;
	v8 =	vld.idx.msk [tilespmem:v9+s13+$0x0], $0xffff  }
0x13c: {  	v9 =	vmin.u32 v60, $0x7F;
	_ =	sdelay $0x3  }
0x13d: {  	v63 =	vld [tilespmem:$0x5B0];
	vm6 =	vgt.s32 v61, $0x0;
	[tilespmem:$0x1300] =	vst v8  }
0x13e: {  	v62 =	vnsel vm6, $0x0, v61;
	v8 =	vld.idx.msk [tilespmem:v9+s13+$0x0], $0xffff  }
0x13f: {  	v9 =	vmin.u32 v62, $0x7F;
	_ =	sdelay $0x3  }
0x140: {  	v13 =	vld [tilespmem:$0x5C0];
	vm7 =	vgt.s32 v63, $0x0;
	[tilespmem:$0x1310] =	vst v8  }
0x141: {  	v12 =	vnsel vm7, $0x0, v63;
	v8 =	vld.idx.msk [tilespmem:v9+s13+$0x0], $0xffff  }
0x142: {  	v9 =	vmin.u32 v12, $0x7F;
	_ =	sdelay $0x3  }
0x143: {  	v15 =	vld [tilespmem:$0x5D0];
	vm8 =	vgt.s32 v13, $0x0;
	[tilespmem:$0x1320] =	vst v8  }
0x144: {  	v14 =	vnsel vm8, $0x0, v13;
	v8 =	vld.idx.msk [tilespmem:v9+s13+$0x0], $0xffff  }
0x145: {  	v9 =	vmin.u32 v14, $0x7F;
	_ =	sdelay $0x3  }
0x146: {  	v17 =	vld [tilespmem:$0x5E0];
	vm9 =	vgt.s32 v15, $0x0;
	[tilespmem:$0x1330] =	vst v8  }
0x147: {  	v16 =	vnsel vm9, $0x0, v15;
	v8 =	vld.idx.msk [tilespmem:v9+s13+$0x0], $0xffff  }
0x148: {  	v9 =	vmin.u32 v16, $0x7F;
	_ =	sdelay $0x3  }
0x149: {  	v19 =	vld [tilespmem:$0x5F0];
	vm10 =	vgt.s32 v17, $0x0;
	[tilespmem:$0x1340] =	vst v8  }
0x14a: {  	v18 =	vnsel vm10, $0x0, v17;
	v8 =	vld.idx.msk [tilespmem:v9+s13+$0x0], $0xffff  }
0x14b: {  	v9 =	vmin.u32 v18, $0x7F;
	_ =	sdelay $0x3  }
0x14c: {  	v21 =	vld [tilespmem:$0x600];
	vm11 =	vgt.s32 v19, $0x0;
	[tilespmem:$0x1350] =	vst v8  }
0x14d: {  	v20 =	vnsel vm11, $0x0, v19;
	v8 =	vld.idx.msk [tilespmem:v9+s13+$0x0], $0xffff  }
0x14e: {  	v9 =	vmin.u32 v20, $0x7F;
	_ =	sdelay $0x3  }
0x14f: {  	v23 =	vld [tilespmem:$0x610];
	vm12 =	vgt.s32 v21, $0x0;
	[tilespmem:$0x1360] =	vst v8  }
0x150: {  	v22 =	vnsel vm12, $0x0, v21;
	v8 =	vld.idx.msk [tilespmem:v9+s13+$0x0], $0xffff  }
0x151: {  	v9 =	vmin.u32 v22, $0x7F;
	_ =	sdelay $0x3  }
0x152: {  	v25 =	vld [tilespmem:$0x620];
	vm13 =	vgt.s32 v23, $0x0;
	[tilespmem:$0x1370] =	vst v8  }
0x153: {  	v24 =	vnsel vm13, $0x0, v23;
	v8 =	vld.idx.msk [tilespmem:v9+s13+$0x0], $0xffff  }
0x154: {  	v9 =	vmin.u32 v24, $0x7F;
	_ =	sdelay $0x3  }
0x155: {  	v27 =	vld [tilespmem:$0x630];
	vm14 =	vgt.s32 v25, $0x0;
	[tilespmem:$0x1380] =	vst v8  }
0x156: {  	v26 =	vnsel vm14, $0x0, v25;
	v8 =	vld.idx.msk [tilespmem:v9+s13+$0x0], $0xffff  }
0x157: {  	v9 =	vmin.u32 v26, $0x7F;
	_ =	sdelay $0x3  }
0x158: {  	v29 =	vld [tilespmem:$0x640];
	vm15 =	vgt.s32 v27, $0x0;
	[tilespmem:$0x1390] =	vst v8  }
0x159: {  	v28 =	vnsel vm15, $0x0, v27;
	v8 =	vld.idx.msk [tilespmem:v9+s13+$0x0], $0xffff  }
0x15a: {  	v9 =	vmin.u32 v28, $0x7F;
	_ =	sdelay $0x3  }
0x15b: {  	v31 =	vld [tilespmem:$0x650];
	vm4 =	vgt.s32 v29, $0x0;
	[tilespmem:$0x13A0] =	vst v8  }
0x15c: {  	v30 =	vnsel vm4, $0x0, v29;
	v8 =	vld.idx.msk [tilespmem:v9+s13+$0x0], $0xffff  }
0x15d: {  	v9 =	vmin.u32 v30, $0x7F;
	_ =	sdelay $0x3  }
0x15e: {  	v33 =	vld [tilespmem:$0x660];
	vm5 =	vgt.s32 v31, $0x0;
	[tilespmem:$0x13B0] =	vst v8  }
0x15f: {  	v32 =	vnsel vm5, $0x0, v31;
	v8 =	vld.idx.msk [tilespmem:v9+s13+$0x0], $0xffff  }
0x160: {  	v9 =	vmin.u32 v32, $0x7F;
	_ =	sdelay $0x3  }
0x161: {  	v35 =	vld [tilespmem:$0x670];
	vm6 =	vgt.s32 v33, $0x0;
	[tilespmem:$0x13C0] =	vst v8  }
0x162: {  	v34 =	vnsel vm6, $0x0, v33;
	v8 =	vld.idx.msk [tilespmem:v9+s13+$0x0], $0xffff  }
0x163: {  	v9 =	vmin.u32 v34, $0x7F;
	_ =	sdelay $0x3  }
0x164: {  	v37 =	vld [tilespmem:$0x680];
	vm7 =	vgt.s32 v35, $0x0;
	[tilespmem:$0x13D0] =	vst v8  }
0x165: {  	v36 =	vnsel vm7, $0x0, v35;
	v8 =	vld.idx.msk [tilespmem:v9+s13+$0x0], $0xffff  }
0x166: {  	v9 =	vmin.u32 v36, $0x7F;
	_ =	sdelay $0x3  }
0x167: {  	v39 =	vld [tilespmem:$0x690];
	vm8 =	vgt.s32 v37, $0x0;
	[tilespmem:$0x13E0] =	vst v8  }
0x168: {  	v38 =	vnsel vm8, $0x0, v37;
	v8 =	vld.idx.msk [tilespmem:v9+s13+$0x0], $0xffff  }
0x169: {  	v9 =	vmin.u32 v38, $0x7F;
	_ =	sdelay $0x3  }
0x16a: {  	v41 =	vld [tilespmem:$0x6A0];
	vm9 =	vgt.s32 v39, $0x0;
	[tilespmem:$0x13F0] =	vst v8  }
0x16b: {  	v40 =	vnsel vm9, $0x0, v39;
	v8 =	vld.idx.msk [tilespmem:v9+s13+$0x0], $0xffff  }
0x16c: {  	v9 =	vmin.u32 v40, $0x7F;
	_ =	sdelay $0x3  }
0x16d: {  	v43 =	vld [tilespmem:$0x6B0];
	vm10 =	vgt.s32 v41, $0x0;
	[tilespmem:$0x1400] =	vst v8  }
0x16e: {  	v42 =	vnsel vm10, $0x0, v41;
	v8 =	vld.idx.msk [tilespmem:v9+s13+$0x0], $0xffff  }
0x16f: {  	v9 =	vmin.u32 v42, $0x7F;
	_ =	sdelay $0x3  }
0x170: {  	v45 =	vld [tilespmem:$0x6C0];
	vm11 =	vgt.s32 v43, $0x0;
	[tilespmem:$0x1410] =	vst v8  }
0x171: {  	v44 =	vnsel vm11, $0x0, v43;
	v8 =	vld.idx.msk [tilespmem:v9+s13+$0x0], $0xffff  }
0x172: {  	v9 =	vmin.u32 v44, $0x7F;
	_ =	sdelay $0x3  }
0x173: {  	v47 =	vld [tilespmem:$0x6D0];
	vm12 =	vgt.s32 v45, $0x0;
	[tilespmem:$0x1420] =	vst v8  }
0x174: {  	v46 =	vnsel vm12, $0x0, v45;
	v8 =	vld.idx.msk [tilespmem:v9+s13+$0x0], $0xffff  }
0x175: {  	v9 =	vmin.u32 v46, $0x7F;
	_ =	sdelay $0x3  }
0x176: {  	v49 =	vld [tilespmem:$0x6E0];
	vm13 =	vgt.s32 v47, $0x0;
	[tilespmem:$0x1430] =	vst v8  }
0x177: {  	v48 =	vnsel vm13, $0x0, v47;
	v8 =	vld.idx.msk [tilespmem:v9+s13+$0x0], $0xffff  }
0x178: {  	v9 =	vmin.u32 v48, $0x7F;
	_ =	sdelay $0x3  }
0x179: {  	v51 =	vld [tilespmem:$0x6F0];
	vm14 =	vgt.s32 v49, $0x0;
	[tilespmem:$0x1440] =	vst v8  }
0x17a: {  	v50 =	vnsel vm14, $0x0, v49;
	v8 =	vld.idx.msk [tilespmem:v9+s13+$0x0], $0xffff  }
0x17b: {  	v9 =	vmin.u32 v50, $0x7F;
	_ =	sdelay $0x3  }
0x17c: {  	v53 =	vld [tilespmem:$0x700];
	vm15 =	vgt.s32 v51, $0x0;
	[tilespmem:$0x1450] =	vst v8  }
0x17d: {  	v52 =	vnsel vm15, $0x0, v51;
	v8 =	vld.idx.msk [tilespmem:v9+s13+$0x0], $0xffff  }
0x17e: {  	v9 =	vmin.u32 v52, $0x7F;
	_ =	sdelay $0x3  }
0x17f: {  	v55 =	vld [tilespmem:$0x710];
	vm4 =	vgt.s32 v53, $0x0;
	[tilespmem:$0x1460] =	vst v8  }
0x180: {  	v54 =	vnsel vm4, $0x0, v53;
	v8 =	vld.idx.msk [tilespmem:v9+s13+$0x0], $0xffff  }
0x181: {  	v9 =	vmin.u32 v54, $0x7F;
	_ =	sdelay $0x3  }
0x182: {  	v57 =	vld [tilespmem:$0x720];
	vm5 =	vgt.s32 v55, $0x0;
	[tilespmem:$0x1470] =	vst v8  }
0x183: {  	v56 =	vnsel vm5, $0x0, v55;
	v8 =	vld.idx.msk [tilespmem:v9+s13+$0x0], $0xffff  }
0x184: {  	v9 =	vmin.u32 v56, $0x7F;
	_ =	sdelay $0x3  }
0x185: {  	v59 =	vld [tilespmem:$0x730];
	vm6 =	vgt.s32 v57, $0x0;
	[tilespmem:$0x1480] =	vst v8  }
0x186: {  	v58 =	vnsel vm6, $0x0, v57;
	v8 =	vld.idx.msk [tilespmem:v9+s13+$0x0], $0xffff  }
0x187: {  	v9 =	vmin.u32 v58, $0x7F;
	_ =	sdelay $0x3  }
0x188: {  	v61 =	vld [tilespmem:$0x740];
	vm7 =	vgt.s32 v59, $0x0;
	[tilespmem:$0x1490] =	vst v8  }
0x189: {  	v60 =	vnsel vm7, $0x0, v59;
	v8 =	vld.idx.msk [tilespmem:v9+s13+$0x0], $0xffff  }
0x18a: {  	v9 =	vmin.u32 v60, $0x7F;
	_ =	sdelay $0x3  }
0x18b: {  	v63 =	vld [tilespmem:$0x750];
	vm8 =	vgt.s32 v61, $0x0;
	[tilespmem:$0x14A0] =	vst v8  }
0x18c: {  	v62 =	vnsel vm8, $0x0, v61;
	v8 =	vld.idx.msk [tilespmem:v9+s13+$0x0], $0xffff  }
0x18d: {  	v9 =	vmin.u32 v62, $0x7F;
	_ =	sdelay $0x3  }
0x18e: {  	v13 =	vld [tilespmem:$0x760];
	vm9 =	vgt.s32 v63, $0x0;
	[tilespmem:$0x14B0] =	vst v8  }
0x18f: {  	v12 =	vnsel vm9, $0x0, v63;
	v8 =	vld.idx.msk [tilespmem:v9+s13+$0x0], $0xffff  }
0x190: {  	v9 =	vmin.u32 v12, $0x7F;
	_ =	sdelay $0x3  }
0x191: {  	v15 =	vld [tilespmem:$0x770];
	vm10 =	vgt.s32 v13, $0x0;
	[tilespmem:$0x14C0] =	vst v8  }
0x192: {  	v14 =	vnsel vm10, $0x0, v13;
	v8 =	vld.idx.msk [tilespmem:v9+s13+$0x0], $0xffff  }
0x193: {  	v9 =	vmin.u32 v14, $0x7F;
	_ =	sdelay $0x3  }
0x194: {  	v17 =	vld [tilespmem:$0x780];
	vm11 =	vgt.s32 v15, $0x0;
	[tilespmem:$0x14D0] =	vst v8  }
0x195: {  	v16 =	vnsel vm11, $0x0, v15;
	v8 =	vld.idx.msk [tilespmem:v9+s13+$0x0], $0xffff  }
0x196: {  	v9 =	vmin.u32 v16, $0x7F;
	_ =	sdelay $0x3  }
0x197: {  	v19 =	vld [tilespmem:$0x790];
	vm12 =	vgt.s32 v17, $0x0;
	[tilespmem:$0x14E0] =	vst v8  }
0x198: {  	v18 =	vnsel vm12, $0x0, v17;
	v8 =	vld.idx.msk [tilespmem:v9+s13+$0x0], $0xffff  }
0x199: {  	v9 =	vmin.u32 v18, $0x7F;
	_ =	sdelay $0x3  }
0x19a: {  	v21 =	vld [tilespmem:$0x7A0];
	vm13 =	vgt.s32 v19, $0x0;
	[tilespmem:$0x14F0] =	vst v8  }
0x19b: {  	v20 =	vnsel vm13, $0x0, v19;
	v8 =	vld.idx.msk [tilespmem:v9+s13+$0x0], $0xffff  }
0x19c: {  	v9 =	vmin.u32 v20, $0x7F;
	_ =	sdelay $0x3  }
0x19d: {  	v23 =	vld [tilespmem:$0x7B0];
	vm14 =	vgt.s32 v21, $0x0;
	[tilespmem:$0x1500] =	vst v8  }
0x19e: {  	v22 =	vnsel vm14, $0x0, v21;
	v8 =	vld.idx.msk [tilespmem:v9+s13+$0x0], $0xffff  }
0x19f: {  	v9 =	vmin.u32 v22, $0x7F;
	_ =	sdelay $0x3  }
0x1a0: {  	v25 =	vld [tilespmem:$0x7C0];
	vm15 =	vgt.s32 v23, $0x0;
	[tilespmem:$0x1510] =	vst v8  }
0x1a1: {  	v24 =	vnsel vm15, $0x0, v23;
	v8 =	vld.idx.msk [tilespmem:v9+s13+$0x0], $0xffff  }
0x1a2: {  	v9 =	vmin.u32 v24, $0x7F;
	_ =	sdelay $0x3  }
0x1a3: {  	v27 =	vld [tilespmem:$0x7D0];
	vm4 =	vgt.s32 v25, $0x0;
	[tilespmem:$0x1520] =	vst v8  }
0x1a4: {  	v26 =	vnsel vm4, $0x0, v25;
	v8 =	vld.idx.msk [tilespmem:v9+s13+$0x0], $0xffff  }
0x1a5: {  	v9 =	vmin.u32 v26, $0x7F;
	_ =	sdelay $0x3  }
0x1a6: {  	v29 =	vld [tilespmem:$0x7E0];
	vm5 =	vgt.s32 v27, $0x0;
	[tilespmem:$0x1530] =	vst v8  }
0x1a7: {  	v28 =	vnsel vm5, $0x0, v27;
	v8 =	vld.idx.msk [tilespmem:v9+s13+$0x0], $0xffff  }
0x1a8: {  	v9 =	vmin.u32 v28, $0x7F;
	_ =	sdelay $0x3  }
0x1a9: {  	v31 =	vld [tilespmem:$0x7F0];
	vm6 =	vgt.s32 v29, $0x0;
	[tilespmem:$0x1540] =	vst v8  }
0x1aa: {  	v30 =	vnsel vm6, $0x0, v29;
	v8 =	vld.idx.msk [tilespmem:v9+s13+$0x0], $0xffff  }
0x1ab: {  	v9 =	vmin.u32 v30, $0x7F;
	_ =	sdelay $0x3  }
0x1ac: {  	v33 =	vld [tilespmem:$0x800];
	vm7 =	vgt.s32 v31, $0x0;
	[tilespmem:$0x1550] =	vst v8  }
0x1ad: {  	v32 =	vnsel vm7, $0x0, v31;
	v8 =	vld.idx.msk [tilespmem:v9+s13+$0x0], $0xffff  }
0x1ae: {  	v9 =	vmin.u32 v32, $0x7F;
	_ =	sdelay $0x3  }
0x1af: {  	v35 =	vld [tilespmem:$0x810];
	vm8 =	vgt.s32 v33, $0x0;
	[tilespmem:$0x1560] =	vst v8  }
0x1b0: {  	v34 =	vnsel vm8, $0x0, v33;
	v8 =	vld.idx.msk [tilespmem:v9+s13+$0x0], $0xffff  }
0x1b1: {  	v9 =	vmin.u32 v34, $0x7F;
	_ =	sdelay $0x3  }
0x1b2: {  	v37 =	vld [tilespmem:$0x820];
	vm9 =	vgt.s32 v35, $0x0;
	[tilespmem:$0x1570] =	vst v8  }
0x1b3: {  	v36 =	vnsel vm9, $0x0, v35;
	v8 =	vld.idx.msk [tilespmem:v9+s13+$0x0], $0xffff  }
0x1b4: {  	v9 =	vmin.u32 v36, $0x7F;
	_ =	sdelay $0x3  }
0x1b5: {  	v39 =	vld [tilespmem:$0x830];
	vm10 =	vgt.s32 v37, $0x0;
	[tilespmem:$0x1580] =	vst v8  }
0x1b6: {  	v38 =	vnsel vm10, $0x0, v37;
	v8 =	vld.idx.msk [tilespmem:v9+s13+$0x0], $0xffff  }
0x1b7: {  	v9 =	vmin.u32 v38, $0x7F;
	_ =	sdelay $0x3  }
0x1b8: {  	v41 =	vld [tilespmem:$0x840];
	vm11 =	vgt.s32 v39, $0x0;
	[tilespmem:$0x1590] =	vst v8  }
0x1b9: {  	v40 =	vnsel vm11, $0x0, v39;
	v8 =	vld.idx.msk [tilespmem:v9+s13+$0x0], $0xffff  }
0x1ba: {  	v9 =	vmin.u32 v40, $0x7F;
	_ =	sdelay $0x3  }
0x1bb: {  	v43 =	vld [tilespmem:$0x850];
	vm12 =	vgt.s32 v41, $0x0;
	[tilespmem:$0x15A0] =	vst v8  }
0x1bc: {  	v42 =	vnsel vm12, $0x0, v41;
	v8 =	vld.idx.msk [tilespmem:v9+s13+$0x0], $0xffff  }
0x1bd: {  	v9 =	vmin.u32 v42, $0x7F;
	_ =	sdelay $0x3  }
0x1be: {  	v45 =	vld [tilespmem:$0x860];
	vm13 =	vgt.s32 v43, $0x0;
	[tilespmem:$0x15B0] =	vst v8  }
0x1bf: {  	v44 =	vnsel vm13, $0x0, v43;
	v8 =	vld.idx.msk [tilespmem:v9+s13+$0x0], $0xffff  }
0x1c0: {  	v9 =	vmin.u32 v44, $0x7F;
	_ =	sdelay $0x3  }
0x1c1: {  	v47 =	vld [tilespmem:$0x870];
	vm14 =	vgt.s32 v45, $0x0;
	[tilespmem:$0x15C0] =	vst v8  }
0x1c2: {  	v46 =	vnsel vm14, $0x0, v45;
	v8 =	vld.idx.msk [tilespmem:v9+s13+$0x0], $0xffff  }
0x1c3: {  	v9 =	vmin.u32 v46, $0x7F;
	_ =	sdelay $0x3  }
0x1c4: {  	v49 =	vld [tilespmem:$0x880];
	vm15 =	vgt.s32 v47, $0x0;
	[tilespmem:$0x15D0] =	vst v8  }
0x1c5: {  	v48 =	vnsel vm15, $0x0, v47;
	v8 =	vld.idx.msk [tilespmem:v9+s13+$0x0], $0xffff  }
0x1c6: {  	v9 =	vmin.u32 v48, $0x7F;
	_ =	sdelay $0x3  }
0x1c7: {  	v51 =	vld [tilespmem:$0x890];
	vm4 =	vgt.s32 v49, $0x0;
	[tilespmem:$0x15E0] =	vst v8  }
0x1c8: {  	v50 =	vnsel vm4, $0x0, v49;
	v8 =	vld.idx.msk [tilespmem:v9+s13+$0x0], $0xffff  }
0x1c9: {  	v9 =	vmin.u32 v50, $0x7F;
	_ =	sdelay $0x3  }
0x1ca: {  	v53 =	vld [tilespmem:$0x8A0];
	vm5 =	vgt.s32 v51, $0x0;
	[tilespmem:$0x15F0] =	vst v8  }
0x1cb: {  	v52 =	vnsel vm5, $0x0, v51;
	v8 =	vld.idx.msk [tilespmem:v9+s13+$0x0], $0xffff  }
0x1cc: {  	v9 =	vmin.u32 v52, $0x7F;
	_ =	sdelay $0x3  }
0x1cd: {  	v55 =	vld [tilespmem:$0x8B0];
	vm6 =	vgt.s32 v53, $0x0;
	[tilespmem:$0x1600] =	vst v8  }
0x1ce: {  	v54 =	vnsel vm6, $0x0, v53;
	v8 =	vld.idx.msk [tilespmem:v9+s13+$0x0], $0xffff  }
0x1cf: {  	v9 =	vmin.u32 v54, $0x7F;
	_ =	sdelay $0x3  }
0x1d0: {  	v57 =	vld [tilespmem:$0x8C0];
	vm7 =	vgt.s32 v55, $0x0;
	[tilespmem:$0x1610] =	vst v8  }
0x1d1: {  	v56 =	vnsel vm7, $0x0, v55;
	v8 =	vld.idx.msk [tilespmem:v9+s13+$0x0], $0xffff  }
0x1d2: {  	v9 =	vmin.u32 v56, $0x7F;
	_ =	sdelay $0x3  }
0x1d3: {  	v59 =	vld [tilespmem:$0x8D0];
	vm8 =	vgt.s32 v57, $0x0;
	[tilespmem:$0x1620] =	vst v8  }
0x1d4: {  	v58 =	vnsel vm8, $0x0, v57;
	v8 =	vld.idx.msk [tilespmem:v9+s13+$0x0], $0xffff  }
0x1d5: {  	v9 =	vmin.u32 v58, $0x7F;
	_ =	sdelay $0x3  }
0x1d6: {  	v61 =	vld [tilespmem:$0x8E0];
	vm9 =	vgt.s32 v59, $0x0;
	[tilespmem:$0x1630] =	vst v8  }
0x1d7: {  	v60 =	vnsel vm9, $0x0, v59;
	v8 =	vld.idx.msk [tilespmem:v9+s13+$0x0], $0xffff  }
0x1d8: {  	v9 =	vmin.u32 v60, $0x7F;
	_ =	sdelay $0x3  }
0x1d9: {  	v63 =	vld [tilespmem:$0x8F0];
	vm10 =	vgt.s32 v61, $0x0;
	[tilespmem:$0x1640] =	vst v8  }
0x1da: {  	v62 =	vnsel vm10, $0x0, v61;
	v8 =	vld.idx.msk [tilespmem:v9+s13+$0x0], $0xffff  }
0x1db: {  	v9 =	vmin.u32 v62, $0x7F;
	_ =	sdelay $0x3  }
0x1dc: {  	v13 =	vld [tilespmem:$0x900];
	vm11 =	vgt.s32 v63, $0x0;
	[tilespmem:$0x1650] =	vst v8  }
0x1dd: {  	v12 =	vnsel vm11, $0x0, v63;
	v8 =	vld.idx.msk [tilespmem:v9+s13+$0x0], $0xffff  }
0x1de: {  	v9 =	vmin.u32 v12, $0x7F;
	_ =	sdelay $0x3  }
0x1df: {  	v15 =	vld [tilespmem:$0x910];
	vm12 =	vgt.s32 v13, $0x0;
	[tilespmem:$0x1660] =	vst v8  }
0x1e0: {  	v14 =	vnsel vm12, $0x0, v13;
	v8 =	vld.idx.msk [tilespmem:v9+s13+$0x0], $0xffff  }
0x1e1: {  	v9 =	vmin.u32 v14, $0x7F;
	_ =	sdelay $0x3  }
0x1e2: {  	v17 =	vld [tilespmem:$0x920];
	vm13 =	vgt.s32 v15, $0x0;
	[tilespmem:$0x1670] =	vst v8  }
0x1e3: {  	v16 =	vnsel vm13, $0x0, v15;
	v8 =	vld.idx.msk [tilespmem:v9+s13+$0x0], $0xffff  }
0x1e4: {  	v9 =	vmin.u32 v16, $0x7F;
	_ =	sdelay $0x3  }
0x1e5: {  	v19 =	vld [tilespmem:$0x930];
	vm14 =	vgt.s32 v17, $0x0;
	[tilespmem:$0x1680] =	vst v8  }
0x1e6: {  	v18 =	vnsel vm14, $0x0, v17;
	v8 =	vld.idx.msk [tilespmem:v9+s13+$0x0], $0xffff  }
0x1e7: {  	v9 =	vmin.u32 v18, $0x7F;
	_ =	sdelay $0x3  }
0x1e8: {  	v21 =	vld [tilespmem:$0x940];
	vm15 =	vgt.s32 v19, $0x0;
	[tilespmem:$0x1690] =	vst v8  }
0x1e9: {  	v20 =	vnsel vm15, $0x0, v19;
	v8 =	vld.idx.msk [tilespmem:v9+s13+$0x0], $0xffff  }
0x1ea: {  	v9 =	vmin.u32 v20, $0x7F;
	_ =	sdelay $0x3  }
0x1eb: {  	v23 =	vld [tilespmem:$0x950];
	vm4 =	vgt.s32 v21, $0x0;
	[tilespmem:$0x16A0] =	vst v8  }
0x1ec: {  	v22 =	vnsel vm4, $0x0, v21;
	v8 =	vld.idx.msk [tilespmem:v9+s13+$0x0], $0xffff  }
0x1ed: {  	v9 =	vmin.u32 v22, $0x7F;
	_ =	sdelay $0x3  }
0x1ee: {  	v25 =	vld [tilespmem:$0x960];
	vm5 =	vgt.s32 v23, $0x0;
	[tilespmem:$0x16B0] =	vst v8  }
0x1ef: {  	v24 =	vnsel vm5, $0x0, v23;
	v8 =	vld.idx.msk [tilespmem:v9+s13+$0x0], $0xffff  }
0x1f0: {  	v9 =	vmin.u32 v24, $0x7F;
	_ =	sdelay $0x3  }
0x1f1: {  	v27 =	vld [tilespmem:$0x970];
	vm6 =	vgt.s32 v25, $0x0;
	[tilespmem:$0x16C0] =	vst v8  }
0x1f2: {  	v26 =	vnsel vm6, $0x0, v25;
	v8 =	vld.idx.msk [tilespmem:v9+s13+$0x0], $0xffff  }
0x1f3: {  	v9 =	vmin.u32 v26, $0x7F;
	_ =	sdelay $0x3  }
0x1f4: {  	v29 =	vld [tilespmem:$0x980];
	vm7 =	vgt.s32 v27, $0x0;
	[tilespmem:$0x16D0] =	vst v8  }
0x1f5: {  	v28 =	vnsel vm7, $0x0, v27;
	v8 =	vld.idx.msk [tilespmem:v9+s13+$0x0], $0xffff  }
0x1f6: {  	v9 =	vmin.u32 v28, $0x7F;
	_ =	sdelay $0x3  }
0x1f7: {  	v31 =	vld [tilespmem:$0x990];
	vm8 =	vgt.s32 v29, $0x0;
	[tilespmem:$0x16E0] =	vst v8  }
0x1f8: {  	v30 =	vnsel vm8, $0x0, v29;
	v8 =	vld.idx.msk [tilespmem:v9+s13+$0x0], $0xffff  }
0x1f9: {  	v9 =	vmin.u32 v30, $0x7F;
	_ =	sdelay $0x3  }
0x1fa: {  	v33 =	vld [tilespmem:$0x9A0];
	vm9 =	vgt.s32 v31, $0x0;
	[tilespmem:$0x16F0] =	vst v8  }
0x1fb: {  	v32 =	vnsel vm9, $0x0, v31;
	v8 =	vld.idx.msk [tilespmem:v9+s13+$0x0], $0xffff  }
0x1fc: {  	v9 =	vmin.u32 v32, $0x7F;
	_ =	sdelay $0x3  }
0x1fd: {  	v35 =	vld [tilespmem:$0x9B0];
	vm10 =	vgt.s32 v33, $0x0;
	[tilespmem:$0x1700] =	vst v8  }
0x1fe: {  	v34 =	vnsel vm10, $0x0, v33;
	v8 =	vld.idx.msk [tilespmem:v9+s13+$0x0], $0xffff  }
0x1ff: {  	v9 =	vmin.u32 v34, $0x7F;
	_ =	sdelay $0x3  }
0x200: {  	v37 =	vld [tilespmem:$0x9C0];
	vm11 =	vgt.s32 v35, $0x0;
	[tilespmem:$0x1710] =	vst v8  }
0x201: {  	v36 =	vnsel vm11, $0x0, v35;
	v8 =	vld.idx.msk [tilespmem:v9+s13+$0x0], $0xffff  }
0x202: {  	v9 =	vmin.u32 v36, $0x7F;
	_ =	sdelay $0x3  }
0x203: {  	v39 =	vld [tilespmem:$0x9D0];
	vm12 =	vgt.s32 v37, $0x0;
	[tilespmem:$0x1720] =	vst v8  }
0x204: {  	v38 =	vnsel vm12, $0x0, v37;
	v8 =	vld.idx.msk [tilespmem:v9+s13+$0x0], $0xffff  }
0x205: {  	v9 =	vmin.u32 v38, $0x7F;
	_ =	sdelay $0x3  }
0x206: {  	v41 =	vld [tilespmem:$0x9E0];
	vm13 =	vgt.s32 v39, $0x0;
	[tilespmem:$0x1730] =	vst v8  }
0x207: {  	v40 =	vnsel vm13, $0x0, v39;
	v8 =	vld.idx.msk [tilespmem:v9+s13+$0x0], $0xffff  }
0x208: {  	v9 =	vmin.u32 v40, $0x7F;
	_ =	sdelay $0x3  }
0x209: {  	v43 =	vld [tilespmem:$0x9F0];
	vm14 =	vgt.s32 v41, $0x0;
	[tilespmem:$0x1740] =	vst v8  }
0x20a: {  	v42 =	vnsel vm14, $0x0, v41;
	v8 =	vld.idx.msk [tilespmem:v9+s13+$0x0], $0xffff  }
0x20b: {  	v9 =	vmin.u32 v42, $0x7F;
	_ =	sdelay $0x3  }
0x20c: {  	v45 =	vld [tilespmem:$0xA00];
	vm15 =	vgt.s32 v43, $0x0;
	[tilespmem:$0x1750] =	vst v8  }
0x20d: {  	v44 =	vnsel vm15, $0x0, v43;
	v8 =	vld.idx.msk [tilespmem:v9+s13+$0x0], $0xffff  }
0x20e: {  	v9 =	vmin.u32 v44, $0x7F;
	_ =	sdelay $0x3  }
0x20f: {  	v47 =	vld [tilespmem:$0xA10];
	vm4 =	vgt.s32 v45, $0x0;
	[tilespmem:$0x1760] =	vst v8  }
0x210: {  	v46 =	vnsel vm4, $0x0, v45;
	v8 =	vld.idx.msk [tilespmem:v9+s13+$0x0], $0xffff  }
0x211: {  	v9 =	vmin.u32 v46, $0x7F;
	_ =	sdelay $0x3  }
0x212: {  	v49 =	vld [tilespmem:$0xA20];
	vm5 =	vgt.s32 v47, $0x0;
	[tilespmem:$0x1770] =	vst v8  }
0x213: {  	v48 =	vnsel vm5, $0x0, v47;
	v8 =	vld.idx.msk [tilespmem:v9+s13+$0x0], $0xffff  }
0x214: {  	v9 =	vmin.u32 v48, $0x7F;
	_ =	sdelay $0x3  }
0x215: {  	v51 =	vld [tilespmem:$0xA30];
	vm6 =	vgt.s32 v49, $0x0;
	[tilespmem:$0x1780] =	vst v8  }
0x216: {  	v50 =	vnsel vm6, $0x0, v49;
	v8 =	vld.idx.msk [tilespmem:v9+s13+$0x0], $0xffff  }
0x217: {  	v9 =	vmin.u32 v50, $0x7F;
	_ =	sdelay $0x3  }
0x218: {  	v53 =	vld [tilespmem:$0xA40];
	vm7 =	vgt.s32 v51, $0x0;
	[tilespmem:$0x1790] =	vst v8  }
0x219: {  	v52 =	vnsel vm7, $0x0, v51;
	v8 =	vld.idx.msk [tilespmem:v9+s13+$0x0], $0xffff  }
0x21a: {  	v9 =	vmin.u32 v52, $0x7F;
	_ =	sdelay $0x3  }
0x21b: {  	v55 =	vld [tilespmem:$0xA50];
	vm8 =	vgt.s32 v53, $0x0;
	[tilespmem:$0x17A0] =	vst v8  }
0x21c: {  	v54 =	vnsel vm8, $0x0, v53;
	v8 =	vld.idx.msk [tilespmem:v9+s13+$0x0], $0xffff  }
0x21d: {  	v9 =	vmin.u32 v54, $0x7F;
	_ =	sdelay $0x3  }
0x21e: {  	v57 =	vld [tilespmem:$0xA60];
	vm9 =	vgt.s32 v55, $0x0;
	[tilespmem:$0x17B0] =	vst v8  }
0x21f: {  	v56 =	vnsel vm9, $0x0, v55;
	v8 =	vld.idx.msk [tilespmem:v9+s13+$0x0], $0xffff  }
0x220: {  	v9 =	vmin.u32 v56, $0x7F;
	_ =	sdelay $0x3  }
0x221: {  	v59 =	vld [tilespmem:$0xA70];
	vm10 =	vgt.s32 v57, $0x0;
	[tilespmem:$0x17C0] =	vst v8  }
0x222: {  	v58 =	vnsel vm10, $0x0, v57;
	v8 =	vld.idx.msk [tilespmem:v9+s13+$0x0], $0xffff  }
0x223: {  	v9 =	vmin.u32 v58, $0x7F;
	_ =	sdelay $0x3  }
0x224: {  	v61 =	vld [tilespmem:$0xA80];
	vm11 =	vgt.s32 v59, $0x0;
	[tilespmem:$0x17D0] =	vst v8  }
0x225: {  	v60 =	vnsel vm11, $0x0, v59;
	v8 =	vld.idx.msk [tilespmem:v9+s13+$0x0], $0xffff  }
0x226: {  	v9 =	vmin.u32 v60, $0x7F;
	_ =	sdelay $0x3  }
0x227: {  	v63 =	vld [tilespmem:$0xA90];
	vm12 =	vgt.s32 v61, $0x0;
	[tilespmem:$0x17E0] =	vst v8  }
0x228: {  	v62 =	vnsel vm12, $0x0, v61;
	v8 =	vld.idx.msk [tilespmem:v9+s13+$0x0], $0xffff  }
0x229: {  	v9 =	vmin.u32 v62, $0x7F;
	_ =	sdelay $0x3  }
0x22a: {  	v13 =	vld [tilespmem:$0xAA0];
	vm13 =	vgt.s32 v63, $0x0;
	[tilespmem:$0x17F0] =	vst v8  }
0x22b: {  	v12 =	vnsel vm13, $0x0, v63;
	v8 =	vld.idx.msk [tilespmem:v9+s13+$0x0], $0xffff  }
0x22c: {  	v9 =	vmin.u32 v12, $0x7F;
	_ =	sdelay $0x3  }
0x22d: {  	v15 =	vld [tilespmem:$0xAB0];
	vm14 =	vgt.s32 v13, $0x0;
	[tilespmem:$0x1800] =	vst v8  }
0x22e: {  	v14 =	vnsel vm14, $0x0, v13;
	v8 =	vld.idx.msk [tilespmem:v9+s13+$0x0], $0xffff  }
0x22f: {  	v9 =	vmin.u32 v14, $0x7F;
	_ =	sdelay $0x3  }
0x230: {  	v17 =	vld [tilespmem:$0xAC0];
	vm15 =	vgt.s32 v15, $0x0;
	[tilespmem:$0x1810] =	vst v8  }
0x231: {  	v16 =	vnsel vm15, $0x0, v15;
	v8 =	vld.idx.msk [tilespmem:v9+s13+$0x0], $0xffff  }
0x232: {  	v9 =	vmin.u32 v16, $0x7F;
	_ =	sdelay $0x3  }
0x233: {  	v19 =	vld [tilespmem:$0xAD0];
	vm4 =	vgt.s32 v17, $0x0;
	[tilespmem:$0x1820] =	vst v8  }
0x234: {  	v18 =	vnsel vm4, $0x0, v17;
	v8 =	vld.idx.msk [tilespmem:v9+s13+$0x0], $0xffff  }
0x235: {  	v9 =	vmin.u32 v18, $0x7F;
	_ =	sdelay $0x3  }
0x236: {  	v21 =	vld [tilespmem:$0xAE0];
	vm5 =	vgt.s32 v19, $0x0;
	[tilespmem:$0x1830] =	vst v8  }
0x237: {  	v20 =	vnsel vm5, $0x0, v19;
	v8 =	vld.idx.msk [tilespmem:v9+s13+$0x0], $0xffff  }
0x238: {  	v9 =	vmin.u32 v20, $0x7F;
	_ =	sdelay $0x3  }
0x239: {  	v23 =	vld [tilespmem:$0xAF0];
	vm6 =	vgt.s32 v21, $0x0;
	[tilespmem:$0x1840] =	vst v8  }
0x23a: {  	v22 =	vnsel vm6, $0x0, v21;
	v8 =	vld.idx.msk [tilespmem:v9+s13+$0x0], $0xffff  }
0x23b: {  	v9 =	vmin.u32 v22, $0x7F;
	_ =	sdelay $0x3  }
0x23c: {  	v25 =	vld [tilespmem:$0xB00];
	vm7 =	vgt.s32 v23, $0x0;
	[tilespmem:$0x1850] =	vst v8  }
0x23d: {  	v24 =	vnsel vm7, $0x0, v23;
	v8 =	vld.idx.msk [tilespmem:v9+s13+$0x0], $0xffff  }
0x23e: {  	v9 =	vmin.u32 v24, $0x7F;
	_ =	sdelay $0x3  }
0x23f: {  	v27 =	vld [tilespmem:$0xB10];
	vm8 =	vgt.s32 v25, $0x0;
	[tilespmem:$0x1860] =	vst v8  }
0x240: {  	v26 =	vnsel vm8, $0x0, v25;
	v8 =	vld.idx.msk [tilespmem:v9+s13+$0x0], $0xffff  }
0x241: {  	v9 =	vmin.u32 v26, $0x7F;
	_ =	sdelay $0x3  }
0x242: {  	v29 =	vld [tilespmem:$0xB20];
	vm9 =	vgt.s32 v27, $0x0;
	[tilespmem:$0x1870] =	vst v8  }
0x243: {  	v28 =	vnsel vm9, $0x0, v27;
	v8 =	vld.idx.msk [tilespmem:v9+s13+$0x0], $0xffff  }
0x244: {  	v9 =	vmin.u32 v28, $0x7F;
	_ =	sdelay $0x3  }
0x245: {  	v31 =	vld [tilespmem:$0xB30];
	vm10 =	vgt.s32 v29, $0x0;
	[tilespmem:$0x1880] =	vst v8  }
0x246: {  	v30 =	vnsel vm10, $0x0, v29;
	v8 =	vld.idx.msk [tilespmem:v9+s13+$0x0], $0xffff  }
0x247: {  	v9 =	vmin.u32 v30, $0x7F;
	_ =	sdelay $0x3  }
0x248: {  	v33 =	vld [tilespmem:$0xB40];
	vm11 =	vgt.s32 v31, $0x0;
	[tilespmem:$0x1890] =	vst v8  }
0x249: {  	v32 =	vnsel vm11, $0x0, v31;
	v8 =	vld.idx.msk [tilespmem:v9+s13+$0x0], $0xffff  }
0x24a: {  	v9 =	vmin.u32 v32, $0x7F;
	_ =	sdelay $0x3  }
0x24b: {  	v35 =	vld [tilespmem:$0xB50];
	vm12 =	vgt.s32 v33, $0x0;
	[tilespmem:$0x18A0] =	vst v8  }
0x24c: {  	v34 =	vnsel vm12, $0x0, v33;
	v8 =	vld.idx.msk [tilespmem:v9+s13+$0x0], $0xffff  }
0x24d: {  	v9 =	vmin.u32 v34, $0x7F;
	_ =	sdelay $0x3  }
0x24e: {  	v37 =	vld [tilespmem:$0xB60];
	vm13 =	vgt.s32 v35, $0x0;
	[tilespmem:$0x18B0] =	vst v8  }
0x24f: {  	v36 =	vnsel vm13, $0x0, v35;
	v8 =	vld.idx.msk [tilespmem:v9+s13+$0x0], $0xffff  }
0x250: {  	v9 =	vmin.u32 v36, $0x7F;
	_ =	sdelay $0x3  }
0x251: {  	v39 =	vld [tilespmem:$0xB70];
	vm14 =	vgt.s32 v37, $0x0;
	[tilespmem:$0x18C0] =	vst v8  }
0x252: {  	v38 =	vnsel vm14, $0x0, v37;
	v8 =	vld.idx.msk [tilespmem:v9+s13+$0x0], $0xffff  }
0x253: {  	v9 =	vmin.u32 v38, $0x7F;
	_ =	sdelay $0x3  }
0x254: {  	v41 =	vld [tilespmem:$0xB80];
	vm15 =	vgt.s32 v39, $0x0;
	[tilespmem:$0x18D0] =	vst v8  }
0x255: {  	v40 =	vnsel vm15, $0x0, v39;
	v8 =	vld.idx.msk [tilespmem:v9+s13+$0x0], $0xffff  }
0x256: {  	v9 =	vmin.u32 v40, $0x7F;
	_ =	sdelay $0x3  }
0x257: {  	v43 =	vld [tilespmem:$0xB90];
	vm4 =	vgt.s32 v41, $0x0;
	[tilespmem:$0x18E0] =	vst v8  }
0x258: {  	v42 =	vnsel vm4, $0x0, v41;
	v8 =	vld.idx.msk [tilespmem:v9+s13+$0x0], $0xffff  }
0x259: {  	v9 =	vmin.u32 v42, $0x7F;
	_ =	sdelay $0x3  }
0x25a: {  	v45 =	vld [tilespmem:$0xBA0];
	vm5 =	vgt.s32 v43, $0x0;
	[tilespmem:$0x18F0] =	vst v8  }
0x25b: {  	v44 =	vnsel vm5, $0x0, v43;
	v8 =	vld.idx.msk [tilespmem:v9+s13+$0x0], $0xffff  }
0x25c: {  	v9 =	vmin.u32 v44, $0x7F;
	_ =	sdelay $0x3  }
0x25d: {  	v47 =	vld [tilespmem:$0xBB0];
	vm6 =	vgt.s32 v45, $0x0;
	[tilespmem:$0x1900] =	vst v8  }
0x25e: {  	v46 =	vnsel vm6, $0x0, v45;
	v8 =	vld.idx.msk [tilespmem:v9+s13+$0x0], $0xffff  }
0x25f: {  	v9 =	vmin.u32 v46, $0x7F;
	_ =	sdelay $0x3  }
0x260: {  	v49 =	vld [tilespmem:$0xBC0];
	vm7 =	vgt.s32 v47, $0x0;
	[tilespmem:$0x1910] =	vst v8  }
0x261: {  	v48 =	vnsel vm7, $0x0, v47;
	v8 =	vld.idx.msk [tilespmem:v9+s13+$0x0], $0xffff  }
0x262: {  	v9 =	vmin.u32 v48, $0x7F;
	_ =	sdelay $0x3  }
0x263: {  	v51 =	vld [tilespmem:$0xBD0];
	vm8 =	vgt.s32 v49, $0x0;
	[tilespmem:$0x1920] =	vst v8  }
0x264: {  	v50 =	vnsel vm8, $0x0, v49;
	v8 =	vld.idx.msk [tilespmem:v9+s13+$0x0], $0xffff  }
0x265: {  	v9 =	vmin.u32 v50, $0x7F;
	_ =	sdelay $0x3  }
0x266: {  	v53 =	vld [tilespmem:$0xBE0];
	vm9 =	vgt.s32 v51, $0x0;
	[tilespmem:$0x1930] =	vst v8  }
0x267: {  	v52 =	vnsel vm9, $0x0, v51;
	v8 =	vld.idx.msk [tilespmem:v9+s13+$0x0], $0xffff  }
0x268: {  	v9 =	vmin.u32 v52, $0x7F;
	_ =	sdelay $0x3  }
0x269: {  	v55 =	vld [tilespmem:$0xBF0];
	vm10 =	vgt.s32 v53, $0x0;
	[tilespmem:$0x1940] =	vst v8  }
0x26a: {  	v54 =	vnsel vm10, $0x0, v53;
	v8 =	vld.idx.msk [tilespmem:v9+s13+$0x0], $0xffff  }
0x26b: {  	v9 =	vmin.u32 v54, $0x7F;
	_ =	sdelay $0x3  }
0x26c: {  	v57 =	vld [tilespmem:$0xC00];
	vm11 =	vgt.s32 v55, $0x0;
	[tilespmem:$0x1950] =	vst v8  }
0x26d: {  	v56 =	vnsel vm11, $0x0, v55;
	v8 =	vld.idx.msk [tilespmem:v9+s13+$0x0], $0xffff  }
0x26e: {  	v9 =	vmin.u32 v56, $0x7F;
	_ =	sdelay $0x3  }
0x26f: {  	v59 =	vld [tilespmem:$0xC10];
	vm12 =	vgt.s32 v57, $0x0;
	[tilespmem:$0x1960] =	vst v8  }
0x270: {  	v58 =	vnsel vm12, $0x0, v57;
	v8 =	vld.idx.msk [tilespmem:v9+s13+$0x0], $0xffff  }
0x271: {  	v9 =	vmin.u32 v58, $0x7F;
	_ =	sdelay $0x3  }
0x272: {  	v61 =	vld [tilespmem:$0xC20];
	vm13 =	vgt.s32 v59, $0x0;
	[tilespmem:$0x1970] =	vst v8  }
0x273: {  	v60 =	vnsel vm13, $0x0, v59;
	v8 =	vld.idx.msk [tilespmem:v9+s13+$0x0], $0xffff  }
0x274: {  	v9 =	vmin.u32 v60, $0x7F;
	_ =	sdelay $0x3  }
0x275: {  	v63 =	vld [tilespmem:$0xC30];
	vm14 =	vgt.s32 v61, $0x0;
	[tilespmem:$0x1980] =	vst v8  }
0x276: {  	v62 =	vnsel vm14, $0x0, v61;
	v8 =	vld.idx.msk [tilespmem:v9+s13+$0x0], $0xffff  }
0x277: {  	v9 =	vmin.u32 v62, $0x7F;
	_ =	sdelay $0x3  }
0x278: {  	vm15 =	vgt.s32 v63, $0x0;
	[tilespmem:$0x1990] =	vst v8  }
0x279: {  	v8 =	vnsel vm15, $0x0, v63;
	v9 =	vld.idx.msk [tilespmem:v9+s13+$0x0], $0xffff  }
0x27a: {  	v8 =	vmin.u32 v8, $0x7F;
	_ =	sdelay $0x3  }
0x27b: {  	[tilespmem:$0x19A0] =	vst v9  }
0x27c: {  	v8 =	vld.idx.msk [tilespmem:v8+s13+$0x0], $0xffff;
	_ =	sdelay $0x4  }
0x27d: {  	s16 =	simm.s32 @p0 $0xD80;
	[tilespmem:$0x19B0] =	vst v8  }
0x27e: {  	[hbm4b:s8+s15] =	stream.linear.scatter @p0 [tilespmem:s16], [sflag:$0x2], $0xAE0, $0x38;
	[tilespmem:$0x1A00] =	vst v63  }
0x27f: {  	s16 =	simm.s32 @p0 $0x2  }
0x280: {  	_ =	swait.ge @p0 [sflag:s16], $0xAE0  }
0x281: {  	[sflag:s16] =	ssyncset.done @p0 $0x0  }
0x282: {  	[sflag:s16] =	ssyncadd.s32 @p0 $0xFFFFF520  }
0x283: {  	[hbm4b:s9+s15] =	stream.linear.scatter @p0 [tilespmem:s15], [sflag:$0x2], $0xAE0, $0x38;
	[tilespmem:$0x1A00] =	vst v63  }
0x284: {  	_ =	swait.ge @p0 [sflag:s16], $0xAE0  }
0x285: {  	[sflag:s16] =	ssyncset.done @p0 $0x0  }
0x286: {  	s15 =	simm.s32 @!p0 $0xD80;
	[sflag:s16] =	ssyncadd.s32 @p0 $0xFFFFF520  }
0x287: {  	[hbm4b:s6+s14] =	stream.linear.scatter @!p0 [tilespmem:s15], [sflag:$0x2], $0xC40, $0x38;
	[tilespmem:$0x1A00] =	vst v63  }
0x288: {  	s15 =	simm.s32 @!p0 $0x2  }
0x289: {  	s10 =	sadd.s32 $0xFFFFFFFF, s10;
	_ =	swait.ge @!p0 [sflag:s15], $0xC40  }
0x28a: {  	p1 =	sne.s32 s10, $0x0;
	[sflag:s15] =	ssyncset.done @!p0 $0x0  }
.Ltmp0:
0x28b: {  	[sflag:s15] =	ssyncadd.s32 @!p0 $0xFFFFF3C0;
	(pc) =	sbr.rel @p1 .LBB2_1-.Ltmp0, $4  }
0x28c: {  	[hbm4b:s7+s14] =	stream.linear.scatter @!p0 [tilespmem:s14], [sflag:$0x2], $0xC40, $0x38;
	[tilespmem:$0x1A00] =	vst v63  }
0x28d: {  	_ =	swait.ge @!p0 [sflag:s15], $0xC40  }
0x28e: {  	[sflag:s15] =	ssyncset.done @!p0 $0x0  }
0x28f: {  	[sflag:s15] =	ssyncadd.s32 @!p0 $0xFFFFF3C0  }
0x290: {  	_ =	sfence.sel $0x180000  }
0x291: {  	[bflag:$0x0] =	sbarrier.arrive $0xFFFF  }
0x292: {  	p0 =	sne.s32 s0, $0x0;
	_ =	strace $0x90000047  }
0x293: {  	s0 =	sadd.s32 @!p0 $0x100000, s2;
	[bflag:$0x2] =	sbarrier.arrive $0xFFFF  }
0x294: {  	[sflag:s0] =	ssyncadd.tile.s32 @!p0 $0x1;
	_ =	shalt  }
.Lfunc_end2:
_tile_overlayer_lowered:
.L_overlay_start_2:
0x295: {  	(tag) =	ssettag $0x2  }
0x296: {  	s0 =	rddreg [dreg:$0x0];
	s2 =	stileid.u32  }
0x297: {  	s1 =	rddreg [dreg:$0x1];
	p0 =	sne.s32 s2, $0x0  }
0x298: {  	s3 =	rddreg [dreg:$0x2];
	[bflag:$0x3] =	sbarrier.arrive $0xFFFF;
	s2 =	simm.s32 @!p0 $0x1C02  }
0x299: {  	[timem:s3], [sflag:s2] =	dma.local @!p0 [hbm:s0], s1  }
0x29a: {  	s0 =	simm.s32 @!p0 $0x2  }
0x29b: {  	_ =	swait.ge @!p0 [sflag:s0], s1  }
0x29c: {  	s1 =	ssub.s32 @!p0 $0x0, s1;
	[sflag:s0] =	ssyncset.done @!p0 $0x0  }
0x29d: {  	[sflag:s0] =	ssyncadd.s32 @!p0 s1  }
0x29e: {  	[bflag:$0x3] =	sbarrier.arrive $0xFFFF  }
0x29f: {  	_ =	shalt  }

</sc_bundles>
